<compile_context>
chip_gen: v7x
topology: tpu7x:2x2x1
jax: 0.10.2.dev20260603
libtpu: 0.0.44.dev20260713+nightly
codegen_flags: <defaults>
</compile_context>

<pallas_src>
import jax
import jax.numpy as jnp
from jax.experimental import pallas as pl
from jax.experimental.pallas import tpu as pltpu

BIG_NEG = -1e30
_L = 512
_CPAD = 128


def _dp_kernel(sc_ref, lab_ref, kv_ref, gold_ref, t2_ref, tp_ref, out_ref, p_scr):
    n = sc_ref.shape[1]
    lane = jax.lax.broadcasted_iota(jnp.int32, (1, _CPAD), 1)
    p_scr[pl.ds(0, 1), :] = jnp.full((1, _CPAD), BIG_NEG, jnp.float32)

    def body(i, carry):
        z, gsum, prev_lab, ngold, nkeep, pcur = carry
        sci = sc_ref[:, pl.ds(i, 1), :][0, 0, 0]
        labi = lab_ref[:, pl.ds(i, 1), :][0, 0, 0]
        ki = kv_ref[:, pl.ds(i, 1), :][0, 0, 0]
        gi = gold_ref[:, pl.ds(i, 1), :][0, 0, 0]

        row = p_scr[pl.ds(ki, 1), :]
        tvec = t2_ref[pl.ds(labi, 1), :]
        v = row + tvec
        m = jnp.max(v)
        lse = m + jnp.log(jnp.sum(jnp.exp(v - m)))
        alpha = sci + jnp.logaddexp(jnp.float32(0.0), lse)
        z = jnp.logaddexp(z, alpha)

        kept = sci > jnp.float32(-1e29)
        upd = jnp.logaddexp(pcur, jnp.where(lane == labi, alpha, BIG_NEG))
        pnew = jnp.where(kept, upd, pcur)
        p_scr[pl.ds(i + 1, 1), :] = pnew

        isg = gi > 0
        trow = tp_ref[pl.ds(prev_lab, 1), :]
        tpair = jnp.sum(jnp.where(lane == labi, trow, jnp.float32(0.0)))
        gsum = gsum + jnp.where(
            isg, sci + jnp.where(ngold > 0, tpair, jnp.float32(0.0)),
            jnp.float32(0.0))
        prev_lab = jnp.where(isg, labi, prev_lab)
        ngold = ngold + jnp.where(isg, 1, 0).astype(jnp.int32)
        nkeep = nkeep + jnp.where(kept, 1, 0).astype(jnp.int32)
        return z, gsum, prev_lab, ngold, nkeep, pnew

    init = (jnp.float32(BIG_NEG), jnp.float32(0.0), jnp.int32(0),
            jnp.int32(0), jnp.int32(0),
            jnp.full((1, _CPAD), BIG_NEG, jnp.float32))
    z, gsum, _, ngold, nkeep, _ = jax.lax.fori_loop(0, n, body, init)
    contrib = (ngold >= 1) & (nkeep != ngold)
    loss = jnp.where(contrib, z - gsum, jnp.float32(0.0))
    out_ref[...] = jnp.broadcast_to(loss, (1, 8, 128))


def _prep(seg_idx, seg_label, label_filter, scores):
    starts = seg_idx[:, 0]
    ends = seg_idx[:, 1]
    gold = seg_label > 0
    amax = jnp.full((_L,), -1, dtype=jnp.int32).at[starts].max(
        jnp.where(gold, ends, -1).astype(jnp.int32))
    cmax = jax.lax.cummax(amax, axis=0)
    overlap = cmax[ends] >= starts
    valid = (seg_label == 0) & (label_filter > 0) & overlap
    keep = gold | valid
    perm1 = jnp.argsort(starts, stable=True)
    en_key = jnp.where(keep, ends, jnp.iinfo(ends.dtype).max)
    perm2 = jnp.argsort(en_key[perm1], stable=True)
    order = perm1[perm2]
    st = starts[order]
    keep_s = keep[order]
    labs = label_filter[order].astype(jnp.int32)
    gold_s = gold[order]
    sc = jnp.where(keep_s, scores[order], BIG_NEG).astype(jnp.float32)
    cnt = jnp.zeros((_L,), jnp.int32).at[ends].add(keep.astype(jnp.int32))
    cum = jnp.cumsum(cnt)
    kv = jnp.where(st > 0, cum[jnp.maximum(st - 1, 0)], 0).astype(jnp.int32)
    return sc, labs, kv, gold_s.astype(jnp.int32)


def kernel(all_segment_idx, all_segment_label, all_label_filter, all_scores,
           transition_score):
    B, N = all_scores.shape
    C = transition_score.shape[0]
    sc, labs, kv, gold = jax.vmap(_prep)(
        all_segment_idx, all_segment_label, all_label_filter, all_scores)
    t2 = jnp.zeros((16, _CPAD), jnp.float32).at[:C, :C].set(
        transition_score.T.astype(jnp.float32))
    tp = jnp.zeros((16, _CPAD), jnp.float32).at[:C, :C].set(
        transition_score.astype(jnp.float32))
    out = pl.pallas_call(
        _dp_kernel,
        grid=(B,),
        in_specs=[
            pl.BlockSpec((1, N, 1), lambda b: (b, 0, 0)),
            pl.BlockSpec((1, N, 1), lambda b: (b, 0, 0)),
            pl.BlockSpec((1, N, 1), lambda b: (b, 0, 0)),
            pl.BlockSpec((1, N, 1), lambda b: (b, 0, 0)),
            pl.BlockSpec((16, _CPAD), lambda b: (0, 0)),
            pl.BlockSpec((16, _CPAD), lambda b: (0, 0)),
        ],
        out_specs=pl.BlockSpec((1, 8, 128), lambda b: (b, 0, 0)),
        out_shape=jax.ShapeDtypeStruct((B, 8, 128), jnp.float32),
        scratch_shapes=[pltpu.VMEM((N + 8, _CPAD), jnp.float32)],
    )(sc[..., None], labs[..., None], kv[..., None], gold[..., None], t2, tp)
    return out[:, 0, 0].sum()

# --- scband reference (transcript-rebuilt; emitter-appended) ---
"""Pipeline reference for scband-filtered-semi-crfloss-48765058679283 (READ-ONLY COPY).

The authoritative reference and input builder live on the scoring server;
editing this copy changes nothing except your own understanding.
"""

import jax, jax.numpy as jnp
import numpy as np
from jax.scipy.special import logsumexp

BIG_NEG = -1e30


def setup_inputs(seed: int = 0) -> dict:
    key = jax.random.key(seed)
    k0, k1, k2, k3, k4 = jax.random.split(key, 5)
    B, N, C, L = 4, 5000, 11, 512
    raw = jax.random.randint(k0, (B, N, 2), 0, L)
    # sort last dim so each span is (start, end) with start <= end
    all_segment_idx = jnp.sort(raw, axis=-1)
    all_segment_label = jax.random.randint(k1, (B, N), 0, 2)    # gold label (0 = null)
    all_label_filter = jax.random.randint(k2, (B, N), 0, C)     # predicted label
    all_scores = jax.random.normal(k3, (B, N), dtype=jnp.float32)
    transition_score = jax.random.normal(k4, (C, C), dtype=jnp.float32)
    return {
        "all_segment_idx": all_segment_idx,
        "all_segment_label": all_segment_label,
        "all_label_filter": all_label_filter,
        "all_scores": all_scores,
        "transition_score": transition_score,
    }


def _semicrf_nll(sc, compat, TT, trans, gold_flag, glabs_front, n_gold):
    # sc: [M] span scores (sorted by end); compat[i, j] = span j ends before span i starts
    # TT[i, j] = trans[label_j, label_i]
    M = sc.shape[0]

    def step(carry, x):
        alpha, i = carry
        s_i, c_i, t_i = x
        prev = jnp.where(c_i, alpha + t_i, BIG_NEG)
        a_i = s_i + jnp.logaddexp(0.0, logsumexp(prev))
        return (alpha.at[i].set(a_i), i + 1), None

    init = (jnp.full((M,), BIG_NEG, dtype=sc.dtype), 0)
    (alpha, _), _ = jax.lax.scan(step, init, (sc, compat, TT))
    Z = logsumexp(alpha)
    gold_score = jnp.where(gold_flag, sc, 0.0).sum()
    pair = trans[glabs_front[:-1], glabs_front[1:]]
    pair_mask = jnp.arange(M - 1) < (n_gold - 1)
    gold_score = gold_score + jnp.where(pair_mask, pair, 0.0).sum()
    return Z - gold_score


def reference(all_segment_idx, all_segment_label, all_label_filter, all_scores, transition_score):
    B = int(all_scores.shape[0])
    total = jnp.asarray(0.0, dtype=jnp.float32)
    for b in range(B):
        starts = all_segment_idx[b, :, 0]
        ends = all_segment_idx[b, :, 1]
        gold_mask = all_segment_label[b] > 0
        n_gold = gold_mask.sum()
        # has_overlapping: inclusive interval overlap with any gold span
        overlap = ((starts[:, None] <= ends[None, :])
                   & (starts[None, :] <= ends[:, None])
                   & gold_mask[None, :]).any(axis=1)
        valid_mask = (all_segment_label[b] == 0) & (all_label_filter[b] > 0) & overlap
        keep = gold_mask | valid_mask
        # lexsort by (start) then stable by (end); non-kept spans keyed to the end
        perm1 = jnp.argsort(starts, stable=True)
        en_key = jnp.where(keep, ends, jnp.iinfo(ends.dtype).max)
        perm2 = jnp.argsort(en_key[perm1], stable=True)
        order = perm1[perm2]
        st = starts[order]
        en = ends[order]
        keep_s = keep[order]
        labs = all_label_filter[b][order].astype(jnp.int32)
        gold_s = gold_mask[order]
        sc = jnp.where(keep_s, all_scores[b][order], BIG_NEG)
        compat = keep_s[None, :] & (en[None, :] < st[:, None])
        TT = transition_score[labs[None, :], labs[:, None]]  # TT[i, j] = trans[lab_j, lab_i]
        gorder = jnp.argsort(jnp.logical_not(gold_s), stable=True)
        glabs_front = labs[gorder]
        loss = _semicrf_nll(sc, compat, TT, transition_score, gold_s, glabs_front, n_gold)
        contribute = (n_gold >= 1) & (keep.sum() != n_gold)
        total = total + jnp.where(contribute, loss, jnp.asarray(0.0, dtype=loss.dtype))
    return total

if __name__ == "__main__":
    import jax
    _d = setup_inputs()
    print(jax.jit(kernel)(*tuple(_d.values())))

</pallas_src>

<mosaic_0001>
module attributes {stable_mosaic.version = 14 : i64} {
  func.func @_dp_kernel(%arg0: i32, %arg1: memref<1x5000x1xf32, #tpu.memory_space<vmem>>, %arg2: memref<1x5000x1xi32, #tpu.memory_space<vmem>>, %arg3: memref<1x5000x1xi32, #tpu.memory_space<vmem>>, %arg4: memref<1x5000x1xi32, #tpu.memory_space<vmem>>, %arg5: memref<16x128xf32, #tpu.memory_space<vmem>>, %arg6: memref<16x128xf32, #tpu.memory_space<vmem>>, %arg7: memref<1x8x128xf32, #tpu.memory_space<vmem>>, %arg8: memref<5008x128xf32, #tpu.memory_space<vmem>>) attributes {dimension_semantics = [#tpu.dimension_semantics<arbitrary>], iteration_bounds = array<i64: 4>, scalar_prefetch = 0 : i64, scratch_operands = 1 : i64, tpu.core_type = #tpu.core_type<tc>, window_params = [{transform_indices = @transform_0, window_bounds = array<i64: 1, 5000, 1>}, {transform_indices = @transform_1, window_bounds = array<i64: 1, 5000, 1>}, {transform_indices = @transform_2, window_bounds = array<i64: 1, 5000, 1>}, {transform_indices = @transform_3, window_bounds = array<i64: 1, 5000, 1>}, {pipeline_mode = #tpu.pipeline_mode<synchronous>, transform_indices = @transform_4, window_bounds = array<i64: 16, 128>}, {pipeline_mode = #tpu.pipeline_mode<synchronous>, transform_indices = @transform_5, window_bounds = array<i64: 16, 128>}, {transform_indices = @transform_6, window_bounds = array<i64: 1, 8, 128>}]} {
    %iota3A = tpu.iota {dimensions = array<i32: 1>} : vector<1x128xi32>
    %broadcast_in_dim3A = arith.constant -1.000000e+30 : f32
    %broadcast_in_dim3A_0 = vector.broadcast %broadcast_in_dim3A : f32 to vector<1x128xf32>
    %swap3A = arith.constant 0 : index
    %swap3A_1 = arith.constant 0 : index
    %swap3A_2 = vector.load %arg8[%swap3A, %swap3A_1] : memref<5008x128xf32, #tpu.memory_space<vmem>>, vector<1x128xf32>
    tpu.vector_store %arg8[%swap3A, %swap3A_1], %broadcast_in_dim3A_0 {strides = array<i32>} : memref<5008x128xf32, #tpu.memory_space<vmem>>, vector<1x128xf32>,
    %broadcast_in_dim3A_3 = arith.constant -1.000000e+30 : f32
    %broadcast_in_dim3A_4 = vector.broadcast %broadcast_in_dim3A_3 : f32 to vector<1x128xf32>
    %scan3A = arith.constant -1.000000e+30 : f32
    %scan3A_5 = arith.constant 0.000000e+00 : f32
    %scan3A_6 = arith.constant 0 : i32
    %scan3A_7 = arith.constant 0 : i32
    %scan3A_8 = arith.constant 0 : i32
    %scan3A_9 = arith.constant 0 : i32
    %scan3A_10 = arith.constant 5000 : i32
    %scan3A_11 = arith.addi %scan3A_9, %scan3A_10 : i32
    %scan3A_12 = arith.constant 1 : i32
    %scan3A_13:6 = scf.for %scan3A_21 = %scan3A_9 to %scan3A_11 step %scan3A_12 iter_args(%scan3A_22 = %scan3A, %scan3A_23 = %scan3A_5, %scan3A_24 = %scan3A_6, %scan3A_25 = %scan3A_7, %scan3A_26 = %scan3A_8, %scan3A_27 = %broadcast_in_dim3A_4) -> (f32, f32, i32, i32, i32, vector<1x128xf32>)  : i32 {
      %get3A = arith.constant 0 : index
      %get3A_28 = arith.index_cast %scan3A_21 : i32 to index
      %get3A_29 = arith.constant 0 : index
      %get3A_30 = vector.load %arg1[%get3A, %get3A_28, %get3A_29] : memref<1x5000x1xf32, #tpu.memory_space<vmem>>, vector<1x1x1xf32>
      %squeeze3A = vector.extract %get3A_30[0, 0, 0] : f32 from vector<1x1x1xf32>
      %get3A_31 = arith.constant 0 : index
      %get3A_32 = arith.index_cast %scan3A_21 : i32 to index
      %get3A_33 = arith.constant 0 : index
      %get3A_34 = vector.load %arg2[%get3A_31, %get3A_32, %get3A_33] : memref<1x5000x1xi32, #tpu.memory_space<vmem>>, vector<1x1x1xi32>
      %squeeze3A_35 = vector.extract %get3A_34[0, 0, 0] : i32 from vector<1x1x1xi32>
      %get3A_36 = arith.constant 0 : index
      %get3A_37 = arith.index_cast %scan3A_21 : i32 to index
      %get3A_38 = arith.constant 0 : index
      %get3A_39 = vector.load %arg3[%get3A_36, %get3A_37, %get3A_38] : memref<1x5000x1xi32, #tpu.memory_space<vmem>>, vector<1x1x1xi32>
      %squeeze3A_40 = vector.extract %get3A_39[0, 0, 0] : i32 from vector<1x1x1xi32>
      %get3A_41 = arith.constant 0 : index
      %get3A_42 = arith.index_cast %scan3A_21 : i32 to index
      %get3A_43 = arith.constant 0 : index
      %get3A_44 = vector.load %arg4[%get3A_41, %get3A_42, %get3A_43] : memref<1x5000x1xi32, #tpu.memory_space<vmem>>, vector<1x1x1xi32>
      %squeeze3A_45 = vector.extract %get3A_44[0, 0, 0] : i32 from vector<1x1x1xi32>
      %get3A_46 = arith.index_cast %squeeze3A_40 : i32 to index
      %get3A_47 = arith.constant 0 : index
      %get3A_48 = vector.load %arg8[%get3A_46, %get3A_47] : memref<5008x128xf32, #tpu.memory_space<vmem>>, vector<1x128xf32>
      %get3A_49 = arith.index_cast %squeeze3A_35 : i32 to index
      %get3A_50 = arith.constant 0 : index
      %get3A_51 = vector.load %arg5[%get3A_49, %get3A_50] : memref<16x128xf32, #tpu.memory_space<vmem>>, vector<1x128xf32>
      %add3A = arith.addf %get3A_48, %get3A_51 : vector<1x128xf32>
      %reduce_max3A = vector.shape_cast %add3A : vector<1x128xf32> to vector<1x1x128xf32>
      %reduce_max3A_52 = arith.constant dense<0xFF800000> : vector<1xf32>
      %reduce_max3A_53 = vector.multi_reduction <maximumf>, %reduce_max3A, %reduce_max3A_52 [1, 2] : vector<1x1x128xf32> to vector<1xf32>
      %reduce_max3A_54 = vector.shape_cast %reduce_max3A_53 : vector<1xf32> to vector<1x1x1xf32>
      %reduce_max3A_55 = vector.extract %reduce_max3A_54[0, 0, 0] : f32 from vector<1x1x1xf32>
      %sub3A_56 = vector.broadcast %reduce_max3A_55 : f32 to vector<1x128xf32>
      %sub3A_57 = arith.subf %add3A, %sub3A_56 : vector<1x128xf32>
      %exp3A = math.exp %sub3A_57 : vector<1x128xf32>
      %reduce_sum3A = vector.shape_cast %exp3A : vector<1x128xf32> to vector<1x1x128xf32>
      %reduce_sum3A_58 = arith.constant dense<0.000000e+00> : vector<1xf32>
      %reduce_sum3A_59 = vector.multi_reduction <add>, %reduce_sum3A, %reduce_sum3A_58 [1, 2] : vector<1x1x128xf32> to vector<1xf32>
      %reduce_sum3A_60 = vector.shape_cast %reduce_sum3A_59 : vector<1xf32> to vector<1x1x1xf32>
      %reduce_sum3A_61 = vector.extract %reduce_sum3A_60[0, 0, 0] : f32 from vector<1x1x1xf32>
      %log3A = math.log %reduce_sum3A_61 : f32
      %add3A_62 = arith.addf %reduce_max3A_55, %log3A : f32
      %custom_jvp_call3A = arith.constant 0.000000e+00 : f32
      %max3A = arith.maximumf %custom_jvp_call3A, %add3A_62 : f32
      %sub3A_63 = arith.subf %custom_jvp_call3A, %add3A_62 : f32
      %ne3A_64 = arith.cmpf one, %sub3A_63, %sub3A_63 : f32
      %add3A_65 = arith.addf %custom_jvp_call3A, %add3A_62 : f32
      %abs3A = math.absf %sub3A_63 : f32
      %neg3A = arith.constant 0.000000e+00 : f32
      %neg3A_66 = arith.subf %neg3A, %abs3A : f32
      %exp3A_67 = math.exp %neg3A_66 : f32
      %log1p3A = math.log1p %exp3A_67 : f32
      %add3A_68 = arith.addf %max3A, %log1p3A : f32
      %select_n3A_69 = arith.select %ne3A_64, %add3A_65, %add3A_68 : f32
      %add3A_70 = arith.addf %squeeze3A, %select_n3A_69 : f32
      %max3A_71 = arith.maximumf %scan3A_22, %add3A_70 : f32
      %sub3A_72 = arith.subf %scan3A_22, %add3A_70 : f32
      %ne3A_73 = arith.cmpf one, %sub3A_72, %sub3A_72 : f32
      %add3A_74 = arith.addf %scan3A_22, %add3A_70 : f32
      %abs3A_75 = math.absf %sub3A_72 : f32
      %neg3A_76 = arith.constant 0.000000e+00 : f32
      %neg3A_77 = arith.subf %neg3A_76, %abs3A_75 : f32
      %exp3A_78 = math.exp %neg3A_77 : f32
      %log1p3A_79 = math.log1p %exp3A_78 : f32
      %add3A_80 = arith.addf %max3A_71, %log1p3A_79 : f32
      %select_n3A_81 = arith.select %ne3A_73, %add3A_74, %add3A_80 : f32
      %gt3A = arith.constant -1.000000e+29 : f32
      %gt3A_82 = arith.cmpf ogt, %squeeze3A, %gt3A : f32
      %eq3A = vector.broadcast %squeeze3A_35 : i32 to vector<1x128xi32>
      %eq3A_83 = arith.cmpi eq, %iota3A, %eq3A : vector<1x128xi32>
      %jit3A_84 = arith.constant -1.000000e+30 : f32
      %broadcast_in_dim3A_85 = vector.broadcast %add3A_70 : f32 to vector<1x128xf32>
      %broadcast_in_dim3A_86 = vector.broadcast %jit3A_84 : f32 to vector<1x128xf32>
      %select_n3A_87 = arith.select %eq3A_83, %broadcast_in_dim3A_85, %broadcast_in_dim3A_86 : vector<1x128xi1>, vector<1x128xf32>
      %max3A_88 = arith.maximumf %scan3A_27, %select_n3A_87 : vector<1x128xf32>
      %sub3A_89 = arith.subf %scan3A_27, %select_n3A_87 : vector<1x128xf32>
      %ne3A_90 = arith.cmpf one, %sub3A_89, %sub3A_89 : vector<1x128xf32>
      %add3A_91 = arith.addf %scan3A_27, %select_n3A_87 : vector<1x128xf32>
      %abs3A_92 = math.absf %sub3A_89 : vector<1x128xf32>
      %neg3A_93 = arith.constant 0.000000e+00 : f32
      %neg3A_94 = vector.broadcast %neg3A_93 : f32 to vector<1x128xf32>
      %neg3A_95 = arith.subf %neg3A_94, %abs3A_92 : vector<1x128xf32>
      %exp3A_96 = math.exp %neg3A_95 : vector<1x128xf32>
      %log1p3A_97 = math.log1p %exp3A_96 : vector<1x128xf32>
      %add3A_98 = arith.addf %max3A_88, %log1p3A_97 : vector<1x128xf32>
      %select_n3A_99 = arith.select %ne3A_90, %add3A_91, %add3A_98 : vector<1x128xi1>, vector<1x128xf32>
      %select_n3A_100 = arith.select %gt3A_82, %select_n3A_99, %scan3A_27 : vector<1x128xf32>
      %add3A_101 = arith.constant 1 : i32
      %add3A_102 = arith.addi %scan3A_21, %add3A_101 : i32
      %swap3A_103 = arith.index_cast %add3A_102 : i32 to index
      %swap3A_104 = arith.constant 0 : index
      %swap3A_105 = vector.load %arg8[%swap3A_103, %swap3A_104] : memref<5008x128xf32, #tpu.memory_space<vmem>>, vector<1x128xf32>
      tpu.vector_store %arg8[%swap3A_103, %swap3A_104], %select_n3A_100 {strides = array<i32>} : memref<5008x128xf32, #tpu.memory_space<vmem>>, vector<1x128xf32>,
      %gt3A_106 = arith.constant 0 : i32
      %gt3A_107 = arith.cmpi sgt, %squeeze3A_45, %gt3A_106 : i32
      %get3A_108 = arith.index_cast %scan3A_24 : i32 to index
      %get3A_109 = arith.constant 0 : index
      %get3A_110 = vector.load %arg6[%get3A_108, %get3A_109] : memref<16x128xf32, #tpu.memory_space<vmem>>, vector<1x128xf32>
      %eq3A_111 = vector.broadcast %squeeze3A_35 : i32 to vector<1x128xi32>
      %eq3A_112 = arith.cmpi eq, %iota3A, %eq3A_111 : vector<1x128xi32>
      %jit3A_113 = arith.constant 0.000000e+00 : f32
      %broadcast_in_dim3A_114 = vector.broadcast %jit3A_113 : f32 to vector<1x128xf32>
      %select_n3A_115 = arith.select %eq3A_112, %get3A_110, %broadcast_in_dim3A_114 : vector<1x128xi1>, vector<1x128xf32>
      %reduce_sum3A_116 = vector.shape_cast %select_n3A_115 : vector<1x128xf32> to vector<1x1x128xf32>
      %reduce_sum3A_117 = arith.constant dense<0.000000e+00> : vector<1xf32>
      %reduce_sum3A_118 = vector.multi_reduction <add>, %reduce_sum3A_116, %reduce_sum3A_117 [1, 2] : vector<1x1x128xf32> to vector<1xf32>
      %reduce_sum3A_119 = vector.shape_cast %reduce_sum3A_118 : vector<1xf32> to vector<1x1x1xf32>
      %reduce_sum3A_120 = vector.extract %reduce_sum3A_119[0, 0, 0] : f32 from vector<1x1x1xf32>
      %gt3A_121 = arith.constant 0 : i32
      %gt3A_122 = arith.cmpi sgt, %scan3A_25, %gt3A_121 : i32
      %jit3A_123 = arith.constant 0.000000e+00 : f32
      %select_n3A_124 = arith.select %gt3A_122, %reduce_sum3A_120, %jit3A_123 : f32
      %add3A_125 = arith.addf %squeeze3A, %select_n3A_124 : f32
      %jit3A_126 = arith.constant 0.000000e+00 : f32
      %select_n3A_127 = arith.select %gt3A_107, %add3A_125, %jit3A_126 : f32
      %add3A_128 = arith.addf %scan3A_23, %select_n3A_127 : f32
      %select_n3A_129 = arith.select %gt3A_107, %squeeze3A_35, %scan3A_24 : i32
      %jit3A_130 = arith.constant 1 : i32
      %jit3A_131 = arith.constant 0 : i32
      %select_n3A_132 = arith.select %gt3A_107, %jit3A_130, %jit3A_131 : i32
      %add3A_133 = arith.addi %scan3A_25, %select_n3A_132 : i32
      %jit3A_134 = arith.constant 1 : i32
      %jit3A_135 = arith.constant 0 : i32
      %select_n3A_136 = arith.select %gt3A_82, %jit3A_134, %jit3A_135 : i32
      %add3A_137 = arith.addi %scan3A_26, %select_n3A_136 : i32
      scf.yield %select_n3A_81, %add3A_128, %select_n3A_129, %add3A_133, %add3A_137, %select_n3A_100 : f32, f32, i32, i32, i32, vector<1x128xf32>
    }
    %scan3A_14 = arith.constant 5000 : i32
    %ge3A = arith.constant 1 : i32
    %ge3A_15 = arith.cmpi sge, %scan3A_13#3, %ge3A : i32
    %ne3A = arith.cmpi ne, %scan3A_13#4, %scan3A_13#3 : i32
    %and3A = arith.andi %ge3A_15, %ne3A : i1
    %sub3A = arith.subf %scan3A_13#0, %scan3A_13#1 : f32
    %jit3A = arith.constant 0.000000e+00 : f32
    %select_n3A = arith.select %and3A, %sub3A, %jit3A : f32
    %broadcast_in_dim3A_16 = vector.broadcast %select_n3A : f32 to vector<1x8x128xf32>
    %swap3A_17 = arith.constant 0 : index
    %swap3A_18 = arith.constant 0 : index
    %swap3A_19 = arith.constant 0 : index
    %swap3A_20 = vector.load %arg7[%swap3A_17, %swap3A_18, %swap3A_19] : memref<1x8x128xf32, #tpu.memory_space<vmem>>, vector<1x8x128xf32>
    tpu.vector_store %arg7[%swap3A_17, %swap3A_18, %swap3A_19], %broadcast_in_dim3A_16 {strides = array<i32>} : memref<1x8x128xf32, #tpu.memory_space<vmem>>, vector<1x8x128xf32>,
    return
  }
  func.func @transform_0(%arg0: i32) -> (i32, i32, i32) {
    %c0_i32 = arith.constant 0 : i32
    %c0_i32_0 = arith.constant 0 : i32
    %c0_i32_1 = arith.constant 0 : i32
    return %arg0, %c0_i32, %c0_i32_0 : i32, i32, i32
  }
  func.func @transform_1(%arg0: i32) -> (i32, i32, i32) {
    %c0_i32 = arith.constant 0 : i32
    %c0_i32_0 = arith.constant 0 : i32
    %c0_i32_1 = arith.constant 0 : i32
    return %arg0, %c0_i32, %c0_i32_0 : i32, i32, i32
  }
  func.func @transform_2(%arg0: i32) -> (i32, i32, i32) {
    %c0_i32 = arith.constant 0 : i32
    %c0_i32_0 = arith.constant 0 : i32
    %c0_i32_1 = arith.constant 0 : i32
    return %arg0, %c0_i32, %c0_i32_0 : i32, i32, i32
  }
  func.func @transform_3(%arg0: i32) -> (i32, i32, i32) {
    %c0_i32 = arith.constant 0 : i32
    %c0_i32_0 = arith.constant 0 : i32
    %c0_i32_1 = arith.constant 0 : i32
    return %arg0, %c0_i32, %c0_i32_0 : i32, i32, i32
  }
  func.func @transform_4(%arg0: i32) -> (i32, i32) {
    %c0_i32 = arith.constant 0 : i32
    %c0_i32_0 = arith.constant 0 : i32
    %c0_i32_1 = arith.constant 0 : i32
    return %c0_i32, %c0_i32_0 : i32, i32
  }
  func.func @transform_5(%arg0: i32) -> (i32, i32) {
    %c0_i32 = arith.constant 0 : i32
    %c0_i32_0 = arith.constant 0 : i32
    %c0_i32_1 = arith.constant 0 : i32
    return %c0_i32, %c0_i32_0 : i32, i32
  }
  func.func @transform_6(%arg0: i32) -> (i32, i32, i32) {
    %c0_i32 = arith.constant 0 : i32
    %c0_i32_0 = arith.constant 0 : i32
    %c0_i32_1 = arith.constant 0 : i32
    return %arg0, %c0_i32, %c0_i32_0 : i32, i32, i32
  }
}

</mosaic_0001>

<sc_bundles>
// kernel: gather_offload_async_start.1
scs
__scs_entry_jumppad:
0x0: {  	(pc) =	sbr.rel $0x88, $3  }
0x1: {  	(tag) =	ssettag $0x0;
	lr =	simm.s32 $0x1  }
0x2: {  	[smem:$0x3F9C] =	sst lr;
	_ =	strace $0xD0000000  }
0x3: {  	_ = 	snop  }
0x4: {  	_ = 	snop  }
0x5: {  	_ = 	snop  }
0x6: {  	_ = 	snop  }
0x7: {  	_ = 	snop  }
__scs_overlays_trampoline_lowered:
0x8: {  	[smem:$0x3FAB] =	sst s0  }
0x9: {  	[smem:$0x3FAC] =	sst s1  }
0xa: {  	[smem:$0x3FAD] =	sst s2  }
0xb: {  	[smem:$0x3FAE] =	sst s3  }
0xc: {  	[smem:$0x3FAF] =	sst s4  }
0xd: {  	[smem:$0x3FB0] =	sst s5  }
0xe: {  	[smem:$0x3FB1] =	sst s6  }
0xf: {  	[smem:$0x3FB2] =	sst s7  }
0x10: {  	[smem:$0x3FB3] =	sst s8  }
0x11: {  	[smem:$0x3FB4] =	sst s9;
	s0 =	simm.s32 @!p0 $0x0  }
0x12: {  	s1 =	sld [smem:$0x3F9A];
	s0 =	simm.s32 @p0 $0x1  }
0x13: {  	[smem:$0x3FB5] =	sst s0;
	s0 =	simm.s32 @!p1 $0x0  }
0x14: {  	s2 =	sld [smem:$0x3F99];
	s0 =	simm.s32 @p1 $0x1  }
0x15: {  	[smem:$0x3FB6] =	sst s0;
	s0 =	simm.s32 @!p2 $0x0  }
0x16: {  	s3 =	sld [smem:$0x3FDB];
	s0 =	simm.s32 @p2 $0x1  }
0x17: {  	s4 =	simm.s32 $0x1BF5;
	[smem:$0x3FB8] =	sst s0  }
0x18: {  	s0 =	sld [smem:$0x3F9B];
	_ =	swait.ge [sflag:s4], $0x0  }
0x19: {  	s7 =	sld [smem:$0x3F9C]  }
0x1a: {  	s8 =	sadd.s32 $0xFFFFE003, lr  }
0x1b: {  	s9 =	sadd.s32 $0xFFFFFEF7, lr;
	s5 =	simm.s32 $0xFFFFFFFF;
	p2 =	slt.u32 s8, $0xFFFFF086  }
0x1c: {  	p1 =	slt.u32 s9, $0xF7A;
	s5 =	simm.s32 @!p2 $0x0  }
0x1d: {  	s5 =	simm.s32 @p1 $0x1;
	p0 =	seq.s32 s7, s2  }
0x1e: {  	s7 =	smul.u32 @!p0 $0xF7A, s2;
	p2 =	seq.s32 @!p0 s5, $0x0  }
0x1f: {  	s9 =	smul.u32 $0xF7A, s1;
	s8 =	simm.s32 @!p0 $0x1BF5;
	p2 =	por !p2, p0  }
0x20: {  	[sflag:s8] =	ssyncset.s32 @!p0 $0xFFFFF086;
	s6 =	sadd.s32 @!p0 s3, s7;
	s7 =	simm.s32 @!p0 $0x108  }
0x21: {  	s3 =	sadd.s32 s3, s9;
	s6 =	sadd.s32 @!p0 $0x88, s6;
	s7 =	simm.s32 @p2 $0x1082  }
0x22: {  	[simem:s7], [sflag:s8] =	dma.local @!p0 [hbm:s6], $0xF7A  }
0x23: {  	s9 =	sor.u32 $0xD0000000, s2;
	s6 =	simm.s32 $0x108;
	_ =	swait.ge @!p0 [sflag:s8], $0x0  }
0x24: {  	s3 =	sadd.s32 $0x88, s3;
	s6 =	simm.s32 @!p1 $0x1082;
	[sflag:s4] =	ssyncset.s32 $0xFFFFF086  }
0x25: {  	[simem:s6], [sflag:s4] =	dma.local [hbm:s3], $0xF7A  }
0x26: {  	[smem:$0x3F9C] =	sst s1;
	(tag) =	ssettag s2;
	_ =	strace s9  }
0x27: {  	s1 =	sld [smem:$0x3FAC]  }
0x28: {  	s2 =	sld [smem:$0x3FAD]  }
0x29: {  	s4 =	sld [smem:$0x3FAF]  }
0x2a: {  	p0 =	seq.s32 s5, $0x0;
	s5 =	sld [smem:$0x3FB0]  }
0x2b: {  	s6 =	sld [smem:$0x3FB1]  }
0x2c: {  	s7 =	sld [smem:$0x3FB2]  }
0x2d: {  	s3 =	simm.s32 $0x108;
	s8 =	sld [smem:$0x3FB3]  }
0x2e: {  	s3 =	simm.s32 @!p0 $0x1082;
	s9 =	sld [smem:$0x3FB4]  }
0x2f: {  	lr =	sadd.s32 s0, s3;
	s0 =	sld [smem:$0x3FAB]  }
0x30: {  	s3 =	sld [smem:$0x3FAE]  }
0x31: {  	[smem:$0x3FB7] =	sst s10  }
0x32: {  	s10 =	sld [smem:$0x3FB5];
	_ =	sdelay $0x3  }
0x33: {  	p0 =	seq.s32 s10, $0x1;
	s10 =	sld [smem:$0x3FB7];
	_ =	sdelay $0x3  }
0x34: {  	[smem:$0x3FB7] =	sst s10  }
0x35: {  	s10 =	sld [smem:$0x3FB6];
	_ =	sdelay $0x3  }
0x36: {  	p1 =	seq.s32 s10, $0x1;
	s10 =	sld [smem:$0x3FB7];
	_ =	sdelay $0x3  }
0x37: {  	[smem:$0x3FB7] =	sst s10  }
0x38: {  	s10 =	sld [smem:$0x3FB8]  }
0x39: {  	_ = 	snop;
	(pc) =	sbr.ind lr, $3  }
0x3a: {  	_ = 	snop  }
0x3b: {  	_ = 	snop  }
0x3c: {  	p2 =	seq.s32 s10, $0x1;
	s10 =	sld [smem:$0x3FB7]  }
0x3d: {  	_ =	shalt  }
0x3e: {  	_ =	shalt  }
0x3f: {  	_ =	shalt  }
0x40: {  	_ =	shalt  }
0x41: {  	_ =	shalt  }
0x42: {  	_ =	shalt  }
0x43: {  	_ =	shalt  }
0x44: {  	_ =	shalt  }
0x45: {  	_ =	shalt  }
0x46: {  	_ =	shalt  }
0x47: {  	_ =	shalt  }
0x48: {  	_ =	shalt  }
0x49: {  	_ =	shalt  }
0x4a: {  	_ =	shalt  }
0x4b: {  	_ =	shalt  }
0x4c: {  	_ =	shalt  }
0x4d: {  	_ =	shalt  }
0x4e: {  	_ =	shalt  }
0x4f: {  	_ =	shalt  }
0x50: {  	_ =	shalt  }
0x51: {  	_ =	shalt  }
0x52: {  	_ =	shalt  }
0x53: {  	_ =	shalt  }
0x54: {  	_ =	shalt  }
0x55: {  	_ =	shalt  }
0x56: {  	_ =	shalt  }
0x57: {  	_ =	shalt  }
0x58: {  	_ =	shalt  }
0x59: {  	_ =	shalt  }
0x5a: {  	_ =	shalt  }
0x5b: {  	_ =	shalt  }
0x5c: {  	_ =	shalt  }
0x5d: {  	_ =	shalt  }
0x5e: {  	_ =	shalt  }
0x5f: {  	_ =	shalt  }
0x60: {  	_ =	shalt  }
0x61: {  	_ =	shalt  }
0x62: {  	_ =	shalt  }
0x63: {  	_ =	shalt  }
0x64: {  	_ =	shalt  }
0x65: {  	_ =	shalt  }
0x66: {  	_ =	shalt  }
0x67: {  	_ =	shalt  }
0x68: {  	_ =	shalt  }
0x69: {  	_ =	shalt  }
0x6a: {  	_ =	shalt  }
0x6b: {  	_ =	shalt  }
0x6c: {  	_ =	shalt  }
0x6d: {  	_ =	shalt  }
0x6e: {  	_ =	shalt  }
0x6f: {  	_ =	shalt  }
0x70: {  	_ =	shalt  }
0x71: {  	_ =	shalt  }
0x72: {  	_ =	shalt  }
0x73: {  	_ =	shalt  }
0x74: {  	_ =	shalt  }
0x75: {  	_ =	shalt  }
0x76: {  	_ =	shalt  }
0x77: {  	_ =	shalt  }
0x78: {  	_ =	shalt  }
0x79: {  	_ =	shalt  }
0x7a: {  	_ =	shalt  }
0x7b: {  	_ =	shalt  }
0x7c: {  	_ =	shalt  }
0x7d: {  	_ =	shalt  }
0x7e: {  	_ =	shalt  }
0x7f: {  	_ =	shalt  }
0x80: {  	_ =	shalt  }
0x81: {  	_ =	shalt  }
0x82: {  	_ =	shalt  }
0x83: {  	_ =	shalt  }
0x84: {  	_ =	shalt  }
0x85: {  	_ =	shalt  }
0x86: {  	_ =	shalt  }
0x87: {  	_ =	shalt  }
.Lfunc_end0:
.L_simem_size_0:
called_computation.3_lowered:
.L_overlay_start_0:
0x88: {  	s2 =	sld [smem:$0x3FD9]  }
0x89: {  	s3 =	sld [smem:$0x3FFE];
	_ =	sdelay $0x1  }
0x8a: {  	s1 =	srdreg.scid  }
0x8b: {  	s0 =	sand.u32 $0x1, s1  }
0x8c: {  	s16 =	sshll.u32 s0, $0xA;
	s2 =	sadd.s32 s3, s2  }
0x8d: {  	s2 =	sadd.s32 s2, s16  }
0x8e: {  	[smem:$0x3FC3] =	sst s2  }
0x8f: {  	_ = 	snop  }
0x90: {  	(tm) =	ssettm $0x1  }
0x91: {  	s17 =	sld [smem:$0x3FFB];
	_ =	sdelay $0x3  }
0x92: {  	_ =	strace s17  }
0x93: {  	s2 =	sld [smem:$0x3FFC];
	_ =	sdelay $0x3  }
0x94: {  	_ =	strace s2  }
0x95: {  	s2 =	sld [smem:$0x3FFD];
	_ =	sdelay $0x3  }
0x96: {  	_ =	strace s2  }
0x97: {  	_ =	strace $0x8FFFFFFF  }
0x98: {  	s18 =	sld [smem:$0x3FDB];
	_ =	sdelay $0x1  }
0x99: {  	s19 =	simm.s32 $_scs_section_size  }
0x9a: {  	s4 =	simm.s32 $_size__tile_overlayer_lowered;
	s5 =	simm.s32 $_tile_overlayer_lowered  }
0x9b: {  	s22 =	simm.s32 $0x1BFF;
	s21 =	sshll.u32 s5, $0x1;
	s2 =	sadd.s32 s19, s18  }
0x9c: {  	s6 =	simm.s32 $0x0;
	s20 =	sshll.u32 s4, $0x1;
	s4 =	sadd.s32 s21, s2  }
0x9d: {  	[timem:s6], [sflag:s22] =	dma.local [hbm:s4], s20  }
0x9e: {  	_ =	swait.ge [sflag:s22], s20  }
0x9f: {  	s3 =	ssub.s32 $0x0, s20;
	[sflag:s22] =	ssyncset.done $0x0  }
0xa0: {  	[sflag:s22] =	ssyncadd.s32 s3;
	_ =	sdelay $0x1  }
0xa1: {  	s23 =	simm.s32 $0x1B8B  }
0xa2: {  	_ =	swait.ge [sflag:s23], $0x1  }
0xa3: {  	[sflag:s23] =	ssyncset.done $0x0  }
0xa4: {  	s25 =	simm.s32 $0x1B8E;
	s24 =	sld [smem:$0x3FFE];
	[sflag:s23] =	ssyncadd.s32 $0xFFFFFFFF  }
0xa5: {  	s26 =	simm.s32 $execute0_lowered;
	[smem:$0x3FD2] =	sst s25  }
0xa6: {  	s4 =	sshll.u32 s26, $0x1;
	_ =	strace $0x8000004F;
	[dreg:$0x1] =	wrdreg $0xFFFFFFFF  }
0xa7: {  	s28 =	simm.s32 $_size_execute0_lowered;
	s2 =	sadd.s32 s2, s4;
	[dreg:$0x0] =	wrdreg $0x0  }
0xa8: {  	s4 =	sshll.u32 s28, $0x1;
	[dreg:$0x2] =	wrdreg s2  }
0xa9: {  	[dreg:$0x3] =	wrdreg s4  }
0xaa: {  	[dreg:$0x4] =	wrdreg $0xC0  }
0xab: {  	_ =	task [dreg:s6], $0x5FFFF  }
0xac: {  	[dreg:$0x1] =	wrdreg $0xFFFFFFFF  }
0xad: {  	[dreg:$0x0] =	wrdreg $0x60  }
0xae: {  	[dreg:$0x2] =	wrdreg s24  }
0xaf: {  	[dreg:$0x3] =	wrdreg $0x9  }
0xb0: {  	_ =	task.clear_ibuf [dreg:s6], $0x4FFFF;
	_ =	strace $0x9000004F  }
0xb1: {  	s29 =	simm.s32 $0x9;
	_ =	strace $0x80000051  }
0xb2: {  	_ =	swait.ge [sflag:s29], $0x1  }
0xb3: {  	[sflag:s29] =	ssyncadd.s32 $0xFFFFFFFF  }
0xb4: {  	_ =	strace $0x90000051  }
0xb5: {  	_ =	sfence  }
0xb6: {  	s30 =	sld [smem:$0x0];
	_ =	sdelay $0x2  }
0xb7: {  	s31 =	sshll.u32 s1, $0xD;
	s1 =	sshrl.u32 s1, $0x2  }
0xb8: {  	s3 =	sand.u32 $0x4000, s31;
	s1 =	sadd.s32 s1, s30  }
0xb9: {  	s0 =	sor.u32 s3, s0;
	s1 =	sshll.u32 s1, $0x11  }
0xba: {  	s0 =	sor.u32 s1, s0  }
0xbb: {  	s0 =	sadd.s32 $0x8F2B, s0  }
0xbc: {  	[sflag:s0] =	ssyncadd.remote.s32 $0x1  }
0xbd: {  	_ =	sfence.sel $0xFFFF  }
0xbe: {  	[dreg:$0x0] =	wrdreg $0xFFFFFFFF;
	(pc) =	sbr.abs _section_cstart, $3  }
0xbf: {  	[dreg:$0x1] =	wrdreg $0xFFFFFFFF  }
0xc0: {  	_ =	task.clear_ibuf [dreg:s6], $0x2FFFF;
	_ =	strace $0x9FFFFFFF  }
0xc1: {  	(tm) =	ssettm $0x7FFFFFFF  }
tec
execute0_lowered:
.L_overlay_start_1:
0x0: {  	(tag) =	ssettag $0x1  }
0x1: {  	s8 =	rddreg [dreg:$0x0]  }
0x2: {  	s0 =	rddreg [dreg:$0x1];
	_ =	strace $0x80000050;
	s1 =	stileid.u32  }
0x3: {  	s3 =	srdreg.scid;
	s4 =	simm.s32 $0x1;
	s7 =	simm.s32 $0x1  }
0x4: {  	s9 =	simm.s32 $0x1;
	s10 =	simm.s32 $0x3;
	s13 =	simm.s32 $0x0  }
0x5: {  	s12 =	simm.s32 $0x0;
	s5 =	sand.u32 $0x1, s3;
	s6 =	sshll.u32 s1, $0x1  }
0x6: {  	s2 =	sadd.s32 $0x3600, s8;
	s3 =	sadd.s32 $0x4000, s8;
	s5 =	sor.u32 s6, s5  }
.Ltmp0:
0x7: {  	[sflag:s4] =	ssyncpa.u1 $0x0;
	p0 =	slt.u32 s5, $0x13;
	(pc) =	sbr.rel .LBB2_1-.Ltmp0, $4  }
0x8: {  	s6 =	simm.s32 $0x2;
	s7 =	simm.s32 @!p0 $0x0;
	p0 =	sne.s32 s5, $0x12  }
0x9: {  	[sflag:s6] =	ssyncpa.u1 $0x0;
	s5 =	smul.u32 $0x190, s5;
	s9 =	simm.s32 @!p0 $0x0  }
0xa: {  	s8 =	sadd.s32 $0x400, s8;
	[sflag:s10] =	ssyncpa.u1 $0x0;
	s7 =	sadd.s32 s9, s7  }
0xb: {  	vm0 =	vmmov $0xffff;
	s10 =	simm.s32 $0x0;
	s11 =	smov.u32 s5;
	s9 =	sadd.s32 $0x1, s7  }
.LBB2_4:
0xc: {  	vm1 =	veq.s32 v4, $0x80000000;
	v56 =	vand.u32 $0x3, v4;
	v6 =	vand.u32 $0x1FFF, v6  }
0xd: {  	v2 =	vor.u32 v2, v5;
	v59 =	vshrl.u32 v1, $0x2;
	v60 =	vand.u32 $0x3, v1  }
0xe: {  	v4 =	vsel vm1, $0xFFFFFFFF, v56;
	v6 =	vsel vm1, $0xFFFFFFFF, v6;
	v2 =	vor.u32 v3, v2  }
0xf: {  	vm1 =	veq.s32 v1, $0x80000000;
	v5 =	vand.u32 $0x1FFF, v59;
	v7 =	vshrl.u32 v4, $0x2  }
0x10: {  	v57 =	vshll.u32 v6, $0x2;
	v4 =	vshll.u32 v4, $0x7;
	v1 =	vsel vm1, $0xFFFFFFFF, v60  }
0x11: {  	v5 =	vsel vm1, $0xFFFFFFFF, v5;
	v6 =	vand.u32 $0x7F, v6;
	v7 =	vmul.u32 $0x5000, v7  }
0x12: {  	v58 =	vand.u32 $0xFFFFFE00, v57;
	v4 =	vand.u32 $0x180, v4;
	v61 =	vshrl.u32 v1, $0x2  }
0x13: {  	v62 =	vshll.u32 v5, $0x2;
	v3 =	vadd.s32 v7, v58;
	v7 =	vmul.u32 $0x5000, v61  }
0x14: {  	v1 =	vshll.u32 v1, $0x7;
	v3 =	vor.u32 v4, v3;
	v4 =	vand.u32 $0xFFFFFE00, v62  }
0x15: {  	v1 =	vand.u32 $0x180, v1;
	v3 =	vor.u32 v6, v3;
	v4 =	vadd.s32 v7, v4  }
0x16: {  	[tilespmem:s16], [sflag:$0x1] =	stream.indirect_vreg.gather [hbm4b:s2+s10], $0x1, v0, vm0, $0x4038;
	v63 =	vand.u32 $0x7F, v5;
	v1 =	vor.u32 v1, v4;
	[tilespmem:$0x640] =	vst v63  }
0x17: {  	s15 =	sadd.s32 $0x10, s15;
	(ifvalue) =	ssetifvalue $0x7FFFFFFF;
	v0 =	vor.u32 v63, v1  }
0x18: {  	[tilespmem:s15], [sflag:$0x1] =	stream.indirect_vreg.gather [hbm4b:s2+s10], $0x1, v2, vm0, $0x4038;
	[tilespmem:$0x640] =	vst v63  }
0x19: {  	s15 =	sadd.s32 $0x10, s15;
	(ifvalue) =	ssetifvalue $0x7FFFFFFF  }
0x1a: {  	[tilespmem:s15], [sflag:$0x1] =	stream.indirect_vreg.gather [hbm4b:s2+s10], $0x1, v3, vm0, $0x4038;
	[tilespmem:$0x640] =	vst v63  }
0x1b: {  	s15 =	sadd.s32 $0x10, s15;
	(ifvalue) =	ssetifvalue $0x7FFFFFFF  }
0x1c: {  	[tilespmem:s15], [sflag:$0x1] =	stream.indirect_vreg.gather [hbm4b:s2+s10], $0x1, v0, vm0, $0x4038;
	[tilespmem:$0x640] =	vst v63  }
0x1d: {  	_ =	swait.ge [sflag:s4], $0x190  }
0x1e: {  	s30 =	sshrl.u32 s13, $0x3;
	[sflag:s4] =	ssyncset.done $0x0  }
0x1f: {  	s31 =	sand.u32 $0x7, s13;
	s15 =	sadd.s32 s8, s30;
	[sflag:s4] =	ssyncadd.s32 $0xFFFFFE70  }
0x20: {  	[hbm4b:s15+s31] =	stream.linear.scatter [tilespmem:s14], [sflag:$0x3], $0x190, $0x38;
	[tilespmem:$0x640] =	vst v63  }
.LBB2_5:
0x21: {  	s15 =	sadd.s32 $0x3200, s11  }
0x22: {  	p1 =	sgt.s32 s15, $0x4E1F  }
0x23: {  	s15 =	smov.u32 @p1 s5;
	p1 =	sne.s32 s12, s9  }
.Ltmp1:
0x24: {  	p0 =	slt.u32 s12, $0x2;
	(pc) =	sbr.rel @!p1 .LBB2_6-.Ltmp1, $4  }
0x25: {  	s14 =	simm.s32 @!p0 $0x3  }
0x26: {  	_ =	swait.ge @!p0 [sflag:s14], $0x190  }
0x27: {  	s16 =	sadd.s32 $0x1, s12;
	s13 =	smov.u32 s11;
	[sflag:s14] =	ssyncset.done @!p0 $0x0  }
0x28: {  	s12 =	smov.u32 s16;
	s11 =	smov.u32 s15;
	[sflag:s14] =	ssyncadd.s32 @!p0 $0xFFFFFE70  }
.LBB2_1:
0x29: {  	p0 =	sge.u32 s12, s7  }
0x2a: {  	s14 =	sxor.u32 @!p0 $0x1, s12  }
0x2b: {  	s14 =	smul.u32 @!p0 $0x640, s14  }
0x2c: {  	s31 =	sadd.s32 $0xFFFFFFFF, s12;
	s15 =	sshrl.u32 @!p0 s11, $0x3  }
0x2d: {  	s16 =	sand.u32 @!p0 $0x7, s11;
	s15 =	sadd.s32 @!p0 s3, s15;
	s14 =	sshra.s32 @!p0 s14, $0x2  }
0x2e: {  	[tilespmem:s14], [sflag:$0x2] =	stream.linear.gather @!p0 [hbm4b:s15+s16], $0x190, $0x38;
	[tilespmem:$0x640] =	vst v63  }
0x2f: {  	p0 =	sge.u32 s31, s7  }
.Ltmp2:
0x30: {  	_ = 	snop;
	(pc) =	sbr.rel @p0 .LBB2_5-.Ltmp2, $1  }
0x31: {  	_ =	sdelay $0x3  }
0x32: {  	s14 =	sand.u32 $0x1, s12  }
0x33: {  	_ =	swait.ge [sflag:s6], $0x190;
	p0 =	seq.s32 s14, $0x1;
	s14 =	simm.s32 $0x190  }
0x34: {  	[sflag:s6] =	ssyncset.done $0x0;
	s14 =	simm.s32 @!p0 $0x0  }
0x35: {  	[sflag:s6] =	ssyncadd.s32 $0xFFFFFE70;
	(ifvalue) =	ssetifvalue $0x7FFFFFFF;
	v0 =	vld.msk [tilespmem:s14+$0x0 ss:$0x1], $0xffff  }
0x36: {  	s15 =	sadd.s32 $0x10, s14  }
0x37: {  	v1 =	vld.msk [tilespmem:s15+$0x0 ss:$0x1], $0xffff;
	_ =	sdelay $0x2  }
0x38: {  	v2 =	vshrl.u32 v0, $0x2  }
0x39: {  	vm1 =	veq.s32 v0, $0x80000000;
	v0 =	vand.u32 $0x3, v0;
	v2 =	vand.u32 $0x1FFF, v2  }
0x3a: {  	v0 =	vsel vm1, $0xFFFFFFFF, v0;
	v6 =	vshrl.u32 v1, $0x2;
	v2 =	vsel vm1, $0xFFFFFFFF, v2  }
0x3b: {  	v3 =	vshrl.u32 v0, $0x2;
	v0 =	vshll.u32 v0, $0x7;
	vm1 =	veq.s32 v1, $0x80000000  }
0x3c: {  	s15 =	sadd.s32 $0x10, s15;
	v1 =	vand.u32 $0x3, v1;
	v4 =	vshll.u32 v2, $0x2;
	v3 =	vmul.u32 $0x5000, v3  }
0x3d: {  	v0 =	vand.u32 $0x180, v0;
	v7 =	vand.u32 $0x7F, v2;
	v5 =	vand.u32 $0xFFFFFE00, v4;
	v4 =	vld.msk [tilespmem:s15+$0x0 ss:$0x1], $0xffff  }
0x3e: {  	v1 =	vsel vm1, $0xFFFFFFFF, v1;
	v2 =	vadd.s32 v3, v5;
	v3 =	vand.u32 $0x1FFF, v6  }
0x3f: {  	v3 =	vsel vm1, $0xFFFFFFFF, v3;
	v0 =	vor.u32 v0, v2;
	v2 =	vshrl.u32 v1, $0x2  }
0x40: {  	v1 =	vshll.u32 v1, $0x7;
	v5 =	vshll.u32 v3, $0x2;
	v8 =	vmul.u32 $0x5000, v2  }
0x41: {  	s18 =	simm.s32 $0x30;
	s14 =	sadd.s32 $0x320, s14;
	s17 =	sadd.s32 $0x10, s15;
	v2 =	vand.u32 $0x180, v1;
	v0 =	vor.u32 v7, v0;
	v5 =	vand.u32 $0xFFFFFE00, v5  }
0x42: {  	s16 =	smov.u32 s14;
	s15 =	smov.u32 s14;
	v1 =	vld.msk [tilespmem:s17+$0x0 ss:$0x1], $0xffff;
	v3 =	vand.u32 $0x7F, v3;
	(ifvalue) =	ssetifvalue $0x7FFFFFFF;
	v6 =	vshrl.u32 v4, $0x2;
	v5 =	vadd.s32 v8, v5  }
.LBB2_3:
0x43: {  	s18 =	sadd.s32 $0x10, s18  }
0x44: {  	vm1 =	veq.s32 v4, $0x80000000;
	v4 =	vand.u32 $0x3, v4;
	v6 =	vand.u32 $0x1FFF, v6;
	s15 =	sadd.s32 $0x10, s15;
	p0 =	slt.u32 s18, $0x180  }
.Ltmp3:
0x45: {  	v5 =	vor.u32 v2, v5;
	v4 =	vsel vm1, $0xFFFFFFFF, v4;
	v7 =	vsel vm1, $0xFFFFFFFF, v6;
	(pc) =	sbr.rel @p0 .LBB2_3-.Ltmp3, $4  }
0x46: {  	v2 =	vshrl.u32 v4, $0x2;
	v6 =	vshll.u32 v7, $0x2;
	v4 =	vshll.u32 v4, $0x7;
	[tilespmem:s16], [sflag:$0x1] =	stream.indirect_vreg.gather [hbm4b:s2+s10], $0x1, v0, vm0, $0x4038;
	[tilespmem:$0x640] =	vst v63  }
0x47: {  	v0 =	vor.u32 v3, v5;
	s16 =	smov.u32 s15;
	v8 =	vmul.u32 $0x5000, v2;
	v2 =	vand.u32 $0x180, v4  }
0x48: {  	s17 =	sadd.s32 $0x10, s17;
	v9 =	vand.u32 $0xFFFFFE00, v6  }
0x49: {  	v3 =	vand.u32 $0x7F, v7;
	v6 =	vshrl.u32 v1, $0x2;
	v5 =	vadd.s32 v8, v9;
	(ifvalue) =	ssetifvalue $0x7FFFFFFF;
	v4 =	vmovc v1;
	v1 =	vld.msk [tilespmem:s17+$0x0 ss:$0x1], $0xffff  }
.Ltmp4:
0x4a: {  	_ = 	snop;
	(pc) =	sbr.rel .LBB2_4-.Ltmp4, $1  }
0x4b: {  	_ =	sdelay $0x3  }
.LBB2_6:
0x4c: {  	_ =	sfence.sel $0x180000  }
0x4d: {  	s2 =	simm.s32 $0x2;
	[bflag:$0x0] =	sbarrier.arrive $0xFFFF  }
0x4e: {  	s30 =	simm.s32 $0x3;
	[sflag:s2] =	ssyncpa.u1 $0x1  }
0x4f: {  	s31 =	simm.s32 $0x1;
	[sflag:s30] =	ssyncpa.u1 $0x1  }
0x50: {  	[sflag:s31] =	ssyncpa.u1 $0x1  }
0x51: {  	p0 =	sne.s32 s1, $0x0;
	_ =	strace $0x90000050  }
0x52: {  	s0 =	sadd.s32 @!p0 $0x100000, s0;
	[bflag:$0x2] =	sbarrier.arrive $0xFFFF  }
0x53: {  	[sflag:s0] =	ssyncadd.tile.s32 @!p0 $0x1;
	_ =	shalt  }
.Lfunc_end2:
_tile_overlayer_lowered:
.L_overlay_start_2:
0x54: {  	(tag) =	ssettag $0x2  }
0x55: {  	s0 =	rddreg [dreg:$0x0];
	s2 =	stileid.u32  }
0x56: {  	s1 =	rddreg [dreg:$0x1];
	p0 =	sne.s32 s2, $0x0  }
0x57: {  	s3 =	rddreg [dreg:$0x2];
	[bflag:$0x3] =	sbarrier.arrive $0xFFFF;
	s2 =	simm.s32 @!p0 $0x1C01  }
0x58: {  	[timem:s3], [sflag:s2] =	dma.local @!p0 [hbm:s0], s1  }
0x59: {  	s0 =	simm.s32 @!p0 $0x1  }
0x5a: {  	_ =	swait.ge @!p0 [sflag:s0], s1  }
0x5b: {  	s1 =	ssub.s32 @!p0 $0x0, s1;
	[sflag:s0] =	ssyncset.done @!p0 $0x0  }
0x5c: {  	[sflag:s0] =	ssyncadd.s32 @!p0 s1  }
0x5d: {  	[bflag:$0x3] =	sbarrier.arrive $0xFFFF  }
0x5e: {  	_ =	shalt  }

// kernel: gather_offload_async_start.2
scs
__scs_entry_jumppad:
0x0: {  	(pc) =	sbr.rel $0x88, $3  }
0x1: {  	(tag) =	ssettag $0x0;
	lr =	simm.s32 $0x1  }
0x2: {  	[smem:$0x3F9C] =	sst lr;
	_ =	strace $0xD0000000  }
0x3: {  	_ = 	snop  }
0x4: {  	_ = 	snop  }
0x5: {  	_ = 	snop  }
0x6: {  	_ = 	snop  }
0x7: {  	_ = 	snop  }
__scs_overlays_trampoline_lowered:
0x8: {  	[smem:$0x3FAB] =	sst s0  }
0x9: {  	[smem:$0x3FAC] =	sst s1  }
0xa: {  	[smem:$0x3FAD] =	sst s2  }
0xb: {  	[smem:$0x3FAE] =	sst s3  }
0xc: {  	[smem:$0x3FAF] =	sst s4  }
0xd: {  	[smem:$0x3FB0] =	sst s5  }
0xe: {  	[smem:$0x3FB1] =	sst s6  }
0xf: {  	[smem:$0x3FB2] =	sst s7  }
0x10: {  	[smem:$0x3FB3] =	sst s8  }
0x11: {  	[smem:$0x3FB4] =	sst s9;
	s0 =	simm.s32 @!p0 $0x0  }
0x12: {  	s1 =	sld [smem:$0x3F9A];
	s0 =	simm.s32 @p0 $0x1  }
0x13: {  	[smem:$0x3FB5] =	sst s0;
	s0 =	simm.s32 @!p1 $0x0  }
0x14: {  	s2 =	sld [smem:$0x3F99];
	s0 =	simm.s32 @p1 $0x1  }
0x15: {  	[smem:$0x3FB6] =	sst s0;
	s0 =	simm.s32 @!p2 $0x0  }
0x16: {  	s3 =	sld [smem:$0x3FDB];
	s0 =	simm.s32 @p2 $0x1  }
0x17: {  	s4 =	simm.s32 $0x1BF5;
	[smem:$0x3FB8] =	sst s0  }
0x18: {  	s0 =	sld [smem:$0x3F9B];
	_ =	swait.ge [sflag:s4], $0x0  }
0x19: {  	s7 =	sld [smem:$0x3F9C]  }
0x1a: {  	s8 =	sadd.s32 $0xFFFFE003, lr  }
0x1b: {  	s9 =	sadd.s32 $0xFFFFFEF7, lr;
	s5 =	simm.s32 $0xFFFFFFFF;
	p2 =	slt.u32 s8, $0xFFFFF086  }
0x1c: {  	p1 =	slt.u32 s9, $0xF7A;
	s5 =	simm.s32 @!p2 $0x0  }
0x1d: {  	s5 =	simm.s32 @p1 $0x1;
	p0 =	seq.s32 s7, s2  }
0x1e: {  	s7 =	smul.u32 @!p0 $0xF7A, s2;
	p2 =	seq.s32 @!p0 s5, $0x0  }
0x1f: {  	s9 =	smul.u32 $0xF7A, s1;
	s8 =	simm.s32 @!p0 $0x1BF5;
	p2 =	por !p2, p0  }
0x20: {  	[sflag:s8] =	ssyncset.s32 @!p0 $0xFFFFF086;
	s6 =	sadd.s32 @!p0 s3, s7;
	s7 =	simm.s32 @!p0 $0x108  }
0x21: {  	s3 =	sadd.s32 s3, s9;
	s6 =	sadd.s32 @!p0 $0x88, s6;
	s7 =	simm.s32 @p2 $0x1082  }
0x22: {  	[simem:s7], [sflag:s8] =	dma.local @!p0 [hbm:s6], $0xF7A  }
0x23: {  	s9 =	sor.u32 $0xD0000000, s2;
	s6 =	simm.s32 $0x108;
	_ =	swait.ge @!p0 [sflag:s8], $0x0  }
0x24: {  	s3 =	sadd.s32 $0x88, s3;
	s6 =	simm.s32 @!p1 $0x1082;
	[sflag:s4] =	ssyncset.s32 $0xFFFFF086  }
0x25: {  	[simem:s6], [sflag:s4] =	dma.local [hbm:s3], $0xF7A  }
0x26: {  	[smem:$0x3F9C] =	sst s1;
	(tag) =	ssettag s2;
	_ =	strace s9  }
0x27: {  	s1 =	sld [smem:$0x3FAC]  }
0x28: {  	s2 =	sld [smem:$0x3FAD]  }
0x29: {  	s4 =	sld [smem:$0x3FAF]  }
0x2a: {  	p0 =	seq.s32 s5, $0x0;
	s5 =	sld [smem:$0x3FB0]  }
0x2b: {  	s6 =	sld [smem:$0x3FB1]  }
0x2c: {  	s7 =	sld [smem:$0x3FB2]  }
0x2d: {  	s3 =	simm.s32 $0x108;
	s8 =	sld [smem:$0x3FB3]  }
0x2e: {  	s3 =	simm.s32 @!p0 $0x1082;
	s9 =	sld [smem:$0x3FB4]  }
0x2f: {  	lr =	sadd.s32 s0, s3;
	s0 =	sld [smem:$0x3FAB]  }
0x30: {  	s3 =	sld [smem:$0x3FAE]  }
0x31: {  	[smem:$0x3FB7] =	sst s10  }
0x32: {  	s10 =	sld [smem:$0x3FB5];
	_ =	sdelay $0x3  }
0x33: {  	p0 =	seq.s32 s10, $0x1;
	s10 =	sld [smem:$0x3FB7];
	_ =	sdelay $0x3  }
0x34: {  	[smem:$0x3FB7] =	sst s10  }
0x35: {  	s10 =	sld [smem:$0x3FB6];
	_ =	sdelay $0x3  }
0x36: {  	p1 =	seq.s32 s10, $0x1;
	s10 =	sld [smem:$0x3FB7];
	_ =	sdelay $0x3  }
0x37: {  	[smem:$0x3FB7] =	sst s10  }
0x38: {  	s10 =	sld [smem:$0x3FB8]  }
0x39: {  	_ = 	snop;
	(pc) =	sbr.ind lr, $3  }
0x3a: {  	_ = 	snop  }
0x3b: {  	_ = 	snop  }
0x3c: {  	p2 =	seq.s32 s10, $0x1;
	s10 =	sld [smem:$0x3FB7]  }
0x3d: {  	_ =	shalt  }
0x3e: {  	_ =	shalt  }
0x3f: {  	_ =	shalt  }
0x40: {  	_ =	shalt  }
0x41: {  	_ =	shalt  }
0x42: {  	_ =	shalt  }
0x43: {  	_ =	shalt  }
0x44: {  	_ =	shalt  }
0x45: {  	_ =	shalt  }
0x46: {  	_ =	shalt  }
0x47: {  	_ =	shalt  }
0x48: {  	_ =	shalt  }
0x49: {  	_ =	shalt  }
0x4a: {  	_ =	shalt  }
0x4b: {  	_ =	shalt  }
0x4c: {  	_ =	shalt  }
0x4d: {  	_ =	shalt  }
0x4e: {  	_ =	shalt  }
0x4f: {  	_ =	shalt  }
0x50: {  	_ =	shalt  }
0x51: {  	_ =	shalt  }
0x52: {  	_ =	shalt  }
0x53: {  	_ =	shalt  }
0x54: {  	_ =	shalt  }
0x55: {  	_ =	shalt  }
0x56: {  	_ =	shalt  }
0x57: {  	_ =	shalt  }
0x58: {  	_ =	shalt  }
0x59: {  	_ =	shalt  }
0x5a: {  	_ =	shalt  }
0x5b: {  	_ =	shalt  }
0x5c: {  	_ =	shalt  }
0x5d: {  	_ =	shalt  }
0x5e: {  	_ =	shalt  }
0x5f: {  	_ =	shalt  }
0x60: {  	_ =	shalt  }
0x61: {  	_ =	shalt  }
0x62: {  	_ =	shalt  }
0x63: {  	_ =	shalt  }
0x64: {  	_ =	shalt  }
0x65: {  	_ =	shalt  }
0x66: {  	_ =	shalt  }
0x67: {  	_ =	shalt  }
0x68: {  	_ =	shalt  }
0x69: {  	_ =	shalt  }
0x6a: {  	_ =	shalt  }
0x6b: {  	_ =	shalt  }
0x6c: {  	_ =	shalt  }
0x6d: {  	_ =	shalt  }
0x6e: {  	_ =	shalt  }
0x6f: {  	_ =	shalt  }
0x70: {  	_ =	shalt  }
0x71: {  	_ =	shalt  }
0x72: {  	_ =	shalt  }
0x73: {  	_ =	shalt  }
0x74: {  	_ =	shalt  }
0x75: {  	_ =	shalt  }
0x76: {  	_ =	shalt  }
0x77: {  	_ =	shalt  }
0x78: {  	_ =	shalt  }
0x79: {  	_ =	shalt  }
0x7a: {  	_ =	shalt  }
0x7b: {  	_ =	shalt  }
0x7c: {  	_ =	shalt  }
0x7d: {  	_ =	shalt  }
0x7e: {  	_ =	shalt  }
0x7f: {  	_ =	shalt  }
0x80: {  	_ =	shalt  }
0x81: {  	_ =	shalt  }
0x82: {  	_ =	shalt  }
0x83: {  	_ =	shalt  }
0x84: {  	_ =	shalt  }
0x85: {  	_ =	shalt  }
0x86: {  	_ =	shalt  }
0x87: {  	_ =	shalt  }
.Lfunc_end0:
.L_simem_size_0:
called_computation.4_lowered:
.L_overlay_start_0:
0x88: {  	s0 =	sld [smem:$0x3FD9]  }
0x89: {  	s1 =	sld [smem:$0x3FFE];
	_ =	sdelay $0x3  }
0x8a: {  	s0 =	sadd.s32 s1, s0  }
0x8b: {  	[smem:$0x3FC3] =	sst s0  }
0x8c: {  	_ = 	snop  }
0x8d: {  	(tm) =	ssettm $0x1  }
0x8e: {  	s15 =	sld [smem:$0x3FFB];
	_ =	sdelay $0x3  }
0x8f: {  	_ =	strace s15  }
0x90: {  	s0 =	sld [smem:$0x3FFC];
	_ =	sdelay $0x3  }
0x91: {  	_ =	strace s0  }
0x92: {  	s0 =	sld [smem:$0x3FFD];
	_ =	sdelay $0x3  }
0x93: {  	_ =	strace s0  }
0x94: {  	_ =	strace $0x8FFFFFFF  }
0x95: {  	s16 =	sld [smem:$0x3FDB];
	_ =	sdelay $0x1  }
0x96: {  	s17 =	simm.s32 $_scs_section_size  }
0x97: {  	s2 =	simm.s32 $_size__tile_overlayer_lowered;
	s3 =	simm.s32 $_tile_overlayer_lowered  }
0x98: {  	s20 =	simm.s32 $0x1BFF;
	s19 =	sshll.u32 s3, $0x1;
	s0 =	sadd.s32 s17, s16  }
0x99: {  	s4 =	simm.s32 $0x0;
	s18 =	sshll.u32 s2, $0x1;
	s2 =	sadd.s32 s19, s0  }
0x9a: {  	[timem:s4], [sflag:s20] =	dma.local [hbm:s2], s18  }
0x9b: {  	_ =	swait.ge [sflag:s20], s18  }
0x9c: {  	s1 =	ssub.s32 $0x0, s18;
	[sflag:s20] =	ssyncset.done $0x0  }
0x9d: {  	[sflag:s20] =	ssyncadd.s32 s1;
	_ =	sdelay $0x1  }
0x9e: {  	s21 =	simm.s32 $0x1B8B  }
0x9f: {  	_ =	swait.ge [sflag:s21], $0x1  }
0xa0: {  	[sflag:s21] =	ssyncset.done $0x0  }
0xa1: {  	s23 =	simm.s32 $0x1B8E;
	s22 =	sld [smem:$0x3FFE];
	[sflag:s21] =	ssyncadd.s32 $0xFFFFFFFF  }
0xa2: {  	s24 =	simm.s32 $execute0_lowered;
	[smem:$0x3FD2] =	sst s23  }
0xa3: {  	s2 =	sshll.u32 s24, $0x1;
	_ =	strace $0x80000058;
	[dreg:$0x1] =	wrdreg $0xFFFFFFFF  }
0xa4: {  	s25 =	simm.s32 $_size_execute0_lowered;
	s0 =	sadd.s32 s0, s2;
	[dreg:$0x0] =	wrdreg $0x0  }
0xa5: {  	s2 =	sshll.u32 s25, $0x1;
	[dreg:$0x2] =	wrdreg s0  }
0xa6: {  	[dreg:$0x3] =	wrdreg s2  }
0xa7: {  	[dreg:$0x4] =	wrdreg $0xC0  }
0xa8: {  	_ =	task [dreg:s4], $0x5FFFF  }
0xa9: {  	[dreg:$0x1] =	wrdreg $0xFFFFFFFF  }
0xaa: {  	[dreg:$0x0] =	wrdreg $0x60  }
0xab: {  	[dreg:$0x2] =	wrdreg s22  }
0xac: {  	[dreg:$0x3] =	wrdreg $0x9  }
0xad: {  	_ =	task.clear_ibuf [dreg:s4], $0x4FFFF;
	_ =	strace $0x90000058  }
0xae: {  	s26 =	simm.s32 $0x9;
	_ =	strace $0x8000005A  }
0xaf: {  	_ =	swait.ge [sflag:s26], $0x1  }
0xb0: {  	[sflag:s26] =	ssyncadd.s32 $0xFFFFFFFF  }
0xb1: {  	_ =	strace $0x9000005A  }
0xb2: {  	_ =	sfence  }
0xb3: {  	s28 =	sld [smem:$0x0];
	_ =	sdelay $0x1  }
0xb4: {  	s29 =	srdreg.scid  }
0xb5: {  	s30 =	sshll.u32 s29, $0xD;
	s31 =	sshrl.u32 s29, $0x2  }
0xb6: {  	s1 =	sand.u32 $0x1, s29;
	s2 =	sand.u32 $0x4000, s30;
	s0 =	sadd.s32 s31, s28  }
0xb7: {  	s1 =	sor.u32 s2, s1;
	s0 =	sshll.u32 s0, $0x11  }
0xb8: {  	s0 =	sor.u32 s0, s1  }
0xb9: {  	s0 =	sadd.s32 $0x8F2B, s0  }
0xba: {  	[sflag:s0] =	ssyncadd.remote.s32 $0x1  }
0xbb: {  	_ =	sfence.sel $0xFFFF  }
0xbc: {  	[dreg:$0x0] =	wrdreg $0xFFFFFFFF;
	(pc) =	sbr.abs _section_cstart, $3  }
0xbd: {  	[dreg:$0x1] =	wrdreg $0xFFFFFFFF  }
0xbe: {  	_ =	task.clear_ibuf [dreg:s4], $0x2FFFF;
	_ =	strace $0x9FFFFFFF  }
0xbf: {  	(tm) =	ssettm $0x7FFFFFFF  }
tec
execute0_lowered:
.L_overlay_start_1:
0x0: {  	(tag) =	ssettag $0x1  }
0x1: {  	s0 =	stileid.u32;
	s4 =	simm.s32 $0x600  }
0x2: {  	s3 =	rddreg [dreg:$0x0];
	s7 =	simm.s32 $0x1;
	s8 =	simm.s32 $0x3  }
0x3: {  	s10 =	simm.s32 $0x4;
	s11 =	simm.s32 $0x0;
	s1 =	smin.u32 s0, $0x8  }
0x4: {  	s2 =	sshll.u32 s0, $0xA;
	p0 =	slt.u32 s0, $0x8;
	s1 =	sshll.u32 s1, $0x9  }
0x5: {  	s12 =	simm.s32 $0xFFFFF800;
	s4 =	simm.s32 @!p0 $0x400;
	s2 =	sadd.s32 s2, s1  }
0x6: {  	s13 =	simm.s32 $0xFFFFFE00;
	s14 =	simm.s32 $0xFFFFFFFF;
	s4 =	sadd.s32 s4, s2  }
0x7: {  	s18 =	simm.s32 $0x0;
	s15 =	simm.s32 $0x0;
	s4 =	smin.u32 s4, $0x4E20  }
0x8: {  	s17 =	simm.s32 $0x0;
	s1 =	rddreg [dreg:$0x1];
	s9 =	ssub.s32 s4, s2  }
.Ltmp0:
0x9: {  	_ =	strace $0x80000059;
	p0 =	sgt.s32 s9, $0x0;
	(pc) =	sbr.rel .LBB2_1-.Ltmp0, $4  }
0xa: {  	[sflag:s7] =	ssyncpa.u1 $0x0;
	s7 =	simm.s32 $0x2;
	s9 =	simm.s32 @!p0 $0x0  }
0xb: {  	s5 =	sadd.s32 $0x400, s3;
	[sflag:s7] =	ssyncpa.u1 $0x0;
	s9 =	sadd.s32 $0x1FF, s9  }
0xc: {  	s6 =	sadd.s32 $0x4C00, s3;
	[sflag:s8] =	ssyncpa.u1 $0x0;
	s9 =	sshrl.u32 s9, $0x9  }
0xd: {  	v0 =	vlaneseq.u32;
	vm0 =	vmmov $0xffff;
	s16 =	smov.u32 s2;
	[sflag:s10] =	ssyncpa.u1 $0x0;
	s10 =	sadd.s32 $0x2, s9  }
.LBB2_7:
0xe: {  	p0 =	slt.u32 s17, $0x3  }
0xf: {  	s18 =	simm.s32 @!p0 $0x4  }
0x10: {  	_ =	swait.ge @!p0 [sflag:s18], $0x80  }
0x11: {  	s19 =	sadd.s32 $0x200, s16;
	[sflag:s18] =	ssyncset.done @!p0 $0x0  }
0x12: {  	s20 =	smov.u32 s2;
	[sflag:s18] =	ssyncadd.s32 @!p0 $0xFFFFFF80;
	p0 =	slt.s32 s19, s4  }
0x13: {  	s20 =	smov.u32 @p0 s19;
	p0 =	sne.s32 s17, s10  }
.Ltmp1:
0x14: {  	_ = 	snop;
	(pc) =	sbr.rel @!p0 .LBB2_8-.Ltmp1, $4  }
0x15: {  	_ = 	snop  }
0x16: {  	s31 =	sadd.s32 $0x1, s17;
	s12 =	sadd.s32 $0x800, s12  }
0x17: {  	s13 =	sadd.s32 $0x200, s13;
	s14 =	sadd.s32 $0x1, s14;
	s18 =	smov.u32 s15  }
0x18: {  	s15 =	smov.u32 s16;
	s17 =	smov.u32 s31;
	s16 =	smov.u32 s20  }
.LBB2_1:
0x19: {  	p0 =	sge.u32 s17, s9  }
0x1a: {  	s19 =	smulhi.u32 @!p0 $0xAAAAAAAB, s17;
	_ =	sdelay $0x1  }
0x1b: {  	s19 =	sshrl.u32 @!p0 s19, $0x1  }
0x1c: {  	s19 =	smul.u32 @!p0 $0x3, s19;
	_ =	sdelay $0x1  }
0x1d: {  	s31 =	sadd.s32 $0xFFFFFFFF, s17;
	s20 =	sshrl.u32 @!p0 s16, $0x3;
	s19 =	ssub.s32 @!p0 s17, s19  }
0x1e: {  	s21 =	sand.u32 @!p0 $0x7, s16;
	s20 =	sadd.s32 @!p0 s5, s20;
	s19 =	sshll.u32 @!p0 s19, $0x9  }
0x1f: {  	[tilespmem:s19], [sflag:$0x2] =	stream.linear.gather @!p0 [hbm4b:s20+s21], $0x200, $0x38;
	[tilespmem:$0xB00] =	vst v63  }
0x20: {  	p0 =	sge.u32 s31, s9  }
.Ltmp2:
0x21: {  	_ = 	snop;
	(pc) =	sbr.rel @p0 .LBB2_5-.Ltmp2, $1  }
0x22: {  	_ =	sdelay $0x3  }
0x23: {  	s19 =	smulhi.u32 $0xAAAAAAAB, s14;
	_ =	sdelay $0x1  }
0x24: {  	s19 =	sshrl.u32 s19, $0x1  }
0x25: {  	s19 =	smul.u32 $0xFFFFE800, s19;
	_ =	sdelay $0x1  }
0x26: {  	_ =	swait.ge [sflag:s7], $0x200;
	s19 =	sshra.s32 s19, $0x2  }
0x27: {  	[sflag:s7] =	ssyncset.done $0x0;
	s20 =	sadd.s32 s19, s13  }
0x28: {  	[sflag:s7] =	ssyncadd.s32 $0xFFFFFE00;
	(ifvalue) =	ssetifvalue $0x7FFFFFFF;
	s19 =	ssub.s32 $0x4E20, s15;
	v1 =	vld.msk [tilespmem:s20+$0x0 ss:$0x1], $0xffff  }
0x29: {  	p0 =	slt.s32 s19, $0x200  }
0x2a: {  	s19 =	simm.s32 @!p0 $0x200  }
0x2b: {  	p0 =	sgt.s32 s19, $0x0  }
0x2c: {  	s25 =	sadd.s32 $0x10, s20;
	s21 =	sadd.s32 $0xFFFFFFF0, s19;
	s19 =	simm.s32 @!p0 $0x0  }
0x2d: {  	v2 =	vld.msk [tilespmem:s25+$0x0 ss:$0x1], $0xffff;
	p0 =	sgt.s32 s21, $0x0;
	s19 =	smin.u32 s19, $0x10;
	vm1 =	veq.s32 v1, $0x80000000;
	v3 =	vand.u32 $0x3, v1  }
0x2e: {  	s22 =	sadd.s32 $0xFFFFFFF0, s21;
	s21 =	simm.s32 @!p0 $0x0;
	v4 =	vmov s19;
	v3 =	vsel vm1, $0xFFFFFFFF, v3  }
0x2f: {  	v1 =	vand.u32 $0x7FFC, v1;
	s31 =	smin.u32 s21, $0x10;
	vm2 =	vgt.u32 v4, v0;
	v4 =	vshrl.u32 v3, $0x2  }
0x30: {  	v1 =	vsel vm1, $0xFFFFFFFC, v1;
	v5 =	vmov s31;
	v4 =	vmul.u32 $0x5000, v4  }
0x31: {  	v6 =	vand.u32 $0xFFFFFE00, v1;
	vm3 =	vgt.u32 v5, v0;
	vm1 =	vmmov vm2  }
0x32: {  	s19 =	sadd.s32 $0x10, s25;
	v5 =	vand.u32 $0x7FFC, v2;
	v1 =	vand.u32 $0x1FC, v1;
	v4 =	vadd.s32 v6, v4  }
0x33: {  	p0 =	sgt.s32 s22, $0x0;
	s21 =	smov.u32 s22;
	vm2 =	veq.s32 v2, $0x80000000;
	v2 =	vand.u32 $0x3, v2;
	v6 =	vld.msk [tilespmem:s19+$0x0 ss:$0x1], $0xffff;
	v1 =	vor.u32 v1, v4  }
0x34: {  	s21 =	simm.s32 @!p0 $0x0;
	v3 =	vand.u32 $0x3, v3;
	v2 =	vsel vm2, $0xFFFFFFFF, v2;
	v1 =	vshrl.u32 v1, $0x2  }
0x35: {  	s23 =	sshrl.u32 s12, $0x2;
	s26 =	sadd.s32 $0xFFFFFFF0, s22;
	s21 =	smin.u32 s21, $0x10;
	v4 =	vsel vm2, $0xFFFFFFFC, v5;
	v5 =	vshrl.u32 v2, $0x2;
	v1 =	vnsel vm1, $0x7FFFFFFF, v1  }
0x36: {  	s24 =	sand.u32 $0x200, s23;
	s23 =	smov.u32 s26;
	[tilespmem:s20+$0x0] =	vst v3;
	v3 =	vmov s21;
	v2 =	vand.u32 $0x3, v2;
	v5 =	vmul.u32 $0x5000, v5  }
0x37: {  	s22 =	sadd.s32 $0x600, s24;
	s24 =	simm.s32 $0x30;
	p0 =	sgt.s32 s26, $0x0;
	vm2 =	vmmov vm3;
	v7 =	vand.u32 $0xFFFFFE00, v4;
	v4 =	vand.u32 $0x1FC, v4  }
0x38: {  	s23 =	simm.s32 @!p0 $0x0;
	s20 =	sadd.s32 $0x10, s19;
	(ifvalue) =	ssetifvalue $0x7FFFFFFF;
	vm1 =	vgt.u32 v3, v0;
	v7 =	vadd.s32 v7, v5;
	v3 =	vand.u32 $0x7FFC, v6  }
0x39: {  	s21 =	sadd.s32 $0x10, s22;
	[tilespmem:s25+$0x0] =	vst v2;
	v2 =	vld.msk [tilespmem:s20+$0x0 ss:$0x1], $0xffff;
	(ifvalue) =	ssetifvalue $0x7FFFFFFF;
	s25 =	sadd.s32 $0xFFFFFFF0, s26;
	vm3 =	veq.s32 v6, $0x80000000;
	v5 =	vand.u32 $0x3, v6;
	v4 =	vor.u32 v4, v7  }
.LBB2_3:
0x3a: {  	[tilespmem:s22], [sflag:$0x3] =	stream.indirect_vreg.gather [hbm4b:s3+s11], $0x1, v1, vm0, $0x4038;
	[tilespmem:$0xB00] =	vst v63  }
0x3b: {  	p0 =	sgt.s32 s25, $0x0  }
0x3c: {  	s22 =	smin.u32 s23, $0x10;
	s23 =	smov.u32 s25;
	s24 =	sadd.s32 $0x10, s24  }
0x3d: {  	v5 =	vsel vm3, $0xFFFFFFFF, v5;
	v6 =	vsel vm3, $0xFFFFFFFC, v3;
	v3 =	vshrl.u32 v4, $0x2;
	s23 =	simm.s32 @!p0 $0x0;
	p0 =	slt.u32 s24, $0x1F0  }
.Ltmp3:
0x3e: {  	v4 =	vshrl.u32 v5, $0x2;
	v7 =	vand.u32 $0xFFFFFE00, v6;
	v1 =	vnsel vm2, $0x7FFFFFFF, v3;
	(pc) =	sbr.rel @p0 .LBB2_3-.Ltmp3, $4  }
0x3f: {  	v3 =	vmov s22;
	v8 =	vand.u32 $0x3, v5;
	s22 =	smov.u32 s21;
	v4 =	vmul.u32 $0x5000, v4  }
0x40: {  	vm2 =	vmmov vm1;
	vm1 =	vgt.u32 v3, v0;
	[tilespmem:s19+$0x0] =	vst v8;
	s19 =	smov.u32 s20;
	s20 =	sadd.s32 $0x10, s20  }
0x41: {  	v6 =	vand.u32 $0x1FC, v6;
	v3 =	vand.u32 $0x7FFC, v2;
	v5 =	vmovc v2;
	v4 =	vadd.s32 v7, v4;
	(ifvalue) =	ssetifvalue $0x7FFFFFFF;
	v2 =	vld.msk [tilespmem:s20+$0x0 ss:$0x1], $0xffff  }
0x42: {  	s25 =	sadd.s32 $0xFFFFFFF0, s25;
	s21 =	sadd.s32 $0x10, s21;
	vm3 =	veq.s32 v5, $0x80000000;
	v5 =	vand.u32 $0x3, v5;
	v4 =	vor.u32 v6, v4  }
0x43: {  	_ = 	snop  }
0x44: {  	v5 =	vsel vm3, $0xFFFFFFFF, v5;
	v3 =	vsel vm3, $0xFFFFFFFC, v3  }
0x45: {  	v4 =	vshrl.u32 v4, $0x2;
	s23 =	smin.u32 s23, $0x10;
	vm1 =	vmmov vm1;
	v6 =	vshrl.u32 v5, $0x2  }
0x46: {  	v8 =	vmov s23;
	vm3 =	veq.s32 v2, $0x80000000;
	v7 =	vand.u32 $0x3, v2  }
0x47: {  	v61 =	vand.u32 $0xFFFFFE00, v3;
	v6 =	vmul.u32 $0x5000, v6;
	v7 =	vsel vm3, $0xFFFFFFFF, v7  }
0x48: {  	v3 =	vand.u32 $0x1FC, v3;
	v2 =	vand.u32 $0x7FFC, v2;
	v9 =	vshrl.u32 v7, $0x2  }
0x49: {  	v2 =	vsel vm3, $0xFFFFFFFC, v2;
	v6 =	vadd.s32 v61, v6;
	v9 =	vmul.u32 $0x5000, v9  }
0x4a: {  	v4 =	vnsel vm2, $0x7FFFFFFF, v4;
	v62 =	vand.u32 $0xFFFFFE00, v2;
	v3 =	vor.u32 v3, v6  }
0x4b: {  	v2 =	vand.u32 $0x1FC, v2;
	v3 =	vshrl.u32 v3, $0x2;
	v63 =	vadd.s32 v62, v9  }
0x4c: {  	vm3 =	vgt.u32 v8, v0;
	v3 =	vnsel vm1, $0x7FFFFFFF, v3;
	v2 =	vor.u32 v2, v63  }
0x4d: {  	[tilespmem:s22], [sflag:$0x3] =	stream.indirect_vreg.gather [hbm4b:s3+s11], $0x1, v1, vm0, $0x4038;
	v5 =	vand.u32 $0x3, v5;
	vm1 =	vmmov vm3;
	v1 =	vshrl.u32 v2, $0x2;
	[tilespmem:$0xB00] =	vst v63  }
0x4e: {  	[tilespmem:s19+$0x0] =	vst v5;
	(ifvalue) =	ssetifvalue $0x7FFFFFFF;
	v1 =	vnsel vm1, $0x7FFFFFFF, v1  }
0x4f: {  	[tilespmem:s21], [sflag:$0x3] =	stream.indirect_vreg.gather [hbm4b:s3+s11], $0x1, v4, vm0, $0x4038;
	v2 =	vand.u32 $0x3, v7;
	[tilespmem:$0xB00] =	vst v63  }
0x50: {  	s31 =	sadd.s32 $0x10, s21;
	[tilespmem:s20+$0x0] =	vst v2;
	(ifvalue) =	ssetifvalue $0x7FFFFFFF  }
0x51: {  	[tilespmem:s31], [sflag:$0x3] =	stream.indirect_vreg.gather [hbm4b:s3+s11], $0x1, v3, vm0, $0x4038;
	[tilespmem:$0xB00] =	vst v63  }
0x52: {  	s19 =	sadd.s32 $0x10, s31  }
0x53: {  	[tilespmem:s19], [sflag:$0x3] =	stream.indirect_vreg.gather [hbm4b:s3+s11], $0x1, v1, vm0, $0x4038;
	[tilespmem:$0xB00] =	vst v63  }
.LBB2_5:
0x54: {  	p0 =	slt.u32 s17, $0x2  }
0x55: {  	p1 =	sge.u32 @!p0 s17, s10  }
0x56: {  	p0 =	por p0, p1  }
.Ltmp4:
0x57: {  	_ = 	snop;
	(pc) =	sbr.rel @p0 .LBB2_7-.Ltmp4, $1  }
0x58: {  	_ =	sdelay $0x3  }
0x59: {  	s19 =	sadd.s32 $0xFFFFFFFE, s17  }
0x5a: {  	s20 =	smulhi.u32 $0xAAAAAAAB, s19  }
0x5b: {  	_ =	swait.ge [sflag:s8], $0x200  }
0x5c: {  	s21 =	sand.u32 $0x1, s17;
	[sflag:s8] =	ssyncset.done $0x0;
	s20 =	sshrl.u32 s20, $0x1  }
0x5d: {  	s28 =	sshll.u32 s21, $0x9;
	[sflag:s8] =	ssyncadd.s32 $0xFFFFFE00;
	s20 =	smul.u32 $0x3, s20  }
0x5e: {  	v1 =	vld [tilespmem:s28+$0x600]  }
0x5f: {  	v3 =	vld [tilespmem:s28+$0x680];
	s20 =	ssub.s32 s19, s20  }
0x60: {  	v6 =	vld [tilespmem:s28+$0x700];
	s20 =	sshll.u32 s20, $0x9  }
0x61: {  	v2 =	vld [tilespmem:s20+$0x0]  }
0x62: {  	v4 =	vld [tilespmem:s20+$0x80]  }
0x63: {  	v5 =	vld [tilespmem:s20+$0x100]  }
0x64: {  	v7 =	vld [tilespmem:s20+$0x180];
	_ =	sdelay $0x1  }
0x65: {  	v8 =	vld [tilespmem:s28+$0x780]  }
0x66: {  	v2 =	vshll.u32 v2, $0x3;
	v4 =	vshll.u32 v4, $0x3  }
0x67: {  	v1 =	vshrl.u32 v1, v2;
	v2 =	vshrl.u32 v3, v4;
	v3 =	vshll.u32 v5, $0x3  }
0x68: {  	v21 =	vshll.u32 v7, $0x3;
	v2 =	vshll.u32 v2, $0x8;
	v3 =	vshrl.u32 v6, v3  }
0x69: {  	v1 =	vand.u32 $0xFF, v1;
	v2 =	vand.u32 $0xFF00, v2;
	v3 =	vshll.u32 v3, $0x10  }
0x6a: {  	v1 =	vor.u32 v1, v2;
	v2 =	vand.u32 $0xFF0000, v3;
	v3 =	vshrl.u32 v8, v21  }
0x6b: {  	v1 =	vor.u32 v2, v1;
	v2 =	vshll.u32 v3, $0x18  }
0x6c: {  	s21 =	sshll.u32 s21, $0x7;
	v1 =	vor.u32 v2, v1  }
0x6d: {  	[tilespmem:s21+$0xA00] =	vst v1  }
0x6e: {  	v1 =	vld [tilespmem:s28+$0x610]  }
0x6f: {  	v2 =	vld [tilespmem:s20+$0x10]  }
0x70: {  	v3 =	vld [tilespmem:s28+$0x690]  }
0x71: {  	v22 =	vld [tilespmem:s20+$0x90]  }
0x72: {  	v23 =	vld [tilespmem:s20+$0x110]  }
0x73: {  	v24 =	vld [tilespmem:s28+$0x710]  }
0x74: {  	v25 =	vld [tilespmem:s20+$0x190];
	_ =	sdelay $0x1  }
0x75: {  	v26 =	vld [tilespmem:s28+$0x790]  }
0x76: {  	v2 =	vshll.u32 v2, $0x3;
	v4 =	vshll.u32 v22, $0x3  }
0x77: {  	v1 =	vshrl.u32 v1, v2;
	v2 =	vshrl.u32 v3, v4;
	v3 =	vshll.u32 v23, $0x3  }
0x78: {  	v27 =	vshll.u32 v25, $0x3;
	v2 =	vshll.u32 v2, $0x8;
	v3 =	vshrl.u32 v24, v3  }
0x79: {  	v1 =	vand.u32 $0xFF, v1;
	v2 =	vand.u32 $0xFF00, v2;
	v3 =	vshll.u32 v3, $0x10  }
0x7a: {  	v1 =	vor.u32 v1, v2;
	v2 =	vand.u32 $0xFF0000, v3;
	v3 =	vshrl.u32 v26, v27  }
0x7b: {  	v1 =	vor.u32 v2, v1;
	v2 =	vshll.u32 v3, $0x18  }
0x7c: {  	v1 =	vor.u32 v2, v1  }
0x7d: {  	[tilespmem:s21+$0xA10] =	vst v1  }
0x7e: {  	v1 =	vld [tilespmem:s28+$0x620]  }
0x7f: {  	v2 =	vld [tilespmem:s20+$0x20]  }
0x80: {  	v3 =	vld [tilespmem:s28+$0x6A0]  }
0x81: {  	v28 =	vld [tilespmem:s20+$0xA0]  }
0x82: {  	v29 =	vld [tilespmem:s20+$0x120]  }
0x83: {  	v30 =	vld [tilespmem:s28+$0x720]  }
0x84: {  	v31 =	vld [tilespmem:s20+$0x1A0];
	_ =	sdelay $0x1  }
0x85: {  	v32 =	vld [tilespmem:s28+$0x7A0]  }
0x86: {  	v2 =	vshll.u32 v2, $0x3;
	v4 =	vshll.u32 v28, $0x3  }
0x87: {  	v1 =	vshrl.u32 v1, v2;
	v2 =	vshrl.u32 v3, v4;
	v3 =	vshll.u32 v29, $0x3  }
0x88: {  	v33 =	vshll.u32 v31, $0x3;
	v2 =	vshll.u32 v2, $0x8;
	v3 =	vshrl.u32 v30, v3  }
0x89: {  	v1 =	vand.u32 $0xFF, v1;
	v2 =	vand.u32 $0xFF00, v2;
	v3 =	vshll.u32 v3, $0x10  }
0x8a: {  	v1 =	vor.u32 v1, v2;
	v2 =	vand.u32 $0xFF0000, v3;
	v3 =	vshrl.u32 v32, v33  }
0x8b: {  	v1 =	vor.u32 v2, v1;
	v2 =	vshll.u32 v3, $0x18  }
0x8c: {  	v1 =	vor.u32 v2, v1  }
0x8d: {  	[tilespmem:s21+$0xA20] =	vst v1  }
0x8e: {  	v1 =	vld [tilespmem:s28+$0x630]  }
0x8f: {  	v2 =	vld [tilespmem:s20+$0x30]  }
0x90: {  	v3 =	vld [tilespmem:s28+$0x6B0]  }
0x91: {  	v34 =	vld [tilespmem:s20+$0xB0]  }
0x92: {  	v35 =	vld [tilespmem:s20+$0x130]  }
0x93: {  	v36 =	vld [tilespmem:s28+$0x730]  }
0x94: {  	v37 =	vld [tilespmem:s20+$0x1B0];
	_ =	sdelay $0x1  }
0x95: {  	v38 =	vld [tilespmem:s28+$0x7B0]  }
0x96: {  	v2 =	vshll.u32 v2, $0x3;
	v4 =	vshll.u32 v34, $0x3  }
0x97: {  	v1 =	vshrl.u32 v1, v2;
	v2 =	vshrl.u32 v3, v4;
	v3 =	vshll.u32 v35, $0x3  }
0x98: {  	v39 =	vshll.u32 v37, $0x3;
	v2 =	vshll.u32 v2, $0x8;
	v3 =	vshrl.u32 v36, v3  }
0x99: {  	v1 =	vand.u32 $0xFF, v1;
	v2 =	vand.u32 $0xFF00, v2;
	v3 =	vshll.u32 v3, $0x10  }
0x9a: {  	v1 =	vor.u32 v1, v2;
	v2 =	vand.u32 $0xFF0000, v3;
	v3 =	vshrl.u32 v38, v39  }
0x9b: {  	v1 =	vor.u32 v2, v1;
	v2 =	vshll.u32 v3, $0x18  }
0x9c: {  	v1 =	vor.u32 v2, v1  }
0x9d: {  	[tilespmem:s21+$0xA30] =	vst v1  }
0x9e: {  	v1 =	vld [tilespmem:s28+$0x640]  }
0x9f: {  	v2 =	vld [tilespmem:s20+$0x40]  }
0xa0: {  	v3 =	vld [tilespmem:s28+$0x6C0]  }
0xa1: {  	v40 =	vld [tilespmem:s20+$0xC0]  }
0xa2: {  	v41 =	vld [tilespmem:s20+$0x140]  }
0xa3: {  	v42 =	vld [tilespmem:s28+$0x740]  }
0xa4: {  	v43 =	vld [tilespmem:s20+$0x1C0];
	_ =	sdelay $0x1  }
0xa5: {  	v44 =	vld [tilespmem:s28+$0x7C0]  }
0xa6: {  	v2 =	vshll.u32 v2, $0x3;
	v4 =	vshll.u32 v40, $0x3  }
0xa7: {  	v1 =	vshrl.u32 v1, v2;
	v2 =	vshrl.u32 v3, v4;
	v3 =	vshll.u32 v41, $0x3  }
0xa8: {  	v45 =	vshll.u32 v43, $0x3;
	v2 =	vshll.u32 v2, $0x8;
	v3 =	vshrl.u32 v42, v3  }
0xa9: {  	v1 =	vand.u32 $0xFF, v1;
	v2 =	vand.u32 $0xFF00, v2;
	v3 =	vshll.u32 v3, $0x10  }
0xaa: {  	v1 =	vor.u32 v1, v2;
	v2 =	vand.u32 $0xFF0000, v3;
	v3 =	vshrl.u32 v44, v45  }
0xab: {  	v1 =	vor.u32 v2, v1;
	v2 =	vshll.u32 v3, $0x18  }
0xac: {  	v1 =	vor.u32 v2, v1  }
0xad: {  	[tilespmem:s21+$0xA40] =	vst v1  }
0xae: {  	v1 =	vld [tilespmem:s28+$0x650]  }
0xaf: {  	v2 =	vld [tilespmem:s20+$0x50]  }
0xb0: {  	v3 =	vld [tilespmem:s28+$0x6D0]  }
0xb1: {  	v46 =	vld [tilespmem:s20+$0xD0]  }
0xb2: {  	v47 =	vld [tilespmem:s20+$0x150]  }
0xb3: {  	v48 =	vld [tilespmem:s28+$0x750]  }
0xb4: {  	v49 =	vld [tilespmem:s20+$0x1D0];
	_ =	sdelay $0x1  }
0xb5: {  	v50 =	vld [tilespmem:s28+$0x7D0]  }
0xb6: {  	v2 =	vshll.u32 v2, $0x3;
	v4 =	vshll.u32 v46, $0x3  }
0xb7: {  	v1 =	vshrl.u32 v1, v2;
	v2 =	vshrl.u32 v3, v4;
	v3 =	vshll.u32 v47, $0x3  }
0xb8: {  	v51 =	vshll.u32 v49, $0x3;
	v2 =	vshll.u32 v2, $0x8;
	v3 =	vshrl.u32 v48, v3  }
0xb9: {  	v1 =	vand.u32 $0xFF, v1;
	v2 =	vand.u32 $0xFF00, v2;
	v3 =	vshll.u32 v3, $0x10  }
0xba: {  	v1 =	vor.u32 v1, v2;
	v2 =	vand.u32 $0xFF0000, v3;
	v3 =	vshrl.u32 v50, v51  }
0xbb: {  	v1 =	vor.u32 v2, v1;
	v2 =	vshll.u32 v3, $0x18  }
0xbc: {  	v1 =	vor.u32 v2, v1  }
0xbd: {  	[tilespmem:s21+$0xA50] =	vst v1  }
0xbe: {  	v1 =	vld [tilespmem:s28+$0x660]  }
0xbf: {  	v2 =	vld [tilespmem:s20+$0x60]  }
0xc0: {  	v3 =	vld [tilespmem:s28+$0x6E0]  }
0xc1: {  	v52 =	vld [tilespmem:s20+$0xE0]  }
0xc2: {  	v53 =	vld [tilespmem:s20+$0x160]  }
0xc3: {  	v54 =	vld [tilespmem:s28+$0x760]  }
0xc4: {  	v55 =	vld [tilespmem:s20+$0x1E0];
	_ =	sdelay $0x1  }
0xc5: {  	v56 =	vld [tilespmem:s28+$0x7E0]  }
0xc6: {  	v2 =	vshll.u32 v2, $0x3;
	v4 =	vshll.u32 v52, $0x3  }
0xc7: {  	v1 =	vshrl.u32 v1, v2;
	v2 =	vshrl.u32 v3, v4;
	v3 =	vshll.u32 v53, $0x3  }
0xc8: {  	v57 =	vshll.u32 v55, $0x3;
	v2 =	vshll.u32 v2, $0x8;
	v3 =	vshrl.u32 v54, v3  }
0xc9: {  	v1 =	vand.u32 $0xFF, v1;
	v2 =	vand.u32 $0xFF00, v2;
	v3 =	vshll.u32 v3, $0x10  }
0xca: {  	v1 =	vor.u32 v1, v2;
	v2 =	vand.u32 $0xFF0000, v3;
	v3 =	vshrl.u32 v56, v57  }
0xcb: {  	v1 =	vor.u32 v2, v1;
	v2 =	vshll.u32 v3, $0x18  }
0xcc: {  	v1 =	vor.u32 v2, v1  }
0xcd: {  	[tilespmem:s21+$0xA60] =	vst v1  }
0xce: {  	v1 =	vld [tilespmem:s28+$0x670]  }
0xcf: {  	v2 =	vld [tilespmem:s20+$0x70]  }
0xd0: {  	v3 =	vld [tilespmem:s28+$0x6F0]  }
0xd1: {  	v58 =	vld [tilespmem:s20+$0xF0]  }
0xd2: {  	v59 =	vld [tilespmem:s20+$0x170]  }
0xd3: {  	v60 =	vld [tilespmem:s28+$0x770]  }
0xd4: {  	v61 =	vld [tilespmem:s20+$0x1F0];
	_ =	sdelay $0x1  }
0xd5: {  	v62 =	vld [tilespmem:s28+$0x7F0]  }
0xd6: {  	v2 =	vshll.u32 v2, $0x3;
	v4 =	vshll.u32 v58, $0x3  }
0xd7: {  	v1 =	vshrl.u32 v1, v2;
	v2 =	vshrl.u32 v3, v4;
	v3 =	vshll.u32 v59, $0x3  }
0xd8: {  	v63 =	vshll.u32 v61, $0x3;
	v3 =	vshrl.u32 v60, v3;
	v2 =	vshll.u32 v2, $0x8  }
0xd9: {  	v1 =	vand.u32 $0xFF, v1;
	v2 =	vand.u32 $0xFF00, v2;
	v3 =	vshll.u32 v3, $0x10  }
.Ltmp5:
0xda: {  	v1 =	vor.u32 v1, v2;
	v2 =	vshrl.u32 v62, v63;
	v3 =	vand.u32 $0xFF0000, v3;
	(pc) =	sbr.rel .LBB2_7-.Ltmp5, $4  }
0xdb: {  	v1 =	vor.u32 v3, v1;
	v2 =	vshll.u32 v2, $0x18  }
0xdc: {  	s29 =	sshrl.u32 s18, $0x2;
	s30 =	sshrl.u32 s18, $0x5;
	v1 =	vor.u32 v2, v1  }
0xdd: {  	s18 =	sadd.s32 s30, s6;
	s31 =	sor.u32 $0xA00, s21;
	s19 =	sand.u32 $0x7, s29;
	[tilespmem:s21+$0xA70] =	vst v1  }
0xde: {  	[hbm4b:s18+s19] =	stream.linear.scatter [tilespmem:s31], [sflag:$0x4], $0x80, $0x38;
	[tilespmem:$0xB00] =	vst v63  }
.LBB2_8:
0xdf: {  	_ =	sfence.sel $0x180000  }
0xe0: {  	s2 =	simm.s32 $0x2;
	[bflag:$0x0] =	sbarrier.arrive $0xFFFF  }
0xe1: {  	s29 =	simm.s32 $0x3;
	[sflag:s2] =	ssyncpa.u1 $0x1  }
0xe2: {  	s30 =	simm.s32 $0x4;
	[sflag:s29] =	ssyncpa.u1 $0x1  }
0xe3: {  	s31 =	simm.s32 $0x1;
	[sflag:s30] =	ssyncpa.u1 $0x1  }
0xe4: {  	[sflag:s31] =	ssyncpa.u1 $0x1  }
0xe5: {  	p0 =	sne.s32 s0, $0x0;
	_ =	strace $0x90000059  }
0xe6: {  	s0 =	sadd.s32 @!p0 $0x100000, s1;
	[bflag:$0x2] =	sbarrier.arrive $0xFFFF  }
0xe7: {  	[sflag:s0] =	ssyncadd.tile.s32 @!p0 $0x1;
	_ =	shalt  }
.Lfunc_end2:
_tile_overlayer_lowered:
.L_overlay_start_2:
0xe8: {  	(tag) =	ssettag $0x2  }
0xe9: {  	s0 =	rddreg [dreg:$0x0];
	s2 =	stileid.u32  }
0xea: {  	s1 =	rddreg [dreg:$0x1];
	p0 =	sne.s32 s2, $0x0  }
0xeb: {  	s3 =	rddreg [dreg:$0x2];
	[bflag:$0x3] =	sbarrier.arrive $0xFFFF;
	s2 =	simm.s32 @!p0 $0x1C01  }
0xec: {  	[timem:s3], [sflag:s2] =	dma.local @!p0 [hbm:s0], s1  }
0xed: {  	s0 =	simm.s32 @!p0 $0x1  }
0xee: {  	_ =	swait.ge @!p0 [sflag:s0], s1  }
0xef: {  	s1 =	ssub.s32 @!p0 $0x0, s1;
	[sflag:s0] =	ssyncset.done @!p0 $0x0  }
0xf0: {  	[sflag:s0] =	ssyncadd.s32 @!p0 s1  }
0xf1: {  	[bflag:$0x3] =	sbarrier.arrive $0xFFFF  }
0xf2: {  	_ =	shalt  }

// kernel: gather_offload_async_start.3
scs
__scs_entry_jumppad:
0x0: {  	(pc) =	sbr.rel $0x88, $3  }
0x1: {  	(tag) =	ssettag $0x0;
	lr =	simm.s32 $0x1  }
0x2: {  	[smem:$0x3F9C] =	sst lr;
	_ =	strace $0xD0000000  }
0x3: {  	_ = 	snop  }
0x4: {  	_ = 	snop  }
0x5: {  	_ = 	snop  }
0x6: {  	_ = 	snop  }
0x7: {  	_ = 	snop  }
__scs_overlays_trampoline_lowered:
0x8: {  	[smem:$0x3FAB] =	sst s0  }
0x9: {  	[smem:$0x3FAC] =	sst s1  }
0xa: {  	[smem:$0x3FAD] =	sst s2  }
0xb: {  	[smem:$0x3FAE] =	sst s3  }
0xc: {  	[smem:$0x3FAF] =	sst s4  }
0xd: {  	[smem:$0x3FB0] =	sst s5  }
0xe: {  	[smem:$0x3FB1] =	sst s6  }
0xf: {  	[smem:$0x3FB2] =	sst s7  }
0x10: {  	[smem:$0x3FB3] =	sst s8  }
0x11: {  	[smem:$0x3FB4] =	sst s9;
	s0 =	simm.s32 @!p0 $0x0  }
0x12: {  	s1 =	sld [smem:$0x3F9A];
	s0 =	simm.s32 @p0 $0x1  }
0x13: {  	[smem:$0x3FB5] =	sst s0;
	s0 =	simm.s32 @!p1 $0x0  }
0x14: {  	s2 =	sld [smem:$0x3F99];
	s0 =	simm.s32 @p1 $0x1  }
0x15: {  	[smem:$0x3FB6] =	sst s0;
	s0 =	simm.s32 @!p2 $0x0  }
0x16: {  	s3 =	sld [smem:$0x3FDB];
	s0 =	simm.s32 @p2 $0x1  }
0x17: {  	s4 =	simm.s32 $0x1BF5;
	[smem:$0x3FB8] =	sst s0  }
0x18: {  	s0 =	sld [smem:$0x3F9B];
	_ =	swait.ge [sflag:s4], $0x0  }
0x19: {  	s7 =	sld [smem:$0x3F9C]  }
0x1a: {  	s8 =	sadd.s32 $0xFFFFE003, lr  }
0x1b: {  	s9 =	sadd.s32 $0xFFFFFEF7, lr;
	s5 =	simm.s32 $0xFFFFFFFF;
	p2 =	slt.u32 s8, $0xFFFFF086  }
0x1c: {  	p1 =	slt.u32 s9, $0xF7A;
	s5 =	simm.s32 @!p2 $0x0  }
0x1d: {  	s5 =	simm.s32 @p1 $0x1;
	p0 =	seq.s32 s7, s2  }
0x1e: {  	s7 =	smul.u32 @!p0 $0xF7A, s2;
	p2 =	seq.s32 @!p0 s5, $0x0  }
0x1f: {  	s9 =	smul.u32 $0xF7A, s1;
	s8 =	simm.s32 @!p0 $0x1BF5;
	p2 =	por !p2, p0  }
0x20: {  	[sflag:s8] =	ssyncset.s32 @!p0 $0xFFFFF086;
	s6 =	sadd.s32 @!p0 s3, s7;
	s7 =	simm.s32 @!p0 $0x108  }
0x21: {  	s3 =	sadd.s32 s3, s9;
	s6 =	sadd.s32 @!p0 $0x88, s6;
	s7 =	simm.s32 @p2 $0x1082  }
0x22: {  	[simem:s7], [sflag:s8] =	dma.local @!p0 [hbm:s6], $0xF7A  }
0x23: {  	s9 =	sor.u32 $0xD0000000, s2;
	s6 =	simm.s32 $0x108;
	_ =	swait.ge @!p0 [sflag:s8], $0x0  }
0x24: {  	s3 =	sadd.s32 $0x88, s3;
	s6 =	simm.s32 @!p1 $0x1082;
	[sflag:s4] =	ssyncset.s32 $0xFFFFF086  }
0x25: {  	[simem:s6], [sflag:s4] =	dma.local [hbm:s3], $0xF7A  }
0x26: {  	[smem:$0x3F9C] =	sst s1;
	(tag) =	ssettag s2;
	_ =	strace s9  }
0x27: {  	s1 =	sld [smem:$0x3FAC]  }
0x28: {  	s2 =	sld [smem:$0x3FAD]  }
0x29: {  	s4 =	sld [smem:$0x3FAF]  }
0x2a: {  	p0 =	seq.s32 s5, $0x0;
	s5 =	sld [smem:$0x3FB0]  }
0x2b: {  	s6 =	sld [smem:$0x3FB1]  }
0x2c: {  	s7 =	sld [smem:$0x3FB2]  }
0x2d: {  	s3 =	simm.s32 $0x108;
	s8 =	sld [smem:$0x3FB3]  }
0x2e: {  	s3 =	simm.s32 @!p0 $0x1082;
	s9 =	sld [smem:$0x3FB4]  }
0x2f: {  	lr =	sadd.s32 s0, s3;
	s0 =	sld [smem:$0x3FAB]  }
0x30: {  	s3 =	sld [smem:$0x3FAE]  }
0x31: {  	[smem:$0x3FB7] =	sst s10  }
0x32: {  	s10 =	sld [smem:$0x3FB5];
	_ =	sdelay $0x3  }
0x33: {  	p0 =	seq.s32 s10, $0x1;
	s10 =	sld [smem:$0x3FB7];
	_ =	sdelay $0x3  }
0x34: {  	[smem:$0x3FB7] =	sst s10  }
0x35: {  	s10 =	sld [smem:$0x3FB6];
	_ =	sdelay $0x3  }
0x36: {  	p1 =	seq.s32 s10, $0x1;
	s10 =	sld [smem:$0x3FB7];
	_ =	sdelay $0x3  }
0x37: {  	[smem:$0x3FB7] =	sst s10  }
0x38: {  	s10 =	sld [smem:$0x3FB8]  }
0x39: {  	_ = 	snop;
	(pc) =	sbr.ind lr, $3  }
0x3a: {  	_ = 	snop  }
0x3b: {  	_ = 	snop  }
0x3c: {  	p2 =	seq.s32 s10, $0x1;
	s10 =	sld [smem:$0x3FB7]  }
0x3d: {  	_ =	shalt  }
0x3e: {  	_ =	shalt  }
0x3f: {  	_ =	shalt  }
0x40: {  	_ =	shalt  }
0x41: {  	_ =	shalt  }
0x42: {  	_ =	shalt  }
0x43: {  	_ =	shalt  }
0x44: {  	_ =	shalt  }
0x45: {  	_ =	shalt  }
0x46: {  	_ =	shalt  }
0x47: {  	_ =	shalt  }
0x48: {  	_ =	shalt  }
0x49: {  	_ =	shalt  }
0x4a: {  	_ =	shalt  }
0x4b: {  	_ =	shalt  }
0x4c: {  	_ =	shalt  }
0x4d: {  	_ =	shalt  }
0x4e: {  	_ =	shalt  }
0x4f: {  	_ =	shalt  }
0x50: {  	_ =	shalt  }
0x51: {  	_ =	shalt  }
0x52: {  	_ =	shalt  }
0x53: {  	_ =	shalt  }
0x54: {  	_ =	shalt  }
0x55: {  	_ =	shalt  }
0x56: {  	_ =	shalt  }
0x57: {  	_ =	shalt  }
0x58: {  	_ =	shalt  }
0x59: {  	_ =	shalt  }
0x5a: {  	_ =	shalt  }
0x5b: {  	_ =	shalt  }
0x5c: {  	_ =	shalt  }
0x5d: {  	_ =	shalt  }
0x5e: {  	_ =	shalt  }
0x5f: {  	_ =	shalt  }
0x60: {  	_ =	shalt  }
0x61: {  	_ =	shalt  }
0x62: {  	_ =	shalt  }
0x63: {  	_ =	shalt  }
0x64: {  	_ =	shalt  }
0x65: {  	_ =	shalt  }
0x66: {  	_ =	shalt  }
0x67: {  	_ =	shalt  }
0x68: {  	_ =	shalt  }
0x69: {  	_ =	shalt  }
0x6a: {  	_ =	shalt  }
0x6b: {  	_ =	shalt  }
0x6c: {  	_ =	shalt  }
0x6d: {  	_ =	shalt  }
0x6e: {  	_ =	shalt  }
0x6f: {  	_ =	shalt  }
0x70: {  	_ =	shalt  }
0x71: {  	_ =	shalt  }
0x72: {  	_ =	shalt  }
0x73: {  	_ =	shalt  }
0x74: {  	_ =	shalt  }
0x75: {  	_ =	shalt  }
0x76: {  	_ =	shalt  }
0x77: {  	_ =	shalt  }
0x78: {  	_ =	shalt  }
0x79: {  	_ =	shalt  }
0x7a: {  	_ =	shalt  }
0x7b: {  	_ =	shalt  }
0x7c: {  	_ =	shalt  }
0x7d: {  	_ =	shalt  }
0x7e: {  	_ =	shalt  }
0x7f: {  	_ =	shalt  }
0x80: {  	_ =	shalt  }
0x81: {  	_ =	shalt  }
0x82: {  	_ =	shalt  }
0x83: {  	_ =	shalt  }
0x84: {  	_ =	shalt  }
0x85: {  	_ =	shalt  }
0x86: {  	_ =	shalt  }
0x87: {  	_ =	shalt  }
.Lfunc_end0:
.L_simem_size_0:
called_computation.5_lowered:
.L_overlay_start_0:
0x88: {  	s2 =	sld [smem:$0x3FD9]  }
0x89: {  	s3 =	sld [smem:$0x3FFE];
	_ =	sdelay $0x1  }
0x8a: {  	s1 =	srdreg.scid  }
0x8b: {  	s0 =	sand.u32 $0x1, s1  }
0x8c: {  	s17 =	sshll.u32 s0, $0xA;
	s2 =	sadd.s32 s3, s2  }
0x8d: {  	s2 =	sadd.s32 s2, s17  }
0x8e: {  	[smem:$0x3FC3] =	sst s2  }
0x8f: {  	_ = 	snop  }
0x90: {  	s18 =	sld [smem:$0x3FC6];
	(tm) =	ssettm $0x1  }
0x91: {  	s19 =	sld [smem:$0x3FFB];
	_ =	sdelay $0x3  }
0x92: {  	_ =	strace s19  }
0x93: {  	s2 =	sld [smem:$0x3FFC];
	_ =	sdelay $0x3  }
0x94: {  	_ =	strace s2  }
0x95: {  	s2 =	sld [smem:$0x3FFD];
	_ =	sdelay $0x3  }
0x96: {  	_ =	strace s2  }
0x97: {  	_ =	strace $0x8FFFFFFF  }
0x98: {  	s20 =	sld [smem:$0x3FDB];
	_ =	sdelay $0x1  }
0x99: {  	s4 =	simm.s32 $_scs_section_size  }
0x9a: {  	s5 =	simm.s32 $_size__tile_overlayer_lowered;
	s6 =	simm.s32 $_tile_overlayer_lowered  }
0x9b: {  	s7 =	simm.s32 $0x1BFF;
	s21 =	sshll.u32 s6, $0x1;
	s4 =	sadd.s32 s4, s20  }
0x9c: {  	s22 =	simm.s32 $0x0;
	s5 =	sshll.u32 s5, $0x1;
	s6 =	sadd.s32 s21, s4  }
0x9d: {  	[timem:s22], [sflag:s7] =	dma.local [hbm:s6], s5  }
0x9e: {  	_ =	swait.ge [sflag:s7], s5  }
0x9f: {  	s5 =	ssub.s32 $0x0, s5;
	[sflag:s7] =	ssyncset.done $0x0  }
0xa0: {  	[sflag:s7] =	ssyncadd.s32 s5;
	_ =	sdelay $0x1  }
0xa1: {  	s23 =	simm.s32 $0x1B8B  }
0xa2: {  	_ =	swait.ge [sflag:s23], $0x1  }
0xa3: {  	[sflag:s23] =	ssyncset.done $0x0  }
0xa4: {  	[sflag:s23] =	ssyncadd.s32 $0xFFFFFFFF  }
0xa5: {  	s5 =	sld [smem:$0x0]  }
0xa6: {  	s6 =	sand.u32 $0xFFFFFFFE, s1  }
0xa7: {  	p0 =	sne.s32 s1, s6  }
0xa8: {  	s6 =	sshll.u32 @p0 s6, $0xE  }
0xa9: {  	s6 =	sadd.s32 @p0 $0x11B8D, s6;
	s7 =	sshll.u32 @p0 s5, $0x11  }
0xaa: {  	s6 =	sor.u32 @p0 s7, s6  }
0xab: {  	[sflag:s6] =	ssyncadd.remote.s32 @p0 $0x1;
	_ =	sdelay $0x1  }
0xac: {  	s6 =	simm.s32 @p0 $0x1B8D  }
0xad: {  	_ =	swait.eq @p0 [sflag:s6], $0x1  }
0xae: {  	[sflag:s6] =	ssyncadd.s32 @p0 $0xFFFFFFFF  }
0xaf: {  	s7 =	sshll.u32 @!p0 s1, $0xE  }
0xb0: {  	s7 =	sor.u32 @!p0 $0x4000, s7;
	s6 =	simm.s32 @!p0 $0x1B8D  }
0xb1: {  	s5 =	sshll.u32 @!p0 s5, $0x11;
	s7 =	sadd.s32 @!p0 $0x11B8D, s7;
	_ =	swait.eq @!p0 [sflag:s6], $0x1  }
0xb2: {  	s5 =	sor.u32 @!p0 s5, s7;
	[sflag:s6] =	ssyncadd.s32 @!p0 $0xFFFFFFFF  }
0xb3: {  	s25 =	simm.s32 $0x1B8E;
	s24 =	sld [smem:$0x3FFE];
	[sflag:s5] =	ssyncadd.remote.s32 @!p0 $0x1  }
0xb4: {  	s26 =	simm.s32 $execute0_lowered;
	[smem:$0x3FD2] =	sst s25  }
0xb5: {  	s6 =	sshll.u32 s26, $0x1;
	_ =	strace $0x8000005B;
	[dreg:$0x1] =	wrdreg $0xFFFFFFFF  }
0xb6: {  	s28 =	simm.s32 $_size_execute0_lowered;
	s4 =	sadd.s32 s4, s6;
	[dreg:$0x0] =	wrdreg $0x0  }
0xb7: {  	s6 =	sshll.u32 s28, $0x1;
	[dreg:$0x2] =	wrdreg s4  }
0xb8: {  	[dreg:$0x3] =	wrdreg s6  }
0xb9: {  	[dreg:$0x4] =	wrdreg $0xC0  }
0xba: {  	_ =	task [dreg:s22], $0x5FFFF  }
0xbb: {  	[dreg:$0x1] =	wrdreg $0xFFFFFFFF  }
0xbc: {  	[dreg:$0x0] =	wrdreg $0x60  }
0xbd: {  	[dreg:$0x2] =	wrdreg s18  }
0xbe: {  	[dreg:$0x3] =	wrdreg s24  }
0xbf: {  	[dreg:$0x4] =	wrdreg $0xA  }
0xc0: {  	_ =	task.clear_ibuf [dreg:s22], $0x5FFFF;
	_ =	strace $0x9000005B  }
0xc1: {  	s29 =	simm.s32 $0xA;
	_ =	strace $0x8000005D  }
0xc2: {  	_ =	swait.ge [sflag:s29], $0x1  }
0xc3: {  	[sflag:s29] =	ssyncadd.s32 $0xFFFFFFFF  }
0xc4: {  	_ =	strace $0x9000005D  }
0xc5: {  	_ =	sfence  }
0xc6: {  	s30 =	sld [smem:$0x0];
	_ =	sdelay $0x2  }
0xc7: {  	s31 =	sshll.u32 s1, $0xD;
	s1 =	sshrl.u32 s1, $0x2  }
0xc8: {  	s4 =	sand.u32 $0x4000, s31;
	s1 =	sadd.s32 s1, s30  }
0xc9: {  	s0 =	sor.u32 s4, s0;
	s1 =	sshll.u32 s1, $0x11  }
0xca: {  	s0 =	sor.u32 s1, s0  }
0xcb: {  	s0 =	sadd.s32 $0x8F2B, s0  }
0xcc: {  	[sflag:s0] =	ssyncadd.remote.s32 $0x1  }
0xcd: {  	_ =	sfence.sel $0xFFFF  }
0xce: {  	[dreg:$0x0] =	wrdreg $0xFFFFFFFF;
	(pc) =	sbr.abs _section_cstart, $3  }
0xcf: {  	[dreg:$0x1] =	wrdreg $0xFFFFFFFF  }
0xd0: {  	_ =	task.clear_ibuf [dreg:s22], $0x2FFFF;
	_ =	strace $0x9FFFFFFF  }
0xd1: {  	(tm) =	ssettm $0x7FFFFFFF  }
tec
execute0_lowered:
.L_overlay_start_1:
0x0: {  	(tag) =	ssettag $0x1  }
0x1: {  	s2 =	rddreg [dreg:$0x0]  }
0x2: {  	s8 =	rddreg [dreg:$0x1]  }
0x3: {  	s0 =	rddreg [dreg:$0x2];
	s1 =	stileid.u32  }
0x4: {  	s3 =	srdreg.scid;
	_ =	strace $0x8000005C;
	s4 =	simm.s32 $0x1  }
0x5: {  	s7 =	simm.s32 $0x1;
	s9 =	simm.s32 $0x1;
	s10 =	simm.s32 $0x3  }
0x6: {  	s13 =	simm.s32 $0x0;
	s5 =	sand.u32 $0x1, s3;
	s6 =	sshll.u32 s1, $0x1  }
0x7: {  	s12 =	simm.s32 $0x0;
	s3 =	sadd.s32 $0x400, s8;
	s5 =	sor.u32 s6, s5  }
.Ltmp0:
0x8: {  	[sflag:s4] =	ssyncpa.u1 $0x0;
	p0 =	slt.u32 s5, $0x13;
	(pc) =	sbr.rel .LBB2_1-.Ltmp0, $4  }
0x9: {  	s6 =	simm.s32 $0x2;
	s7 =	simm.s32 @!p0 $0x0;
	p0 =	sne.s32 s5, $0x12  }
0xa: {  	[sflag:s6] =	ssyncpa.u1 $0x0;
	s5 =	smul.u32 $0x190, s5;
	s9 =	simm.s32 @!p0 $0x0  }
0xb: {  	s8 =	sadd.s32 $0x5000, s8;
	[sflag:s10] =	ssyncpa.u1 $0x0;
	s7 =	sadd.s32 s9, s7  }
0xc: {  	vm0 =	vmmov $0xffff;
	s10 =	simm.s32 $0x0;
	s11 =	smov.u32 s5;
	s9 =	sadd.s32 $0x1, s7  }
.LBB2_4:
0xd: {  	vm1 =	veq.s32 v4, $0x80000000;
	v56 =	vand.u32 $0x3, v4;
	v6 =	vand.u32 $0x1FFF, v6  }
0xe: {  	v2 =	vor.u32 v2, v5;
	v59 =	vshrl.u32 v1, $0x2;
	v60 =	vand.u32 $0x3, v1  }
0xf: {  	v4 =	vsel vm1, $0xFFFFFFFF, v56;
	v6 =	vsel vm1, $0xFFFFFFFF, v6;
	v2 =	vor.u32 v3, v2  }
0x10: {  	vm1 =	veq.s32 v1, $0x80000000;
	v5 =	vand.u32 $0x1FFF, v59;
	v7 =	vshrl.u32 v4, $0x2  }
0x11: {  	v57 =	vshll.u32 v6, $0x2;
	v4 =	vshll.u32 v4, $0x7;
	v1 =	vsel vm1, $0xFFFFFFFF, v60  }
0x12: {  	v5 =	vsel vm1, $0xFFFFFFFF, v5;
	v6 =	vand.u32 $0x7F, v6;
	v7 =	vmul.u32 $0x5000, v7  }
0x13: {  	v58 =	vand.u32 $0xFFFFFE00, v57;
	v4 =	vand.u32 $0x180, v4;
	v61 =	vshrl.u32 v1, $0x2  }
0x14: {  	v62 =	vshll.u32 v5, $0x2;
	v3 =	vadd.s32 v7, v58;
	v7 =	vmul.u32 $0x5000, v61  }
0x15: {  	v1 =	vshll.u32 v1, $0x7;
	v3 =	vor.u32 v4, v3;
	v4 =	vand.u32 $0xFFFFFE00, v62  }
0x16: {  	v1 =	vand.u32 $0x180, v1;
	v3 =	vor.u32 v6, v3;
	v4 =	vadd.s32 v7, v4  }
0x17: {  	[tilespmem:s16], [sflag:$0x1] =	stream.indirect_vreg.gather [hbm4b:s2+s10], $0x1, v0, vm0, $0x4038;
	v63 =	vand.u32 $0x7F, v5;
	v1 =	vor.u32 v1, v4;
	[tilespmem:$0x640] =	vst v63  }
0x18: {  	s15 =	sadd.s32 $0x10, s15;
	(ifvalue) =	ssetifvalue $0x7FFFFFFF;
	v0 =	vor.u32 v63, v1  }
0x19: {  	[tilespmem:s15], [sflag:$0x1] =	stream.indirect_vreg.gather [hbm4b:s2+s10], $0x1, v2, vm0, $0x4038;
	[tilespmem:$0x640] =	vst v63  }
0x1a: {  	s15 =	sadd.s32 $0x10, s15;
	(ifvalue) =	ssetifvalue $0x7FFFFFFF  }
0x1b: {  	[tilespmem:s15], [sflag:$0x1] =	stream.indirect_vreg.gather [hbm4b:s2+s10], $0x1, v3, vm0, $0x4038;
	[tilespmem:$0x640] =	vst v63  }
0x1c: {  	s15 =	sadd.s32 $0x10, s15;
	(ifvalue) =	ssetifvalue $0x7FFFFFFF  }
0x1d: {  	[tilespmem:s15], [sflag:$0x1] =	stream.indirect_vreg.gather [hbm4b:s2+s10], $0x1, v0, vm0, $0x4038;
	[tilespmem:$0x640] =	vst v63  }
0x1e: {  	_ =	swait.ge [sflag:s4], $0x190  }
0x1f: {  	s30 =	sshrl.u32 s13, $0x3;
	[sflag:s4] =	ssyncset.done $0x0  }
0x20: {  	s31 =	sand.u32 $0x7, s13;
	s15 =	sadd.s32 s8, s30;
	[sflag:s4] =	ssyncadd.s32 $0xFFFFFE70  }
0x21: {  	[hbm4b:s15+s31] =	stream.linear.scatter [tilespmem:s14], [sflag:$0x3], $0x190, $0x38;
	[tilespmem:$0x640] =	vst v63  }
.LBB2_5:
0x22: {  	s15 =	sadd.s32 $0x3200, s11  }
0x23: {  	p1 =	sgt.s32 s15, $0x4E1F  }
0x24: {  	s15 =	smov.u32 @p1 s5;
	p1 =	sne.s32 s12, s9  }
.Ltmp1:
0x25: {  	p0 =	slt.u32 s12, $0x2;
	(pc) =	sbr.rel @!p1 .LBB2_6-.Ltmp1, $4  }
0x26: {  	s14 =	simm.s32 @!p0 $0x3  }
0x27: {  	_ =	swait.ge @!p0 [sflag:s14], $0x190  }
0x28: {  	s16 =	sadd.s32 $0x1, s12;
	s13 =	smov.u32 s11;
	[sflag:s14] =	ssyncset.done @!p0 $0x0  }
0x29: {  	s12 =	smov.u32 s16;
	s11 =	smov.u32 s15;
	[sflag:s14] =	ssyncadd.s32 @!p0 $0xFFFFFE70  }
.LBB2_1:
0x2a: {  	p0 =	sge.u32 s12, s7  }
0x2b: {  	s14 =	sxor.u32 @!p0 $0x1, s12  }
0x2c: {  	s14 =	smul.u32 @!p0 $0x640, s14  }
0x2d: {  	s31 =	sadd.s32 $0xFFFFFFFF, s12;
	s15 =	sshrl.u32 @!p0 s11, $0x3  }
0x2e: {  	s16 =	sand.u32 @!p0 $0x7, s11;
	s15 =	sadd.s32 @!p0 s3, s15;
	s14 =	sshra.s32 @!p0 s14, $0x2  }
0x2f: {  	[tilespmem:s14], [sflag:$0x2] =	stream.linear.gather @!p0 [hbm4b:s15+s16], $0x190, $0x38;
	[tilespmem:$0x640] =	vst v63  }
0x30: {  	p0 =	sge.u32 s31, s7  }
.Ltmp2:
0x31: {  	_ = 	snop;
	(pc) =	sbr.rel @p0 .LBB2_5-.Ltmp2, $1  }
0x32: {  	_ =	sdelay $0x3  }
0x33: {  	s14 =	sand.u32 $0x1, s12  }
0x34: {  	_ =	swait.ge [sflag:s6], $0x190;
	p0 =	seq.s32 s14, $0x1;
	s14 =	simm.s32 $0x190  }
0x35: {  	[sflag:s6] =	ssyncset.done $0x0;
	s14 =	simm.s32 @!p0 $0x0  }
0x36: {  	[sflag:s6] =	ssyncadd.s32 $0xFFFFFE70;
	(ifvalue) =	ssetifvalue $0x7FFFFFFF;
	v0 =	vld.msk [tilespmem:s14+$0x0 ss:$0x1], $0xffff  }
0x37: {  	s15 =	sadd.s32 $0x10, s14  }
0x38: {  	v1 =	vld.msk [tilespmem:s15+$0x0 ss:$0x1], $0xffff;
	_ =	sdelay $0x2  }
0x39: {  	v2 =	vshrl.u32 v0, $0x2  }
0x3a: {  	vm1 =	veq.s32 v0, $0x80000000;
	v0 =	vand.u32 $0x3, v0;
	v2 =	vand.u32 $0x1FFF, v2  }
0x3b: {  	v0 =	vsel vm1, $0xFFFFFFFF, v0;
	v6 =	vshrl.u32 v1, $0x2;
	v2 =	vsel vm1, $0xFFFFFFFF, v2  }
0x3c: {  	v3 =	vshrl.u32 v0, $0x2;
	v0 =	vshll.u32 v0, $0x7;
	vm1 =	veq.s32 v1, $0x80000000  }
0x3d: {  	s15 =	sadd.s32 $0x10, s15;
	v1 =	vand.u32 $0x3, v1;
	v4 =	vshll.u32 v2, $0x2;
	v3 =	vmul.u32 $0x5000, v3  }
0x3e: {  	v0 =	vand.u32 $0x180, v0;
	v7 =	vand.u32 $0x7F, v2;
	v5 =	vand.u32 $0xFFFFFE00, v4;
	v4 =	vld.msk [tilespmem:s15+$0x0 ss:$0x1], $0xffff  }
0x3f: {  	v1 =	vsel vm1, $0xFFFFFFFF, v1;
	v2 =	vadd.s32 v3, v5;
	v3 =	vand.u32 $0x1FFF, v6  }
0x40: {  	v3 =	vsel vm1, $0xFFFFFFFF, v3;
	v0 =	vor.u32 v0, v2;
	v2 =	vshrl.u32 v1, $0x2  }
0x41: {  	v1 =	vshll.u32 v1, $0x7;
	v5 =	vshll.u32 v3, $0x2;
	v8 =	vmul.u32 $0x5000, v2  }
0x42: {  	s18 =	simm.s32 $0x30;
	s14 =	sadd.s32 $0x320, s14;
	s17 =	sadd.s32 $0x10, s15;
	v2 =	vand.u32 $0x180, v1;
	v0 =	vor.u32 v7, v0;
	v5 =	vand.u32 $0xFFFFFE00, v5  }
0x43: {  	s16 =	smov.u32 s14;
	s15 =	smov.u32 s14;
	v1 =	vld.msk [tilespmem:s17+$0x0 ss:$0x1], $0xffff;
	v3 =	vand.u32 $0x7F, v3;
	(ifvalue) =	ssetifvalue $0x7FFFFFFF;
	v6 =	vshrl.u32 v4, $0x2;
	v5 =	vadd.s32 v8, v5  }
.LBB2_3:
0x44: {  	s18 =	sadd.s32 $0x10, s18  }
0x45: {  	vm1 =	veq.s32 v4, $0x80000000;
	v4 =	vand.u32 $0x3, v4;
	v6 =	vand.u32 $0x1FFF, v6;
	s15 =	sadd.s32 $0x10, s15;
	p0 =	slt.u32 s18, $0x180  }
.Ltmp3:
0x46: {  	v5 =	vor.u32 v2, v5;
	v4 =	vsel vm1, $0xFFFFFFFF, v4;
	v7 =	vsel vm1, $0xFFFFFFFF, v6;
	(pc) =	sbr.rel @p0 .LBB2_3-.Ltmp3, $4  }
0x47: {  	v2 =	vshrl.u32 v4, $0x2;
	v6 =	vshll.u32 v7, $0x2;
	v4 =	vshll.u32 v4, $0x7;
	[tilespmem:s16], [sflag:$0x1] =	stream.indirect_vreg.gather [hbm4b:s2+s10], $0x1, v0, vm0, $0x4038;
	[tilespmem:$0x640] =	vst v63  }
0x48: {  	v0 =	vor.u32 v3, v5;
	s16 =	smov.u32 s15;
	v8 =	vmul.u32 $0x5000, v2;
	v2 =	vand.u32 $0x180, v4  }
0x49: {  	s17 =	sadd.s32 $0x10, s17;
	v9 =	vand.u32 $0xFFFFFE00, v6  }
0x4a: {  	v3 =	vand.u32 $0x7F, v7;
	v6 =	vshrl.u32 v1, $0x2;
	v5 =	vadd.s32 v8, v9;
	(ifvalue) =	ssetifvalue $0x7FFFFFFF;
	v4 =	vmovc v1;
	v1 =	vld.msk [tilespmem:s17+$0x0 ss:$0x1], $0xffff  }
.Ltmp4:
0x4b: {  	_ = 	snop;
	(pc) =	sbr.rel .LBB2_4-.Ltmp4, $1  }
0x4c: {  	_ =	sdelay $0x3  }
.LBB2_6:
0x4d: {  	_ =	sfence.sel $0x180000  }
0x4e: {  	s2 =	simm.s32 $0x2;
	[bflag:$0x0] =	sbarrier.arrive $0xFFFF  }
0x4f: {  	s30 =	simm.s32 $0x3;
	[sflag:s2] =	ssyncpa.u1 $0x1  }
0x50: {  	s31 =	simm.s32 $0x1;
	[sflag:s30] =	ssyncpa.u1 $0x1  }
0x51: {  	[sflag:s31] =	ssyncpa.u1 $0x1  }
0x52: {  	p0 =	sne.s32 s1, $0x0;
	_ =	strace $0x9000005C  }
0x53: {  	s0 =	sadd.s32 @!p0 $0x100000, s0;
	[bflag:$0x2] =	sbarrier.arrive $0xFFFF  }
0x54: {  	[sflag:s0] =	ssyncadd.tile.s32 @!p0 $0x1;
	_ =	shalt  }
.Lfunc_end2:
_tile_overlayer_lowered:
.L_overlay_start_2:
0x55: {  	(tag) =	ssettag $0x2  }
0x56: {  	s0 =	rddreg [dreg:$0x0];
	s2 =	stileid.u32  }
0x57: {  	s1 =	rddreg [dreg:$0x1];
	p0 =	sne.s32 s2, $0x0  }
0x58: {  	s3 =	rddreg [dreg:$0x2];
	[bflag:$0x3] =	sbarrier.arrive $0xFFFF;
	s2 =	simm.s32 @!p0 $0x1C01  }
0x59: {  	[timem:s3], [sflag:s2] =	dma.local @!p0 [hbm:s0], s1  }
0x5a: {  	s0 =	simm.s32 @!p0 $0x1  }
0x5b: {  	_ =	swait.ge @!p0 [sflag:s0], s1  }
0x5c: {  	s1 =	ssub.s32 @!p0 $0x0, s1;
	[sflag:s0] =	ssyncset.done @!p0 $0x0  }
0x5d: {  	[sflag:s0] =	ssyncadd.s32 @!p0 s1  }
0x5e: {  	[bflag:$0x3] =	sbarrier.arrive $0xFFFF  }
0x5f: {  	_ =	shalt  }

// kernel: gather_offload_async_start.4
scs
__scs_entry_jumppad:
0x0: {  	(pc) =	sbr.rel $0x88, $3  }
0x1: {  	(tag) =	ssettag $0x0;
	lr =	simm.s32 $0x1  }
0x2: {  	[smem:$0x3F9C] =	sst lr;
	_ =	strace $0xD0000000  }
0x3: {  	_ = 	snop  }
0x4: {  	_ = 	snop  }
0x5: {  	_ = 	snop  }
0x6: {  	_ = 	snop  }
0x7: {  	_ = 	snop  }
__scs_overlays_trampoline_lowered:
0x8: {  	[smem:$0x3FAB] =	sst s0  }
0x9: {  	[smem:$0x3FAC] =	sst s1  }
0xa: {  	[smem:$0x3FAD] =	sst s2  }
0xb: {  	[smem:$0x3FAE] =	sst s3  }
0xc: {  	[smem:$0x3FAF] =	sst s4  }
0xd: {  	[smem:$0x3FB0] =	sst s5  }
0xe: {  	[smem:$0x3FB1] =	sst s6  }
0xf: {  	[smem:$0x3FB2] =	sst s7  }
0x10: {  	[smem:$0x3FB3] =	sst s8  }
0x11: {  	[smem:$0x3FB4] =	sst s9;
	s0 =	simm.s32 @!p0 $0x0  }
0x12: {  	s1 =	sld [smem:$0x3F9A];
	s0 =	simm.s32 @p0 $0x1  }
0x13: {  	[smem:$0x3FB5] =	sst s0;
	s0 =	simm.s32 @!p1 $0x0  }
0x14: {  	s2 =	sld [smem:$0x3F99];
	s0 =	simm.s32 @p1 $0x1  }
0x15: {  	[smem:$0x3FB6] =	sst s0;
	s0 =	simm.s32 @!p2 $0x0  }
0x16: {  	s3 =	sld [smem:$0x3FDB];
	s0 =	simm.s32 @p2 $0x1  }
0x17: {  	s4 =	simm.s32 $0x1BF5;
	[smem:$0x3FB8] =	sst s0  }
0x18: {  	s0 =	sld [smem:$0x3F9B];
	_ =	swait.ge [sflag:s4], $0x0  }
0x19: {  	s7 =	sld [smem:$0x3F9C]  }
0x1a: {  	s8 =	sadd.s32 $0xFFFFE003, lr  }
0x1b: {  	s9 =	sadd.s32 $0xFFFFFEF7, lr;
	s5 =	simm.s32 $0xFFFFFFFF;
	p2 =	slt.u32 s8, $0xFFFFF086  }
0x1c: {  	p1 =	slt.u32 s9, $0xF7A;
	s5 =	simm.s32 @!p2 $0x0  }
0x1d: {  	s5 =	simm.s32 @p1 $0x1;
	p0 =	seq.s32 s7, s2  }
0x1e: {  	s7 =	smul.u32 @!p0 $0xF7A, s2;
	p2 =	seq.s32 @!p0 s5, $0x0  }
0x1f: {  	s9 =	smul.u32 $0xF7A, s1;
	s8 =	simm.s32 @!p0 $0x1BF5;
	p2 =	por !p2, p0  }
0x20: {  	[sflag:s8] =	ssyncset.s32 @!p0 $0xFFFFF086;
	s6 =	sadd.s32 @!p0 s3, s7;
	s7 =	simm.s32 @!p0 $0x108  }
0x21: {  	s3 =	sadd.s32 s3, s9;
	s6 =	sadd.s32 @!p0 $0x88, s6;
	s7 =	simm.s32 @p2 $0x1082  }
0x22: {  	[simem:s7], [sflag:s8] =	dma.local @!p0 [hbm:s6], $0xF7A  }
0x23: {  	s9 =	sor.u32 $0xD0000000, s2;
	s6 =	simm.s32 $0x108;
	_ =	swait.ge @!p0 [sflag:s8], $0x0  }
0x24: {  	s3 =	sadd.s32 $0x88, s3;
	s6 =	simm.s32 @!p1 $0x1082;
	[sflag:s4] =	ssyncset.s32 $0xFFFFF086  }
0x25: {  	[simem:s6], [sflag:s4] =	dma.local [hbm:s3], $0xF7A  }
0x26: {  	[smem:$0x3F9C] =	sst s1;
	(tag) =	ssettag s2;
	_ =	strace s9  }
0x27: {  	s1 =	sld [smem:$0x3FAC]  }
0x28: {  	s2 =	sld [smem:$0x3FAD]  }
0x29: {  	s4 =	sld [smem:$0x3FAF]  }
0x2a: {  	p0 =	seq.s32 s5, $0x0;
	s5 =	sld [smem:$0x3FB0]  }
0x2b: {  	s6 =	sld [smem:$0x3FB1]  }
0x2c: {  	s7 =	sld [smem:$0x3FB2]  }
0x2d: {  	s3 =	simm.s32 $0x108;
	s8 =	sld [smem:$0x3FB3]  }
0x2e: {  	s3 =	simm.s32 @!p0 $0x1082;
	s9 =	sld [smem:$0x3FB4]  }
0x2f: {  	lr =	sadd.s32 s0, s3;
	s0 =	sld [smem:$0x3FAB]  }
0x30: {  	s3 =	sld [smem:$0x3FAE]  }
0x31: {  	[smem:$0x3FB7] =	sst s10  }
0x32: {  	s10 =	sld [smem:$0x3FB5];
	_ =	sdelay $0x3  }
0x33: {  	p0 =	seq.s32 s10, $0x1;
	s10 =	sld [smem:$0x3FB7];
	_ =	sdelay $0x3  }
0x34: {  	[smem:$0x3FB7] =	sst s10  }
0x35: {  	s10 =	sld [smem:$0x3FB6];
	_ =	sdelay $0x3  }
0x36: {  	p1 =	seq.s32 s10, $0x1;
	s10 =	sld [smem:$0x3FB7];
	_ =	sdelay $0x3  }
0x37: {  	[smem:$0x3FB7] =	sst s10  }
0x38: {  	s10 =	sld [smem:$0x3FB8]  }
0x39: {  	_ = 	snop;
	(pc) =	sbr.ind lr, $3  }
0x3a: {  	_ = 	snop  }
0x3b: {  	_ = 	snop  }
0x3c: {  	p2 =	seq.s32 s10, $0x1;
	s10 =	sld [smem:$0x3FB7]  }
0x3d: {  	_ =	shalt  }
0x3e: {  	_ =	shalt  }
0x3f: {  	_ =	shalt  }
0x40: {  	_ =	shalt  }
0x41: {  	_ =	shalt  }
0x42: {  	_ =	shalt  }
0x43: {  	_ =	shalt  }
0x44: {  	_ =	shalt  }
0x45: {  	_ =	shalt  }
0x46: {  	_ =	shalt  }
0x47: {  	_ =	shalt  }
0x48: {  	_ =	shalt  }
0x49: {  	_ =	shalt  }
0x4a: {  	_ =	shalt  }
0x4b: {  	_ =	shalt  }
0x4c: {  	_ =	shalt  }
0x4d: {  	_ =	shalt  }
0x4e: {  	_ =	shalt  }
0x4f: {  	_ =	shalt  }
0x50: {  	_ =	shalt  }
0x51: {  	_ =	shalt  }
0x52: {  	_ =	shalt  }
0x53: {  	_ =	shalt  }
0x54: {  	_ =	shalt  }
0x55: {  	_ =	shalt  }
0x56: {  	_ =	shalt  }
0x57: {  	_ =	shalt  }
0x58: {  	_ =	shalt  }
0x59: {  	_ =	shalt  }
0x5a: {  	_ =	shalt  }
0x5b: {  	_ =	shalt  }
0x5c: {  	_ =	shalt  }
0x5d: {  	_ =	shalt  }
0x5e: {  	_ =	shalt  }
0x5f: {  	_ =	shalt  }
0x60: {  	_ =	shalt  }
0x61: {  	_ =	shalt  }
0x62: {  	_ =	shalt  }
0x63: {  	_ =	shalt  }
0x64: {  	_ =	shalt  }
0x65: {  	_ =	shalt  }
0x66: {  	_ =	shalt  }
0x67: {  	_ =	shalt  }
0x68: {  	_ =	shalt  }
0x69: {  	_ =	shalt  }
0x6a: {  	_ =	shalt  }
0x6b: {  	_ =	shalt  }
0x6c: {  	_ =	shalt  }
0x6d: {  	_ =	shalt  }
0x6e: {  	_ =	shalt  }
0x6f: {  	_ =	shalt  }
0x70: {  	_ =	shalt  }
0x71: {  	_ =	shalt  }
0x72: {  	_ =	shalt  }
0x73: {  	_ =	shalt  }
0x74: {  	_ =	shalt  }
0x75: {  	_ =	shalt  }
0x76: {  	_ =	shalt  }
0x77: {  	_ =	shalt  }
0x78: {  	_ =	shalt  }
0x79: {  	_ =	shalt  }
0x7a: {  	_ =	shalt  }
0x7b: {  	_ =	shalt  }
0x7c: {  	_ =	shalt  }
0x7d: {  	_ =	shalt  }
0x7e: {  	_ =	shalt  }
0x7f: {  	_ =	shalt  }
0x80: {  	_ =	shalt  }
0x81: {  	_ =	shalt  }
0x82: {  	_ =	shalt  }
0x83: {  	_ =	shalt  }
0x84: {  	_ =	shalt  }
0x85: {  	_ =	shalt  }
0x86: {  	_ =	shalt  }
0x87: {  	_ =	shalt  }
.Lfunc_end0:
.L_simem_size_0:
called_computation.6_lowered:
.L_overlay_start_0:
0x88: {  	s2 =	sld [smem:$0x3FD9]  }
0x89: {  	s3 =	sld [smem:$0x3FFE];
	_ =	sdelay $0x1  }
0x8a: {  	s1 =	srdreg.scid  }
0x8b: {  	s0 =	sand.u32 $0x1, s1  }
0x8c: {  	s17 =	sshll.u32 s0, $0xA;
	s2 =	sadd.s32 s3, s2  }
0x8d: {  	s2 =	sadd.s32 s2, s17  }
0x8e: {  	[smem:$0x3FC3] =	sst s2  }
0x8f: {  	_ = 	snop  }
0x90: {  	s2 =	sld [smem:$0x3FC7];
	(tm) =	ssettm $0x1  }
0x91: {  	s18 =	sld [smem:$0x3FFB];
	_ =	sdelay $0x3  }
0x92: {  	_ =	strace s18  }
0x93: {  	s3 =	sld [smem:$0x3FFC];
	_ =	sdelay $0x3  }
0x94: {  	_ =	strace s3  }
0x95: {  	s3 =	sld [smem:$0x3FFD];
	_ =	sdelay $0x3  }
0x96: {  	_ =	strace s3  }
0x97: {  	_ =	strace $0x8FFFFFFF  }
0x98: {  	s19 =	sld [smem:$0x3FDB];
	_ =	sdelay $0x1  }
0x99: {  	s4 =	simm.s32 $_scs_section_size  }
0x9a: {  	s5 =	simm.s32 $_size__tile_overlayer_lowered;
	s6 =	simm.s32 $_tile_overlayer_lowered  }
0x9b: {  	s22 =	simm.s32 $0x1BFF;
	s21 =	sshll.u32 s6, $0x1;
	s3 =	sadd.s32 s4, s19  }
0x9c: {  	s7 =	simm.s32 $0x0;
	s20 =	sshll.u32 s5, $0x1;
	s5 =	sadd.s32 s21, s3  }
0x9d: {  	[timem:s7], [sflag:s22] =	dma.local [hbm:s5], s20  }
0x9e: {  	_ =	swait.ge [sflag:s22], s20  }
0x9f: {  	s4 =	ssub.s32 $0x0, s20;
	[sflag:s22] =	ssyncset.done $0x0  }
0xa0: {  	[sflag:s22] =	ssyncadd.s32 s4;
	_ =	sdelay $0x1  }
0xa1: {  	s23 =	simm.s32 $0x1B8B  }
0xa2: {  	_ =	swait.ge [sflag:s23], $0x1  }
0xa3: {  	[sflag:s23] =	ssyncset.done $0x0  }
0xa4: {  	s25 =	simm.s32 $0x1B8E;
	s24 =	sld [smem:$0x3FFE];
	[sflag:s23] =	ssyncadd.s32 $0xFFFFFFFF  }
0xa5: {  	s26 =	simm.s32 $execute0_lowered;
	[smem:$0x3FD2] =	sst s25  }
0xa6: {  	s5 =	sshll.u32 s26, $0x1;
	_ =	strace $0x8000005E;
	[dreg:$0x1] =	wrdreg $0xFFFFFFFF  }
0xa7: {  	s28 =	simm.s32 $_size_execute0_lowered;
	s3 =	sadd.s32 s3, s5;
	[dreg:$0x0] =	wrdreg $0x0  }
0xa8: {  	s5 =	sshll.u32 s28, $0x1;
	[dreg:$0x2] =	wrdreg s3  }
0xa9: {  	[dreg:$0x3] =	wrdreg s5  }
0xaa: {  	[dreg:$0x4] =	wrdreg $0xC0  }
0xab: {  	_ =	task [dreg:s7], $0x5FFFF  }
0xac: {  	[dreg:$0x1] =	wrdreg $0xFFFFFFFF  }
0xad: {  	[dreg:$0x0] =	wrdreg $0x60  }
0xae: {  	[dreg:$0x2] =	wrdreg s2  }
0xaf: {  	[dreg:$0x3] =	wrdreg s24  }
0xb0: {  	[dreg:$0x4] =	wrdreg $0x9  }
0xb1: {  	_ =	task.clear_ibuf [dreg:s7], $0x5FFFF;
	_ =	strace $0x9000005E  }
0xb2: {  	s29 =	simm.s32 $0x9;
	_ =	strace $0x80000060  }
0xb3: {  	_ =	swait.ge [sflag:s29], $0x1  }
0xb4: {  	[sflag:s29] =	ssyncadd.s32 $0xFFFFFFFF  }
0xb5: {  	_ =	strace $0x90000060  }
0xb6: {  	_ =	sfence  }
0xb7: {  	s30 =	sld [smem:$0x0];
	_ =	sdelay $0x2  }
0xb8: {  	s31 =	sshll.u32 s1, $0xD;
	s1 =	sshrl.u32 s1, $0x2  }
0xb9: {  	s3 =	sand.u32 $0x4000, s31;
	s1 =	sadd.s32 s1, s30  }
0xba: {  	s0 =	sor.u32 s3, s0;
	s1 =	sshll.u32 s1, $0x11  }
0xbb: {  	s0 =	sor.u32 s1, s0  }
0xbc: {  	s0 =	sadd.s32 $0x8F2B, s0  }
0xbd: {  	[sflag:s0] =	ssyncadd.remote.s32 $0x1  }
0xbe: {  	_ =	sfence.sel $0xFFFF  }
0xbf: {  	[dreg:$0x0] =	wrdreg $0xFFFFFFFF;
	(pc) =	sbr.abs _section_cstart, $3  }
0xc0: {  	[dreg:$0x1] =	wrdreg $0xFFFFFFFF  }
0xc1: {  	_ =	task.clear_ibuf [dreg:s7], $0x2FFFF;
	_ =	strace $0x9FFFFFFF  }
0xc2: {  	(tm) =	ssettm $0x7FFFFFFF  }
0xc3: {  	_ =	shalt  }
tec
execute0_lowered:
.L_overlay_start_1:
0x0: {  	(tag) =	ssettag $0x1  }
0x1: {  	s2 =	rddreg [dreg:$0x0]  }
0x2: {  	s8 =	rddreg [dreg:$0x1]  }
0x3: {  	s0 =	rddreg [dreg:$0x2];
	s1 =	stileid.u32  }
0x4: {  	s3 =	srdreg.scid;
	_ =	strace $0x8000005F;
	s4 =	simm.s32 $0x1  }
0x5: {  	s7 =	simm.s32 $0x1;
	s9 =	simm.s32 $0x1;
	s10 =	simm.s32 $0x3  }
0x6: {  	s13 =	simm.s32 $0x0;
	s5 =	sand.u32 $0x1, s3;
	s6 =	sshll.u32 s1, $0x1  }
0x7: {  	s12 =	simm.s32 $0x0;
	s3 =	sadd.s32 $0x400, s8;
	s5 =	sor.u32 s6, s5  }
.Ltmp0:
0x8: {  	[sflag:s4] =	ssyncpa.u1 $0x0;
	p0 =	slt.u32 s5, $0x13;
	(pc) =	sbr.rel .LBB2_1-.Ltmp0, $4  }
0x9: {  	s6 =	simm.s32 $0x2;
	s7 =	simm.s32 @!p0 $0x0;
	p0 =	sne.s32 s5, $0x12  }
0xa: {  	[sflag:s6] =	ssyncpa.u1 $0x0;
	s5 =	smul.u32 $0x190, s5;
	s9 =	simm.s32 @!p0 $0x0  }
0xb: {  	s8 =	sadd.s32 $0x4C00, s8;
	[sflag:s10] =	ssyncpa.u1 $0x0;
	s7 =	sadd.s32 s9, s7  }
0xc: {  	vm0 =	vmmov $0xffff;
	s10 =	simm.s32 $0x0;
	s11 =	smov.u32 s5;
	s9 =	sadd.s32 $0x1, s7  }
.LBB2_4:
0xd: {  	vm1 =	veq.s32 v4, $0x80000000;
	v56 =	vand.u32 $0x3, v4;
	v6 =	vand.u32 $0x1FFF, v6  }
0xe: {  	v2 =	vor.u32 v2, v5;
	v59 =	vshrl.u32 v1, $0x2;
	v60 =	vand.u32 $0x3, v1  }
0xf: {  	v4 =	vsel vm1, $0xFFFFFFFF, v56;
	v6 =	vsel vm1, $0xFFFFFFFF, v6;
	v2 =	vor.u32 v3, v2  }
0x10: {  	vm1 =	veq.s32 v1, $0x80000000;
	v5 =	vand.u32 $0x1FFF, v59;
	v7 =	vshrl.u32 v4, $0x2  }
0x11: {  	v57 =	vshll.u32 v6, $0x2;
	v4 =	vshll.u32 v4, $0x7;
	v1 =	vsel vm1, $0xFFFFFFFF, v60  }
0x12: {  	v5 =	vsel vm1, $0xFFFFFFFF, v5;
	v6 =	vand.u32 $0x7F, v6;
	v7 =	vmul.u32 $0x5000, v7  }
0x13: {  	v58 =	vand.u32 $0xFFFFFE00, v57;
	v4 =	vand.u32 $0x180, v4;
	v61 =	vshrl.u32 v1, $0x2  }
0x14: {  	v62 =	vshll.u32 v5, $0x2;
	v3 =	vadd.s32 v7, v58;
	v7 =	vmul.u32 $0x5000, v61  }
0x15: {  	v1 =	vshll.u32 v1, $0x7;
	v3 =	vor.u32 v4, v3;
	v4 =	vand.u32 $0xFFFFFE00, v62  }
0x16: {  	v1 =	vand.u32 $0x180, v1;
	v3 =	vor.u32 v6, v3;
	v4 =	vadd.s32 v7, v4  }
0x17: {  	[tilespmem:s16], [sflag:$0x1] =	stream.indirect_vreg.gather [hbm4b:s2+s10], $0x1, v0, vm0, $0x4038;
	v63 =	vand.u32 $0x7F, v5;
	v1 =	vor.u32 v1, v4;
	[tilespmem:$0x640] =	vst v63  }
0x18: {  	s15 =	sadd.s32 $0x10, s15;
	(ifvalue) =	ssetifvalue $0x7FFFFFFF;
	v0 =	vor.u32 v63, v1  }
0x19: {  	[tilespmem:s15], [sflag:$0x1] =	stream.indirect_vreg.gather [hbm4b:s2+s10], $0x1, v2, vm0, $0x4038;
	[tilespmem:$0x640] =	vst v63  }
0x1a: {  	s15 =	sadd.s32 $0x10, s15;
	(ifvalue) =	ssetifvalue $0x7FFFFFFF  }
0x1b: {  	[tilespmem:s15], [sflag:$0x1] =	stream.indirect_vreg.gather [hbm4b:s2+s10], $0x1, v3, vm0, $0x4038;
	[tilespmem:$0x640] =	vst v63  }
0x1c: {  	s15 =	sadd.s32 $0x10, s15;
	(ifvalue) =	ssetifvalue $0x7FFFFFFF  }
0x1d: {  	[tilespmem:s15], [sflag:$0x1] =	stream.indirect_vreg.gather [hbm4b:s2+s10], $0x1, v0, vm0, $0x4038;
	[tilespmem:$0x640] =	vst v63  }
0x1e: {  	_ =	swait.ge [sflag:s4], $0x190  }
0x1f: {  	s30 =	sshrl.u32 s13, $0x3;
	[sflag:s4] =	ssyncset.done $0x0  }
0x20: {  	s31 =	sand.u32 $0x7, s13;
	s15 =	sadd.s32 s8, s30;
	[sflag:s4] =	ssyncadd.s32 $0xFFFFFE70  }
0x21: {  	[hbm4b:s15+s31] =	stream.linear.scatter [tilespmem:s14], [sflag:$0x3], $0x190, $0x38;
	[tilespmem:$0x640] =	vst v63  }
.LBB2_5:
0x22: {  	s15 =	sadd.s32 $0x3200, s11  }
0x23: {  	p1 =	sgt.s32 s15, $0x4E1F  }
0x24: {  	s15 =	smov.u32 @p1 s5;
	p1 =	sne.s32 s12, s9  }
.Ltmp1:
0x25: {  	p0 =	slt.u32 s12, $0x2;
	(pc) =	sbr.rel @!p1 .LBB2_6-.Ltmp1, $4  }
0x26: {  	s14 =	simm.s32 @!p0 $0x3  }
0x27: {  	_ =	swait.ge @!p0 [sflag:s14], $0x190  }
0x28: {  	s16 =	sadd.s32 $0x1, s12;
	s13 =	smov.u32 s11;
	[sflag:s14] =	ssyncset.done @!p0 $0x0  }
0x29: {  	s12 =	smov.u32 s16;
	s11 =	smov.u32 s15;
	[sflag:s14] =	ssyncadd.s32 @!p0 $0xFFFFFE70  }
.LBB2_1:
0x2a: {  	p0 =	sge.u32 s12, s7  }
0x2b: {  	s14 =	sxor.u32 @!p0 $0x1, s12  }
0x2c: {  	s14 =	smul.u32 @!p0 $0x640, s14  }
0x2d: {  	s31 =	sadd.s32 $0xFFFFFFFF, s12;
	s15 =	sshrl.u32 @!p0 s11, $0x3  }
0x2e: {  	s16 =	sand.u32 @!p0 $0x7, s11;
	s15 =	sadd.s32 @!p0 s3, s15;
	s14 =	sshra.s32 @!p0 s14, $0x2  }
0x2f: {  	[tilespmem:s14], [sflag:$0x2] =	stream.linear.gather @!p0 [hbm4b:s15+s16], $0x190, $0x38;
	[tilespmem:$0x640] =	vst v63  }
0x30: {  	p0 =	sge.u32 s31, s7  }
.Ltmp2:
0x31: {  	_ = 	snop;
	(pc) =	sbr.rel @p0 .LBB2_5-.Ltmp2, $1  }
0x32: {  	_ =	sdelay $0x3  }
0x33: {  	s14 =	sand.u32 $0x1, s12  }
0x34: {  	_ =	swait.ge [sflag:s6], $0x190;
	p0 =	seq.s32 s14, $0x1;
	s14 =	simm.s32 $0x190  }
0x35: {  	[sflag:s6] =	ssyncset.done $0x0;
	s14 =	simm.s32 @!p0 $0x0  }
0x36: {  	[sflag:s6] =	ssyncadd.s32 $0xFFFFFE70;
	(ifvalue) =	ssetifvalue $0x7FFFFFFF;
	v0 =	vld.msk [tilespmem:s14+$0x0 ss:$0x1], $0xffff  }
0x37: {  	s15 =	sadd.s32 $0x10, s14  }
0x38: {  	v1 =	vld.msk [tilespmem:s15+$0x0 ss:$0x1], $0xffff;
	_ =	sdelay $0x2  }
0x39: {  	v2 =	vshrl.u32 v0, $0x2  }
0x3a: {  	vm1 =	veq.s32 v0, $0x80000000;
	v0 =	vand.u32 $0x3, v0;
	v2 =	vand.u32 $0x1FFF, v2  }
0x3b: {  	v0 =	vsel vm1, $0xFFFFFFFF, v0;
	v6 =	vshrl.u32 v1, $0x2;
	v2 =	vsel vm1, $0xFFFFFFFF, v2  }
0x3c: {  	v3 =	vshrl.u32 v0, $0x2;
	v0 =	vshll.u32 v0, $0x7;
	vm1 =	veq.s32 v1, $0x80000000  }
0x3d: {  	s15 =	sadd.s32 $0x10, s15;
	v1 =	vand.u32 $0x3, v1;
	v4 =	vshll.u32 v2, $0x2;
	v3 =	vmul.u32 $0x5000, v3  }
0x3e: {  	v0 =	vand.u32 $0x180, v0;
	v7 =	vand.u32 $0x7F, v2;
	v5 =	vand.u32 $0xFFFFFE00, v4;
	v4 =	vld.msk [tilespmem:s15+$0x0 ss:$0x1], $0xffff  }
0x3f: {  	v1 =	vsel vm1, $0xFFFFFFFF, v1;
	v2 =	vadd.s32 v3, v5;
	v3 =	vand.u32 $0x1FFF, v6  }
0x40: {  	v3 =	vsel vm1, $0xFFFFFFFF, v3;
	v0 =	vor.u32 v0, v2;
	v2 =	vshrl.u32 v1, $0x2  }
0x41: {  	v1 =	vshll.u32 v1, $0x7;
	v5 =	vshll.u32 v3, $0x2;
	v8 =	vmul.u32 $0x5000, v2  }
0x42: {  	s18 =	simm.s32 $0x30;
	s14 =	sadd.s32 $0x320, s14;
	s17 =	sadd.s32 $0x10, s15;
	v2 =	vand.u32 $0x180, v1;
	v0 =	vor.u32 v7, v0;
	v5 =	vand.u32 $0xFFFFFE00, v5  }
0x43: {  	s16 =	smov.u32 s14;
	s15 =	smov.u32 s14;
	v1 =	vld.msk [tilespmem:s17+$0x0 ss:$0x1], $0xffff;
	v3 =	vand.u32 $0x7F, v3;
	(ifvalue) =	ssetifvalue $0x7FFFFFFF;
	v6 =	vshrl.u32 v4, $0x2;
	v5 =	vadd.s32 v8, v5  }
.LBB2_3:
0x44: {  	s18 =	sadd.s32 $0x10, s18  }
0x45: {  	vm1 =	veq.s32 v4, $0x80000000;
	v4 =	vand.u32 $0x3, v4;
	v6 =	vand.u32 $0x1FFF, v6;
	s15 =	sadd.s32 $0x10, s15;
	p0 =	slt.u32 s18, $0x180  }
.Ltmp3:
0x46: {  	v5 =	vor.u32 v2, v5;
	v4 =	vsel vm1, $0xFFFFFFFF, v4;
	v7 =	vsel vm1, $0xFFFFFFFF, v6;
	(pc) =	sbr.rel @p0 .LBB2_3-.Ltmp3, $4  }
0x47: {  	v2 =	vshrl.u32 v4, $0x2;
	v6 =	vshll.u32 v7, $0x2;
	v4 =	vshll.u32 v4, $0x7;
	[tilespmem:s16], [sflag:$0x1] =	stream.indirect_vreg.gather [hbm4b:s2+s10], $0x1, v0, vm0, $0x4038;
	[tilespmem:$0x640] =	vst v63  }
0x48: {  	v0 =	vor.u32 v3, v5;
	s16 =	smov.u32 s15;
	v8 =	vmul.u32 $0x5000, v2;
	v2 =	vand.u32 $0x180, v4  }
0x49: {  	s17 =	sadd.s32 $0x10, s17;
	v9 =	vand.u32 $0xFFFFFE00, v6  }
0x4a: {  	v3 =	vand.u32 $0x7F, v7;
	v6 =	vshrl.u32 v1, $0x2;
	v5 =	vadd.s32 v8, v9;
	(ifvalue) =	ssetifvalue $0x7FFFFFFF;
	v4 =	vmovc v1;
	v1 =	vld.msk [tilespmem:s17+$0x0 ss:$0x1], $0xffff  }
.Ltmp4:
0x4b: {  	_ = 	snop;
	(pc) =	sbr.rel .LBB2_4-.Ltmp4, $1  }
0x4c: {  	_ =	sdelay $0x3  }
.LBB2_6:
0x4d: {  	_ =	sfence.sel $0x180000  }
0x4e: {  	s2 =	simm.s32 $0x2;
	[bflag:$0x0] =	sbarrier.arrive $0xFFFF  }
0x4f: {  	s30 =	simm.s32 $0x3;
	[sflag:s2] =	ssyncpa.u1 $0x1  }
0x50: {  	s31 =	simm.s32 $0x1;
	[sflag:s30] =	ssyncpa.u1 $0x1  }
0x51: {  	[sflag:s31] =	ssyncpa.u1 $0x1  }
0x52: {  	p0 =	sne.s32 s1, $0x0;
	_ =	strace $0x9000005F  }
0x53: {  	s0 =	sadd.s32 @!p0 $0x100000, s0;
	[bflag:$0x2] =	sbarrier.arrive $0xFFFF  }
0x54: {  	[sflag:s0] =	ssyncadd.tile.s32 @!p0 $0x1;
	_ =	shalt  }
.Lfunc_end2:
_tile_overlayer_lowered:
.L_overlay_start_2:
0x55: {  	(tag) =	ssettag $0x2  }
0x56: {  	s0 =	rddreg [dreg:$0x0];
	s2 =	stileid.u32  }
0x57: {  	s1 =	rddreg [dreg:$0x1];
	p0 =	sne.s32 s2, $0x0  }
0x58: {  	s3 =	rddreg [dreg:$0x2];
	[bflag:$0x3] =	sbarrier.arrive $0xFFFF;
	s2 =	simm.s32 @!p0 $0x1C01  }
0x59: {  	[timem:s3], [sflag:s2] =	dma.local @!p0 [hbm:s0], s1  }
0x5a: {  	s0 =	simm.s32 @!p0 $0x1  }
0x5b: {  	_ =	swait.ge @!p0 [sflag:s0], s1  }
0x5c: {  	s1 =	ssub.s32 @!p0 $0x0, s1;
	[sflag:s0] =	ssyncset.done @!p0 $0x0  }
0x5d: {  	[sflag:s0] =	ssyncadd.s32 @!p0 s1  }
0x5e: {  	[bflag:$0x3] =	sbarrier.arrive $0xFFFF  }
0x5f: {  	_ =	shalt  }

// kernel: gather_offload_async_start.5
scs
__scs_entry_jumppad:
0x0: {  	(pc) =	sbr.rel $0x88, $3  }
0x1: {  	(tag) =	ssettag $0x0;
	lr =	simm.s32 $0x1  }
0x2: {  	[smem:$0x3F9C] =	sst lr;
	_ =	strace $0xD0000000  }
0x3: {  	_ = 	snop  }
0x4: {  	_ = 	snop  }
0x5: {  	_ = 	snop  }
0x6: {  	_ = 	snop  }
0x7: {  	_ = 	snop  }
__scs_overlays_trampoline_lowered:
0x8: {  	[smem:$0x3FAB] =	sst s0  }
0x9: {  	[smem:$0x3FAC] =	sst s1  }
0xa: {  	[smem:$0x3FAD] =	sst s2  }
0xb: {  	[smem:$0x3FAE] =	sst s3  }
0xc: {  	[smem:$0x3FAF] =	sst s4  }
0xd: {  	[smem:$0x3FB0] =	sst s5  }
0xe: {  	[smem:$0x3FB1] =	sst s6  }
0xf: {  	[smem:$0x3FB2] =	sst s7  }
0x10: {  	[smem:$0x3FB3] =	sst s8  }
0x11: {  	[smem:$0x3FB4] =	sst s9;
	s0 =	simm.s32 @!p0 $0x0  }
0x12: {  	s1 =	sld [smem:$0x3F9A];
	s0 =	simm.s32 @p0 $0x1  }
0x13: {  	[smem:$0x3FB5] =	sst s0;
	s0 =	simm.s32 @!p1 $0x0  }
0x14: {  	s2 =	sld [smem:$0x3F99];
	s0 =	simm.s32 @p1 $0x1  }
0x15: {  	[smem:$0x3FB6] =	sst s0;
	s0 =	simm.s32 @!p2 $0x0  }
0x16: {  	s3 =	sld [smem:$0x3FDB];
	s0 =	simm.s32 @p2 $0x1  }
0x17: {  	s4 =	simm.s32 $0x1BF5;
	[smem:$0x3FB8] =	sst s0  }
0x18: {  	s0 =	sld [smem:$0x3F9B];
	_ =	swait.ge [sflag:s4], $0x0  }
0x19: {  	s7 =	sld [smem:$0x3F9C]  }
0x1a: {  	s8 =	sadd.s32 $0xFFFFE003, lr  }
0x1b: {  	s9 =	sadd.s32 $0xFFFFFEF7, lr;
	s5 =	simm.s32 $0xFFFFFFFF;
	p2 =	slt.u32 s8, $0xFFFFF086  }
0x1c: {  	p1 =	slt.u32 s9, $0xF7A;
	s5 =	simm.s32 @!p2 $0x0  }
0x1d: {  	s5 =	simm.s32 @p1 $0x1;
	p0 =	seq.s32 s7, s2  }
0x1e: {  	s7 =	smul.u32 @!p0 $0xF7A, s2;
	p2 =	seq.s32 @!p0 s5, $0x0  }
0x1f: {  	s9 =	smul.u32 $0xF7A, s1;
	s8 =	simm.s32 @!p0 $0x1BF5;
	p2 =	por !p2, p0  }
0x20: {  	[sflag:s8] =	ssyncset.s32 @!p0 $0xFFFFF086;
	s6 =	sadd.s32 @!p0 s3, s7;
	s7 =	simm.s32 @!p0 $0x108  }
0x21: {  	s3 =	sadd.s32 s3, s9;
	s6 =	sadd.s32 @!p0 $0x88, s6;
	s7 =	simm.s32 @p2 $0x1082  }
0x22: {  	[simem:s7], [sflag:s8] =	dma.local @!p0 [hbm:s6], $0xF7A  }
0x23: {  	s9 =	sor.u32 $0xD0000000, s2;
	s6 =	simm.s32 $0x108;
	_ =	swait.ge @!p0 [sflag:s8], $0x0  }
0x24: {  	s3 =	sadd.s32 $0x88, s3;
	s6 =	simm.s32 @!p1 $0x1082;
	[sflag:s4] =	ssyncset.s32 $0xFFFFF086  }
0x25: {  	[simem:s6], [sflag:s4] =	dma.local [hbm:s3], $0xF7A  }
0x26: {  	[smem:$0x3F9C] =	sst s1;
	(tag) =	ssettag s2;
	_ =	strace s9  }
0x27: {  	s1 =	sld [smem:$0x3FAC]  }
0x28: {  	s2 =	sld [smem:$0x3FAD]  }
0x29: {  	s4 =	sld [smem:$0x3FAF]  }
0x2a: {  	p0 =	seq.s32 s5, $0x0;
	s5 =	sld [smem:$0x3FB0]  }
0x2b: {  	s6 =	sld [smem:$0x3FB1]  }
0x2c: {  	s7 =	sld [smem:$0x3FB2]  }
0x2d: {  	s3 =	simm.s32 $0x108;
	s8 =	sld [smem:$0x3FB3]  }
0x2e: {  	s3 =	simm.s32 @!p0 $0x1082;
	s9 =	sld [smem:$0x3FB4]  }
0x2f: {  	lr =	sadd.s32 s0, s3;
	s0 =	sld [smem:$0x3FAB]  }
0x30: {  	s3 =	sld [smem:$0x3FAE]  }
0x31: {  	[smem:$0x3FB7] =	sst s10  }
0x32: {  	s10 =	sld [smem:$0x3FB5];
	_ =	sdelay $0x3  }
0x33: {  	p0 =	seq.s32 s10, $0x1;
	s10 =	sld [smem:$0x3FB7];
	_ =	sdelay $0x3  }
0x34: {  	[smem:$0x3FB7] =	sst s10  }
0x35: {  	s10 =	sld [smem:$0x3FB6];
	_ =	sdelay $0x3  }
0x36: {  	p1 =	seq.s32 s10, $0x1;
	s10 =	sld [smem:$0x3FB7];
	_ =	sdelay $0x3  }
0x37: {  	[smem:$0x3FB7] =	sst s10  }
0x38: {  	s10 =	sld [smem:$0x3FB8]  }
0x39: {  	_ = 	snop;
	(pc) =	sbr.ind lr, $3  }
0x3a: {  	_ = 	snop  }
0x3b: {  	_ = 	snop  }
0x3c: {  	p2 =	seq.s32 s10, $0x1;
	s10 =	sld [smem:$0x3FB7]  }
0x3d: {  	_ =	shalt  }
0x3e: {  	_ =	shalt  }
0x3f: {  	_ =	shalt  }
0x40: {  	_ =	shalt  }
0x41: {  	_ =	shalt  }
0x42: {  	_ =	shalt  }
0x43: {  	_ =	shalt  }
0x44: {  	_ =	shalt  }
0x45: {  	_ =	shalt  }
0x46: {  	_ =	shalt  }
0x47: {  	_ =	shalt  }
0x48: {  	_ =	shalt  }
0x49: {  	_ =	shalt  }
0x4a: {  	_ =	shalt  }
0x4b: {  	_ =	shalt  }
0x4c: {  	_ =	shalt  }
0x4d: {  	_ =	shalt  }
0x4e: {  	_ =	shalt  }
0x4f: {  	_ =	shalt  }
0x50: {  	_ =	shalt  }
0x51: {  	_ =	shalt  }
0x52: {  	_ =	shalt  }
0x53: {  	_ =	shalt  }
0x54: {  	_ =	shalt  }
0x55: {  	_ =	shalt  }
0x56: {  	_ =	shalt  }
0x57: {  	_ =	shalt  }
0x58: {  	_ =	shalt  }
0x59: {  	_ =	shalt  }
0x5a: {  	_ =	shalt  }
0x5b: {  	_ =	shalt  }
0x5c: {  	_ =	shalt  }
0x5d: {  	_ =	shalt  }
0x5e: {  	_ =	shalt  }
0x5f: {  	_ =	shalt  }
0x60: {  	_ =	shalt  }
0x61: {  	_ =	shalt  }
0x62: {  	_ =	shalt  }
0x63: {  	_ =	shalt  }
0x64: {  	_ =	shalt  }
0x65: {  	_ =	shalt  }
0x66: {  	_ =	shalt  }
0x67: {  	_ =	shalt  }
0x68: {  	_ =	shalt  }
0x69: {  	_ =	shalt  }
0x6a: {  	_ =	shalt  }
0x6b: {  	_ =	shalt  }
0x6c: {  	_ =	shalt  }
0x6d: {  	_ =	shalt  }
0x6e: {  	_ =	shalt  }
0x6f: {  	_ =	shalt  }
0x70: {  	_ =	shalt  }
0x71: {  	_ =	shalt  }
0x72: {  	_ =	shalt  }
0x73: {  	_ =	shalt  }
0x74: {  	_ =	shalt  }
0x75: {  	_ =	shalt  }
0x76: {  	_ =	shalt  }
0x77: {  	_ =	shalt  }
0x78: {  	_ =	shalt  }
0x79: {  	_ =	shalt  }
0x7a: {  	_ =	shalt  }
0x7b: {  	_ =	shalt  }
0x7c: {  	_ =	shalt  }
0x7d: {  	_ =	shalt  }
0x7e: {  	_ =	shalt  }
0x7f: {  	_ =	shalt  }
0x80: {  	_ =	shalt  }
0x81: {  	_ =	shalt  }
0x82: {  	_ =	shalt  }
0x83: {  	_ =	shalt  }
0x84: {  	_ =	shalt  }
0x85: {  	_ =	shalt  }
0x86: {  	_ =	shalt  }
0x87: {  	_ =	shalt  }
.Lfunc_end0:
.L_simem_size_0:
called_computation.7_lowered:
.L_overlay_start_0:
0x88: {  	s2 =	sld [smem:$0x3FD9]  }
0x89: {  	s3 =	sld [smem:$0x3FFE];
	_ =	sdelay $0x1  }
0x8a: {  	s1 =	srdreg.scid  }
0x8b: {  	s0 =	sand.u32 $0x1, s1  }
0x8c: {  	s16 =	sshll.u32 s0, $0xA;
	s2 =	sadd.s32 s3, s2  }
0x8d: {  	s2 =	sadd.s32 s2, s16  }
0x8e: {  	[smem:$0x3FC3] =	sst s2  }
0x8f: {  	_ = 	snop  }
0x90: {  	(tm) =	ssettm $0x1  }
0x91: {  	s17 =	sld [smem:$0x3FFB];
	_ =	sdelay $0x3  }
0x92: {  	_ =	strace s17  }
0x93: {  	s2 =	sld [smem:$0x3FFC];
	_ =	sdelay $0x3  }
0x94: {  	_ =	strace s2  }
0x95: {  	s2 =	sld [smem:$0x3FFD];
	_ =	sdelay $0x3  }
0x96: {  	_ =	strace s2  }
0x97: {  	_ =	strace $0x8FFFFFFF  }
0x98: {  	s18 =	sld [smem:$0x3FDB];
	_ =	sdelay $0x1  }
0x99: {  	s19 =	simm.s32 $_scs_section_size  }
0x9a: {  	s4 =	simm.s32 $_size__tile_overlayer_lowered;
	s5 =	simm.s32 $_tile_overlayer_lowered  }
0x9b: {  	s22 =	simm.s32 $0x1BFF;
	s21 =	sshll.u32 s5, $0x1;
	s2 =	sadd.s32 s19, s18  }
0x9c: {  	s6 =	simm.s32 $0x0;
	s20 =	sshll.u32 s4, $0x1;
	s4 =	sadd.s32 s21, s2  }
0x9d: {  	[timem:s6], [sflag:s22] =	dma.local [hbm:s4], s20  }
0x9e: {  	_ =	swait.ge [sflag:s22], s20  }
0x9f: {  	s3 =	ssub.s32 $0x0, s20;
	[sflag:s22] =	ssyncset.done $0x0  }
0xa0: {  	[sflag:s22] =	ssyncadd.s32 s3;
	_ =	sdelay $0x1  }
0xa1: {  	s23 =	simm.s32 $0x1B8B  }
0xa2: {  	_ =	swait.ge [sflag:s23], $0x1  }
0xa3: {  	[sflag:s23] =	ssyncset.done $0x0  }
0xa4: {  	s25 =	simm.s32 $0x1B8E;
	s24 =	sld [smem:$0x3FFE];
	[sflag:s23] =	ssyncadd.s32 $0xFFFFFFFF  }
0xa5: {  	s26 =	simm.s32 $execute0_lowered;
	[smem:$0x3FD2] =	sst s25  }
0xa6: {  	s4 =	sshll.u32 s26, $0x1;
	_ =	strace $0x80000052;
	[dreg:$0x1] =	wrdreg $0xFFFFFFFF  }
0xa7: {  	s28 =	simm.s32 $_size_execute0_lowered;
	s2 =	sadd.s32 s2, s4;
	[dreg:$0x0] =	wrdreg $0x0  }
0xa8: {  	s4 =	sshll.u32 s28, $0x1;
	[dreg:$0x2] =	wrdreg s2  }
0xa9: {  	[dreg:$0x3] =	wrdreg s4  }
0xaa: {  	[dreg:$0x4] =	wrdreg $0xC0  }
0xab: {  	_ =	task [dreg:s6], $0x5FFFF  }
0xac: {  	[dreg:$0x1] =	wrdreg $0xFFFFFFFF  }
0xad: {  	[dreg:$0x0] =	wrdreg $0x60  }
0xae: {  	[dreg:$0x2] =	wrdreg s24  }
0xaf: {  	[dreg:$0x3] =	wrdreg $0x9  }
0xb0: {  	_ =	task.clear_ibuf [dreg:s6], $0x4FFFF;
	_ =	strace $0x90000052  }
0xb1: {  	s29 =	simm.s32 $0x9;
	_ =	strace $0x80000054  }
0xb2: {  	_ =	swait.ge [sflag:s29], $0x1  }
0xb3: {  	[sflag:s29] =	ssyncadd.s32 $0xFFFFFFFF  }
0xb4: {  	_ =	strace $0x90000054  }
0xb5: {  	_ =	sfence  }
0xb6: {  	s30 =	sld [smem:$0x0];
	_ =	sdelay $0x2  }
0xb7: {  	s31 =	sshll.u32 s1, $0xD;
	s1 =	sshrl.u32 s1, $0x2  }
0xb8: {  	s3 =	sand.u32 $0x4000, s31;
	s1 =	sadd.s32 s1, s30  }
0xb9: {  	s0 =	sor.u32 s3, s0;
	s1 =	sshll.u32 s1, $0x11  }
0xba: {  	s0 =	sor.u32 s1, s0  }
0xbb: {  	s0 =	sadd.s32 $0x8F2B, s0  }
0xbc: {  	[sflag:s0] =	ssyncadd.remote.s32 $0x1  }
0xbd: {  	_ =	sfence.sel $0xFFFF  }
0xbe: {  	[dreg:$0x0] =	wrdreg $0xFFFFFFFF;
	(pc) =	sbr.abs _section_cstart, $3  }
0xbf: {  	[dreg:$0x1] =	wrdreg $0xFFFFFFFF  }
0xc0: {  	_ =	task.clear_ibuf [dreg:s6], $0x2FFFF;
	_ =	strace $0x9FFFFFFF  }
0xc1: {  	(tm) =	ssettm $0x7FFFFFFF  }
tec
execute0_lowered:
.L_overlay_start_1:
0x0: {  	(tag) =	ssettag $0x1  }
0x1: {  	s8 =	rddreg [dreg:$0x0]  }
0x2: {  	s0 =	rddreg [dreg:$0x1];
	_ =	strace $0x80000053;
	s1 =	stileid.u32  }
0x3: {  	s3 =	srdreg.scid;
	s4 =	simm.s32 $0x1;
	s7 =	simm.s32 $0x1  }
0x4: {  	s9 =	simm.s32 $0x1;
	s10 =	simm.s32 $0x3;
	s13 =	simm.s32 $0x0  }
0x5: {  	s12 =	simm.s32 $0x0;
	s5 =	sand.u32 $0x1, s3;
	s6 =	sshll.u32 s1, $0x1  }
0x6: {  	s2 =	sadd.s32 $0x1400, s8;
	s3 =	sadd.s32 $0x400, s8;
	s5 =	sor.u32 s6, s5  }
.Ltmp0:
0x7: {  	[sflag:s4] =	ssyncpa.u1 $0x0;
	p0 =	slt.u32 s5, $0x13;
	(pc) =	sbr.rel .LBB2_1-.Ltmp0, $4  }
0x8: {  	s6 =	simm.s32 $0x2;
	s7 =	simm.s32 @!p0 $0x0;
	p0 =	sne.s32 s5, $0x12  }
0x9: {  	[sflag:s6] =	ssyncpa.u1 $0x0;
	s5 =	smul.u32 $0x190, s5;
	s9 =	simm.s32 @!p0 $0x0  }
0xa: {  	s8 =	sadd.s32 $0x4C00, s8;
	[sflag:s10] =	ssyncpa.u1 $0x0;
	s7 =	sadd.s32 s9, s7  }
0xb: {  	vm0 =	vmmov $0xffff;
	s10 =	simm.s32 $0x0;
	s11 =	smov.u32 s5;
	s9 =	sadd.s32 $0x1, s7  }
.LBB2_4:
0xc: {  	vm1 =	veq.s32 v4, $0x80000000;
	v56 =	vand.u32 $0x3, v4;
	v6 =	vand.u32 $0x1FFF, v6  }
0xd: {  	v2 =	vor.u32 v2, v5;
	v59 =	vshrl.u32 v1, $0x2;
	v60 =	vand.u32 $0x3, v1  }
0xe: {  	v4 =	vsel vm1, $0xFFFFFFFF, v56;
	v6 =	vsel vm1, $0xFFFFFFFF, v6;
	v2 =	vor.u32 v3, v2  }
0xf: {  	vm1 =	veq.s32 v1, $0x80000000;
	v5 =	vand.u32 $0x1FFF, v59;
	v7 =	vshrl.u32 v4, $0x2  }
0x10: {  	v57 =	vshll.u32 v6, $0x2;
	v4 =	vshll.u32 v4, $0x7;
	v1 =	vsel vm1, $0xFFFFFFFF, v60  }
0x11: {  	v5 =	vsel vm1, $0xFFFFFFFF, v5;
	v6 =	vand.u32 $0x7F, v6;
	v7 =	vmul.u32 $0x5000, v7  }
0x12: {  	v58 =	vand.u32 $0xFFFFFE00, v57;
	v4 =	vand.u32 $0x180, v4;
	v61 =	vshrl.u32 v1, $0x2  }
0x13: {  	v62 =	vshll.u32 v5, $0x2;
	v3 =	vadd.s32 v7, v58;
	v7 =	vmul.u32 $0x5000, v61  }
0x14: {  	v1 =	vshll.u32 v1, $0x7;
	v3 =	vor.u32 v4, v3;
	v4 =	vand.u32 $0xFFFFFE00, v62  }
0x15: {  	v1 =	vand.u32 $0x180, v1;
	v3 =	vor.u32 v6, v3;
	v4 =	vadd.s32 v7, v4  }
0x16: {  	[tilespmem:s16], [sflag:$0x1] =	stream.indirect_vreg.gather [hbm4b:s2+s10], $0x1, v0, vm0, $0x4038;
	v63 =	vand.u32 $0x7F, v5;
	v1 =	vor.u32 v1, v4;
	[tilespmem:$0x640] =	vst v63  }
0x17: {  	s15 =	sadd.s32 $0x10, s15;
	(ifvalue) =	ssetifvalue $0x7FFFFFFF;
	v0 =	vor.u32 v63, v1  }
0x18: {  	[tilespmem:s15], [sflag:$0x1] =	stream.indirect_vreg.gather [hbm4b:s2+s10], $0x1, v2, vm0, $0x4038;
	[tilespmem:$0x640] =	vst v63  }
0x19: {  	s15 =	sadd.s32 $0x10, s15;
	(ifvalue) =	ssetifvalue $0x7FFFFFFF  }
0x1a: {  	[tilespmem:s15], [sflag:$0x1] =	stream.indirect_vreg.gather [hbm4b:s2+s10], $0x1, v3, vm0, $0x4038;
	[tilespmem:$0x640] =	vst v63  }
0x1b: {  	s15 =	sadd.s32 $0x10, s15;
	(ifvalue) =	ssetifvalue $0x7FFFFFFF  }
0x1c: {  	[tilespmem:s15], [sflag:$0x1] =	stream.indirect_vreg.gather [hbm4b:s2+s10], $0x1, v0, vm0, $0x4038;
	[tilespmem:$0x640] =	vst v63  }
0x1d: {  	_ =	swait.ge [sflag:s4], $0x190  }
0x1e: {  	s30 =	sshrl.u32 s13, $0x3;
	[sflag:s4] =	ssyncset.done $0x0  }
0x1f: {  	s31 =	sand.u32 $0x7, s13;
	s15 =	sadd.s32 s8, s30;
	[sflag:s4] =	ssyncadd.s32 $0xFFFFFE70  }
0x20: {  	[hbm4b:s15+s31] =	stream.linear.scatter [tilespmem:s14], [sflag:$0x3], $0x190, $0x38;
	[tilespmem:$0x640] =	vst v63  }
.LBB2_5:
0x21: {  	s15 =	sadd.s32 $0x3200, s11  }
0x22: {  	p1 =	sgt.s32 s15, $0x4E1F  }
0x23: {  	s15 =	smov.u32 @p1 s5;
	p1 =	sne.s32 s12, s9  }
.Ltmp1:
0x24: {  	p0 =	slt.u32 s12, $0x2;
	(pc) =	sbr.rel @!p1 .LBB2_6-.Ltmp1, $4  }
0x25: {  	s14 =	simm.s32 @!p0 $0x3  }
0x26: {  	_ =	swait.ge @!p0 [sflag:s14], $0x190  }
0x27: {  	s16 =	sadd.s32 $0x1, s12;
	s13 =	smov.u32 s11;
	[sflag:s14] =	ssyncset.done @!p0 $0x0  }
0x28: {  	s12 =	smov.u32 s16;
	s11 =	smov.u32 s15;
	[sflag:s14] =	ssyncadd.s32 @!p0 $0xFFFFFE70  }
.LBB2_1:
0x29: {  	p0 =	sge.u32 s12, s7  }
0x2a: {  	s14 =	sxor.u32 @!p0 $0x1, s12  }
0x2b: {  	s14 =	smul.u32 @!p0 $0x640, s14  }
0x2c: {  	s31 =	sadd.s32 $0xFFFFFFFF, s12;
	s15 =	sshrl.u32 @!p0 s11, $0x3  }
0x2d: {  	s16 =	sand.u32 @!p0 $0x7, s11;
	s15 =	sadd.s32 @!p0 s3, s15;
	s14 =	sshra.s32 @!p0 s14, $0x2  }
0x2e: {  	[tilespmem:s14], [sflag:$0x2] =	stream.linear.gather @!p0 [hbm4b:s15+s16], $0x190, $0x38;
	[tilespmem:$0x640] =	vst v63  }
0x2f: {  	p0 =	sge.u32 s31, s7  }
.Ltmp2:
0x30: {  	_ = 	snop;
	(pc) =	sbr.rel @p0 .LBB2_5-.Ltmp2, $1  }
0x31: {  	_ =	sdelay $0x3  }
0x32: {  	s14 =	sand.u32 $0x1, s12  }
0x33: {  	_ =	swait.ge [sflag:s6], $0x190;
	p0 =	seq.s32 s14, $0x1;
	s14 =	simm.s32 $0x190  }
0x34: {  	[sflag:s6] =	ssyncset.done $0x0;
	s14 =	simm.s32 @!p0 $0x0  }
0x35: {  	[sflag:s6] =	ssyncadd.s32 $0xFFFFFE70;
	(ifvalue) =	ssetifvalue $0x7FFFFFFF;
	v0 =	vld.msk [tilespmem:s14+$0x0 ss:$0x1], $0xffff  }
0x36: {  	s15 =	sadd.s32 $0x10, s14  }
0x37: {  	v1 =	vld.msk [tilespmem:s15+$0x0 ss:$0x1], $0xffff;
	_ =	sdelay $0x2  }
0x38: {  	v2 =	vshrl.u32 v0, $0x2  }
0x39: {  	vm1 =	veq.s32 v0, $0x80000000;
	v0 =	vand.u32 $0x3, v0;
	v2 =	vand.u32 $0x1FFF, v2  }
0x3a: {  	v0 =	vsel vm1, $0xFFFFFFFF, v0;
	v6 =	vshrl.u32 v1, $0x2;
	v2 =	vsel vm1, $0xFFFFFFFF, v2  }
0x3b: {  	v3 =	vshrl.u32 v0, $0x2;
	v0 =	vshll.u32 v0, $0x7;
	vm1 =	veq.s32 v1, $0x80000000  }
0x3c: {  	s15 =	sadd.s32 $0x10, s15;
	v1 =	vand.u32 $0x3, v1;
	v4 =	vshll.u32 v2, $0x2;
	v3 =	vmul.u32 $0x5000, v3  }
0x3d: {  	v0 =	vand.u32 $0x180, v0;
	v7 =	vand.u32 $0x7F, v2;
	v5 =	vand.u32 $0xFFFFFE00, v4;
	v4 =	vld.msk [tilespmem:s15+$0x0 ss:$0x1], $0xffff  }
0x3e: {  	v1 =	vsel vm1, $0xFFFFFFFF, v1;
	v2 =	vadd.s32 v3, v5;
	v3 =	vand.u32 $0x1FFF, v6  }
0x3f: {  	v3 =	vsel vm1, $0xFFFFFFFF, v3;
	v0 =	vor.u32 v0, v2;
	v2 =	vshrl.u32 v1, $0x2  }
0x40: {  	v1 =	vshll.u32 v1, $0x7;
	v5 =	vshll.u32 v3, $0x2;
	v8 =	vmul.u32 $0x5000, v2  }
0x41: {  	s18 =	simm.s32 $0x30;
	s14 =	sadd.s32 $0x320, s14;
	s17 =	sadd.s32 $0x10, s15;
	v2 =	vand.u32 $0x180, v1;
	v0 =	vor.u32 v7, v0;
	v5 =	vand.u32 $0xFFFFFE00, v5  }
0x42: {  	s16 =	smov.u32 s14;
	s15 =	smov.u32 s14;
	v1 =	vld.msk [tilespmem:s17+$0x0 ss:$0x1], $0xffff;
	v3 =	vand.u32 $0x7F, v3;
	(ifvalue) =	ssetifvalue $0x7FFFFFFF;
	v6 =	vshrl.u32 v4, $0x2;
	v5 =	vadd.s32 v8, v5  }
.LBB2_3:
0x43: {  	s18 =	sadd.s32 $0x10, s18  }
0x44: {  	vm1 =	veq.s32 v4, $0x80000000;
	v4 =	vand.u32 $0x3, v4;
	v6 =	vand.u32 $0x1FFF, v6;
	s15 =	sadd.s32 $0x10, s15;
	p0 =	slt.u32 s18, $0x180  }
.Ltmp3:
0x45: {  	v5 =	vor.u32 v2, v5;
	v4 =	vsel vm1, $0xFFFFFFFF, v4;
	v7 =	vsel vm1, $0xFFFFFFFF, v6;
	(pc) =	sbr.rel @p0 .LBB2_3-.Ltmp3, $4  }
0x46: {  	v2 =	vshrl.u32 v4, $0x2;
	v6 =	vshll.u32 v7, $0x2;
	v4 =	vshll.u32 v4, $0x7;
	[tilespmem:s16], [sflag:$0x1] =	stream.indirect_vreg.gather [hbm4b:s2+s10], $0x1, v0, vm0, $0x4038;
	[tilespmem:$0x640] =	vst v63  }
0x47: {  	v0 =	vor.u32 v3, v5;
	s16 =	smov.u32 s15;
	v8 =	vmul.u32 $0x5000, v2;
	v2 =	vand.u32 $0x180, v4  }
0x48: {  	s17 =	sadd.s32 $0x10, s17;
	v9 =	vand.u32 $0xFFFFFE00, v6  }
0x49: {  	v3 =	vand.u32 $0x7F, v7;
	v6 =	vshrl.u32 v1, $0x2;
	v5 =	vadd.s32 v8, v9;
	(ifvalue) =	ssetifvalue $0x7FFFFFFF;
	v4 =	vmovc v1;
	v1 =	vld.msk [tilespmem:s17+$0x0 ss:$0x1], $0xffff  }
.Ltmp4:
0x4a: {  	_ = 	snop;
	(pc) =	sbr.rel .LBB2_4-.Ltmp4, $1  }
0x4b: {  	_ =	sdelay $0x3  }
.LBB2_6:
0x4c: {  	_ =	sfence.sel $0x180000  }
0x4d: {  	s2 =	simm.s32 $0x2;
	[bflag:$0x0] =	sbarrier.arrive $0xFFFF  }
0x4e: {  	s30 =	simm.s32 $0x3;
	[sflag:s2] =	ssyncpa.u1 $0x1  }
0x4f: {  	s31 =	simm.s32 $0x1;
	[sflag:s30] =	ssyncpa.u1 $0x1  }
0x50: {  	[sflag:s31] =	ssyncpa.u1 $0x1  }
0x51: {  	p0 =	sne.s32 s1, $0x0;
	_ =	strace $0x90000053  }
0x52: {  	s0 =	sadd.s32 @!p0 $0x100000, s0;
	[bflag:$0x2] =	sbarrier.arrive $0xFFFF  }
0x53: {  	[sflag:s0] =	ssyncadd.tile.s32 @!p0 $0x1;
	_ =	shalt  }
.Lfunc_end2:
_tile_overlayer_lowered:
.L_overlay_start_2:
0x54: {  	(tag) =	ssettag $0x2  }
0x55: {  	s0 =	rddreg [dreg:$0x0];
	s2 =	stileid.u32  }
0x56: {  	s1 =	rddreg [dreg:$0x1];
	p0 =	sne.s32 s2, $0x0  }
0x57: {  	s3 =	rddreg [dreg:$0x2];
	[bflag:$0x3] =	sbarrier.arrive $0xFFFF;
	s2 =	simm.s32 @!p0 $0x1C01  }
0x58: {  	[timem:s3], [sflag:s2] =	dma.local @!p0 [hbm:s0], s1  }
0x59: {  	s0 =	simm.s32 @!p0 $0x1  }
0x5a: {  	_ =	swait.ge @!p0 [sflag:s0], s1  }
0x5b: {  	s1 =	ssub.s32 @!p0 $0x0, s1;
	[sflag:s0] =	ssyncset.done @!p0 $0x0  }
0x5c: {  	[sflag:s0] =	ssyncadd.s32 @!p0 s1  }
0x5d: {  	[bflag:$0x3] =	sbarrier.arrive $0xFFFF  }
0x5e: {  	_ =	shalt  }

// kernel: gather_offload_async_start.6
scs
__scs_entry_jumppad:
0x0: {  	(pc) =	sbr.rel $0x88, $3  }
0x1: {  	(tag) =	ssettag $0x0;
	lr =	simm.s32 $0x1  }
0x2: {  	[smem:$0x3F9C] =	sst lr;
	_ =	strace $0xD0000000  }
0x3: {  	_ = 	snop  }
0x4: {  	_ = 	snop  }
0x5: {  	_ = 	snop  }
0x6: {  	_ = 	snop  }
0x7: {  	_ = 	snop  }
__scs_overlays_trampoline_lowered:
0x8: {  	[smem:$0x3FAB] =	sst s0  }
0x9: {  	[smem:$0x3FAC] =	sst s1  }
0xa: {  	[smem:$0x3FAD] =	sst s2  }
0xb: {  	[smem:$0x3FAE] =	sst s3  }
0xc: {  	[smem:$0x3FAF] =	sst s4  }
0xd: {  	[smem:$0x3FB0] =	sst s5  }
0xe: {  	[smem:$0x3FB1] =	sst s6  }
0xf: {  	[smem:$0x3FB2] =	sst s7  }
0x10: {  	[smem:$0x3FB3] =	sst s8  }
0x11: {  	[smem:$0x3FB4] =	sst s9;
	s0 =	simm.s32 @!p0 $0x0  }
0x12: {  	s1 =	sld [smem:$0x3F9A];
	s0 =	simm.s32 @p0 $0x1  }
0x13: {  	[smem:$0x3FB5] =	sst s0;
	s0 =	simm.s32 @!p1 $0x0  }
0x14: {  	s2 =	sld [smem:$0x3F99];
	s0 =	simm.s32 @p1 $0x1  }
0x15: {  	[smem:$0x3FB6] =	sst s0;
	s0 =	simm.s32 @!p2 $0x0  }
0x16: {  	s3 =	sld [smem:$0x3FDB];
	s0 =	simm.s32 @p2 $0x1  }
0x17: {  	s4 =	simm.s32 $0x1BF5;
	[smem:$0x3FB8] =	sst s0  }
0x18: {  	s0 =	sld [smem:$0x3F9B];
	_ =	swait.ge [sflag:s4], $0x0  }
0x19: {  	s7 =	sld [smem:$0x3F9C]  }
0x1a: {  	s8 =	sadd.s32 $0xFFFFE003, lr  }
0x1b: {  	s9 =	sadd.s32 $0xFFFFFEF7, lr;
	s5 =	simm.s32 $0xFFFFFFFF;
	p2 =	slt.u32 s8, $0xFFFFF086  }
0x1c: {  	p1 =	slt.u32 s9, $0xF7A;
	s5 =	simm.s32 @!p2 $0x0  }
0x1d: {  	s5 =	simm.s32 @p1 $0x1;
	p0 =	seq.s32 s7, s2  }
0x1e: {  	s7 =	smul.u32 @!p0 $0xF7A, s2;
	p2 =	seq.s32 @!p0 s5, $0x0  }
0x1f: {  	s9 =	smul.u32 $0xF7A, s1;
	s8 =	simm.s32 @!p0 $0x1BF5;
	p2 =	por !p2, p0  }
0x20: {  	[sflag:s8] =	ssyncset.s32 @!p0 $0xFFFFF086;
	s6 =	sadd.s32 @!p0 s3, s7;
	s7 =	simm.s32 @!p0 $0x108  }
0x21: {  	s3 =	sadd.s32 s3, s9;
	s6 =	sadd.s32 @!p0 $0x88, s6;
	s7 =	simm.s32 @p2 $0x1082  }
0x22: {  	[simem:s7], [sflag:s8] =	dma.local @!p0 [hbm:s6], $0xF7A  }
0x23: {  	s9 =	sor.u32 $0xD0000000, s2;
	s6 =	simm.s32 $0x108;
	_ =	swait.ge @!p0 [sflag:s8], $0x0  }
0x24: {  	s3 =	sadd.s32 $0x88, s3;
	s6 =	simm.s32 @!p1 $0x1082;
	[sflag:s4] =	ssyncset.s32 $0xFFFFF086  }
0x25: {  	[simem:s6], [sflag:s4] =	dma.local [hbm:s3], $0xF7A  }
0x26: {  	[smem:$0x3F9C] =	sst s1;
	(tag) =	ssettag s2;
	_ =	strace s9  }
0x27: {  	s1 =	sld [smem:$0x3FAC]  }
0x28: {  	s2 =	sld [smem:$0x3FAD]  }
0x29: {  	s4 =	sld [smem:$0x3FAF]  }
0x2a: {  	p0 =	seq.s32 s5, $0x0;
	s5 =	sld [smem:$0x3FB0]  }
0x2b: {  	s6 =	sld [smem:$0x3FB1]  }
0x2c: {  	s7 =	sld [smem:$0x3FB2]  }
0x2d: {  	s3 =	simm.s32 $0x108;
	s8 =	sld [smem:$0x3FB3]  }
0x2e: {  	s3 =	simm.s32 @!p0 $0x1082;
	s9 =	sld [smem:$0x3FB4]  }
0x2f: {  	lr =	sadd.s32 s0, s3;
	s0 =	sld [smem:$0x3FAB]  }
0x30: {  	s3 =	sld [smem:$0x3FAE]  }
0x31: {  	[smem:$0x3FB7] =	sst s10  }
0x32: {  	s10 =	sld [smem:$0x3FB5];
	_ =	sdelay $0x3  }
0x33: {  	p0 =	seq.s32 s10, $0x1;
	s10 =	sld [smem:$0x3FB7];
	_ =	sdelay $0x3  }
0x34: {  	[smem:$0x3FB7] =	sst s10  }
0x35: {  	s10 =	sld [smem:$0x3FB6];
	_ =	sdelay $0x3  }
0x36: {  	p1 =	seq.s32 s10, $0x1;
	s10 =	sld [smem:$0x3FB7];
	_ =	sdelay $0x3  }
0x37: {  	[smem:$0x3FB7] =	sst s10  }
0x38: {  	s10 =	sld [smem:$0x3FB8]  }
0x39: {  	_ = 	snop;
	(pc) =	sbr.ind lr, $3  }
0x3a: {  	_ = 	snop  }
0x3b: {  	_ = 	snop  }
0x3c: {  	p2 =	seq.s32 s10, $0x1;
	s10 =	sld [smem:$0x3FB7]  }
0x3d: {  	_ =	shalt  }
0x3e: {  	_ =	shalt  }
0x3f: {  	_ =	shalt  }
0x40: {  	_ =	shalt  }
0x41: {  	_ =	shalt  }
0x42: {  	_ =	shalt  }
0x43: {  	_ =	shalt  }
0x44: {  	_ =	shalt  }
0x45: {  	_ =	shalt  }
0x46: {  	_ =	shalt  }
0x47: {  	_ =	shalt  }
0x48: {  	_ =	shalt  }
0x49: {  	_ =	shalt  }
0x4a: {  	_ =	shalt  }
0x4b: {  	_ =	shalt  }
0x4c: {  	_ =	shalt  }
0x4d: {  	_ =	shalt  }
0x4e: {  	_ =	shalt  }
0x4f: {  	_ =	shalt  }
0x50: {  	_ =	shalt  }
0x51: {  	_ =	shalt  }
0x52: {  	_ =	shalt  }
0x53: {  	_ =	shalt  }
0x54: {  	_ =	shalt  }
0x55: {  	_ =	shalt  }
0x56: {  	_ =	shalt  }
0x57: {  	_ =	shalt  }
0x58: {  	_ =	shalt  }
0x59: {  	_ =	shalt  }
0x5a: {  	_ =	shalt  }
0x5b: {  	_ =	shalt  }
0x5c: {  	_ =	shalt  }
0x5d: {  	_ =	shalt  }
0x5e: {  	_ =	shalt  }
0x5f: {  	_ =	shalt  }
0x60: {  	_ =	shalt  }
0x61: {  	_ =	shalt  }
0x62: {  	_ =	shalt  }
0x63: {  	_ =	shalt  }
0x64: {  	_ =	shalt  }
0x65: {  	_ =	shalt  }
0x66: {  	_ =	shalt  }
0x67: {  	_ =	shalt  }
0x68: {  	_ =	shalt  }
0x69: {  	_ =	shalt  }
0x6a: {  	_ =	shalt  }
0x6b: {  	_ =	shalt  }
0x6c: {  	_ =	shalt  }
0x6d: {  	_ =	shalt  }
0x6e: {  	_ =	shalt  }
0x6f: {  	_ =	shalt  }
0x70: {  	_ =	shalt  }
0x71: {  	_ =	shalt  }
0x72: {  	_ =	shalt  }
0x73: {  	_ =	shalt  }
0x74: {  	_ =	shalt  }
0x75: {  	_ =	shalt  }
0x76: {  	_ =	shalt  }
0x77: {  	_ =	shalt  }
0x78: {  	_ =	shalt  }
0x79: {  	_ =	shalt  }
0x7a: {  	_ =	shalt  }
0x7b: {  	_ =	shalt  }
0x7c: {  	_ =	shalt  }
0x7d: {  	_ =	shalt  }
0x7e: {  	_ =	shalt  }
0x7f: {  	_ =	shalt  }
0x80: {  	_ =	shalt  }
0x81: {  	_ =	shalt  }
0x82: {  	_ =	shalt  }
0x83: {  	_ =	shalt  }
0x84: {  	_ =	shalt  }
0x85: {  	_ =	shalt  }
0x86: {  	_ =	shalt  }
0x87: {  	_ =	shalt  }
.Lfunc_end0:
.L_simem_size_0:
called_computation.8_lowered:
.L_overlay_start_0:
0x88: {  	s0 =	sld [smem:$0x3FD9]  }
0x89: {  	s1 =	sld [smem:$0x3FFE];
	_ =	sdelay $0x3  }
0x8a: {  	s0 =	sadd.s32 s1, s0  }
0x8b: {  	[smem:$0x3FC3] =	sst s0  }
0x8c: {  	_ = 	snop  }
0x8d: {  	(tm) =	ssettm $0x1  }
0x8e: {  	s15 =	sld [smem:$0x3FFB];
	_ =	sdelay $0x3  }
0x8f: {  	_ =	strace s15  }
0x90: {  	s0 =	sld [smem:$0x3FFC];
	_ =	sdelay $0x3  }
0x91: {  	_ =	strace s0  }
0x92: {  	s0 =	sld [smem:$0x3FFD];
	_ =	sdelay $0x3  }
0x93: {  	_ =	strace s0  }
0x94: {  	_ =	strace $0x8FFFFFFF  }
0x95: {  	s16 =	sld [smem:$0x3FDB];
	_ =	sdelay $0x1  }
0x96: {  	s17 =	simm.s32 $_scs_section_size  }
0x97: {  	s2 =	simm.s32 $_size__tile_overlayer_lowered;
	s3 =	simm.s32 $_tile_overlayer_lowered  }
0x98: {  	s20 =	simm.s32 $0x1BFF;
	s19 =	sshll.u32 s3, $0x1;
	s0 =	sadd.s32 s17, s16  }
0x99: {  	s4 =	simm.s32 $0x0;
	s18 =	sshll.u32 s2, $0x1;
	s2 =	sadd.s32 s19, s0  }
0x9a: {  	[timem:s4], [sflag:s20] =	dma.local [hbm:s2], s18  }
0x9b: {  	_ =	swait.ge [sflag:s20], s18  }
0x9c: {  	s1 =	ssub.s32 $0x0, s18;
	[sflag:s20] =	ssyncset.done $0x0  }
0x9d: {  	[sflag:s20] =	ssyncadd.s32 s1;
	_ =	sdelay $0x1  }
0x9e: {  	s21 =	simm.s32 $0x1B8B  }
0x9f: {  	_ =	swait.ge [sflag:s21], $0x1  }
0xa0: {  	[sflag:s21] =	ssyncset.done $0x0  }
0xa1: {  	s23 =	simm.s32 $0x1B8E;
	s22 =	sld [smem:$0x3FFE];
	[sflag:s21] =	ssyncadd.s32 $0xFFFFFFFF  }
0xa2: {  	s24 =	simm.s32 $execute0_lowered;
	[smem:$0x3FD2] =	sst s23  }
0xa3: {  	s2 =	sshll.u32 s24, $0x1;
	_ =	strace $0x80000055;
	[dreg:$0x1] =	wrdreg $0xFFFFFFFF  }
0xa4: {  	s25 =	simm.s32 $_size_execute0_lowered;
	s0 =	sadd.s32 s0, s2;
	[dreg:$0x0] =	wrdreg $0x0  }
0xa5: {  	s2 =	sshll.u32 s25, $0x1;
	[dreg:$0x2] =	wrdreg s0  }
0xa6: {  	[dreg:$0x3] =	wrdreg s2  }
0xa7: {  	[dreg:$0x4] =	wrdreg $0xC0  }
0xa8: {  	_ =	task [dreg:s4], $0x5FFFF  }
0xa9: {  	[dreg:$0x1] =	wrdreg $0xFFFFFFFF  }
0xaa: {  	[dreg:$0x0] =	wrdreg $0x60  }
0xab: {  	[dreg:$0x2] =	wrdreg s22  }
0xac: {  	[dreg:$0x3] =	wrdreg $0x9  }
0xad: {  	_ =	task.clear_ibuf [dreg:s4], $0x4FFFF;
	_ =	strace $0x90000055  }
0xae: {  	s26 =	simm.s32 $0x9;
	_ =	strace $0x80000057  }
0xaf: {  	_ =	swait.ge [sflag:s26], $0x1  }
0xb0: {  	[sflag:s26] =	ssyncadd.s32 $0xFFFFFFFF  }
0xb1: {  	_ =	strace $0x90000057  }
0xb2: {  	_ =	sfence  }
0xb3: {  	s28 =	sld [smem:$0x0];
	_ =	sdelay $0x1  }
0xb4: {  	s29 =	srdreg.scid  }
0xb5: {  	s30 =	sshll.u32 s29, $0xD;
	s31 =	sshrl.u32 s29, $0x2  }
0xb6: {  	s1 =	sand.u32 $0x1, s29;
	s2 =	sand.u32 $0x4000, s30;
	s0 =	sadd.s32 s31, s28  }
0xb7: {  	s1 =	sor.u32 s2, s1;
	s0 =	sshll.u32 s0, $0x11  }
0xb8: {  	s0 =	sor.u32 s0, s1  }
0xb9: {  	s0 =	sadd.s32 $0x8F2B, s0  }
0xba: {  	[sflag:s0] =	ssyncadd.remote.s32 $0x1  }
0xbb: {  	_ =	sfence.sel $0xFFFF  }
0xbc: {  	[dreg:$0x0] =	wrdreg $0xFFFFFFFF;
	(pc) =	sbr.abs _section_cstart, $3  }
0xbd: {  	[dreg:$0x1] =	wrdreg $0xFFFFFFFF  }
0xbe: {  	_ =	task.clear_ibuf [dreg:s4], $0x2FFFF;
	_ =	strace $0x9FFFFFFF  }
0xbf: {  	(tm) =	ssettm $0x7FFFFFFF  }
tec
execute0_lowered:
.L_overlay_start_1:
0x0: {  	(tag) =	ssettag $0x1  }
0x1: {  	s0 =	stileid.u32;
	s3 =	simm.s32 $0x600;
	s6 =	rddreg [dreg:$0x0]  }
0x2: {  	s7 =	simm.s32 $0x1;
	s8 =	simm.s32 $0x3;
	s10 =	simm.s32 $0x4  }
0x3: {  	s11 =	simm.s32 $0x0;
	s12 =	simm.s32 $0xFFFFF800;
	s1 =	smin.u32 s0, $0x8  }
0x4: {  	s2 =	sshll.u32 s0, $0xA;
	p0 =	slt.u32 s0, $0x8;
	s1 =	sshll.u32 s1, $0x9  }
0x5: {  	s13 =	simm.s32 $0xFFFFFE00;
	s3 =	simm.s32 @!p0 $0x400;
	s2 =	sadd.s32 s2, s1  }
0x6: {  	s14 =	simm.s32 $0xFFFFFFFF;
	s18 =	simm.s32 $0x0;
	s3 =	sadd.s32 s3, s2  }
0x7: {  	s15 =	simm.s32 $0x0;
	s17 =	simm.s32 $0x0;
	s3 =	smin.u32 s3, $0x4E20  }
0x8: {  	s4 =	sadd.s32 $0x1E00, s6;
	s1 =	rddreg [dreg:$0x1];
	s9 =	ssub.s32 s3, s2  }
.Ltmp0:
0x9: {  	_ =	strace $0x80000056;
	p0 =	sgt.s32 s9, $0x0;
	(pc) =	sbr.rel .LBB2_1-.Ltmp0, $4  }
0xa: {  	[sflag:s7] =	ssyncpa.u1 $0x0;
	s7 =	simm.s32 $0x2;
	s9 =	simm.s32 @!p0 $0x0  }
0xb: {  	s5 =	sadd.s32 $0x400, s6;
	[sflag:s7] =	ssyncpa.u1 $0x0;
	s9 =	sadd.s32 $0x1FF, s9  }
0xc: {  	s6 =	sadd.s32 $0xE00, s6;
	[sflag:s8] =	ssyncpa.u1 $0x0;
	s9 =	sshrl.u32 s9, $0x9  }
0xd: {  	v0 =	vlaneseq.u32;
	vm0 =	vmmov $0xffff;
	s16 =	smov.u32 s2;
	[sflag:s10] =	ssyncpa.u1 $0x0;
	s10 =	sadd.s32 $0x2, s9  }
.LBB2_7:
0xe: {  	p0 =	slt.u32 s17, $0x3  }
0xf: {  	s18 =	simm.s32 @!p0 $0x4  }
0x10: {  	_ =	swait.ge @!p0 [sflag:s18], $0x80  }
0x11: {  	s19 =	sadd.s32 $0x200, s16;
	[sflag:s18] =	ssyncset.done @!p0 $0x0  }
0x12: {  	s20 =	smov.u32 s2;
	[sflag:s18] =	ssyncadd.s32 @!p0 $0xFFFFFF80;
	p0 =	slt.s32 s19, s3  }
0x13: {  	s20 =	smov.u32 @p0 s19;
	p0 =	sne.s32 s17, s10  }
.Ltmp1:
0x14: {  	_ = 	snop;
	(pc) =	sbr.rel @!p0 .LBB2_8-.Ltmp1, $4  }
0x15: {  	_ = 	snop  }
0x16: {  	s31 =	sadd.s32 $0x1, s17;
	s12 =	sadd.s32 $0x800, s12  }
0x17: {  	s13 =	sadd.s32 $0x200, s13;
	s14 =	sadd.s32 $0x1, s14;
	s18 =	smov.u32 s15  }
0x18: {  	s15 =	smov.u32 s16;
	s17 =	smov.u32 s31;
	s16 =	smov.u32 s20  }
.LBB2_1:
0x19: {  	p0 =	sge.u32 s17, s9  }
0x1a: {  	s19 =	smulhi.u32 @!p0 $0xAAAAAAAB, s17;
	_ =	sdelay $0x1  }
0x1b: {  	s19 =	sshrl.u32 @!p0 s19, $0x1  }
0x1c: {  	s19 =	smul.u32 @!p0 $0x3, s19;
	_ =	sdelay $0x1  }
0x1d: {  	s31 =	sadd.s32 $0xFFFFFFFF, s17;
	s20 =	sshrl.u32 @!p0 s16, $0x3;
	s19 =	ssub.s32 @!p0 s17, s19  }
0x1e: {  	s21 =	sand.u32 @!p0 $0x7, s16;
	s20 =	sadd.s32 @!p0 s5, s20;
	s19 =	sshll.u32 @!p0 s19, $0x9  }
0x1f: {  	[tilespmem:s19], [sflag:$0x2] =	stream.linear.gather @!p0 [hbm4b:s20+s21], $0x200, $0x38;
	[tilespmem:$0xB00] =	vst v63  }
0x20: {  	p0 =	sge.u32 s31, s9  }
.Ltmp2:
0x21: {  	_ = 	snop;
	(pc) =	sbr.rel @p0 .LBB2_5-.Ltmp2, $1  }
0x22: {  	_ =	sdelay $0x3  }
0x23: {  	s19 =	smulhi.u32 $0xAAAAAAAB, s14;
	_ =	sdelay $0x1  }
0x24: {  	s19 =	sshrl.u32 s19, $0x1  }
0x25: {  	s19 =	smul.u32 $0xFFFFE800, s19;
	_ =	sdelay $0x1  }
0x26: {  	_ =	swait.ge [sflag:s7], $0x200;
	s19 =	sshra.s32 s19, $0x2  }
0x27: {  	[sflag:s7] =	ssyncset.done $0x0;
	s20 =	sadd.s32 s19, s13  }
0x28: {  	[sflag:s7] =	ssyncadd.s32 $0xFFFFFE00;
	(ifvalue) =	ssetifvalue $0x7FFFFFFF;
	s19 =	ssub.s32 $0x4E20, s15;
	v1 =	vld.msk [tilespmem:s20+$0x0 ss:$0x1], $0xffff  }
0x29: {  	p0 =	slt.s32 s19, $0x200  }
0x2a: {  	s19 =	simm.s32 @!p0 $0x200  }
0x2b: {  	p0 =	sgt.s32 s19, $0x0  }
0x2c: {  	s25 =	sadd.s32 $0x10, s20;
	s21 =	sadd.s32 $0xFFFFFFF0, s19;
	s19 =	simm.s32 @!p0 $0x0  }
0x2d: {  	v2 =	vld.msk [tilespmem:s25+$0x0 ss:$0x1], $0xffff;
	p0 =	sgt.s32 s21, $0x0;
	s19 =	smin.u32 s19, $0x10;
	vm1 =	veq.s32 v1, $0x80000000;
	v3 =	vand.u32 $0x3, v1  }
0x2e: {  	s22 =	sadd.s32 $0xFFFFFFF0, s21;
	s21 =	simm.s32 @!p0 $0x0;
	v4 =	vmov s19;
	v3 =	vsel vm1, $0xFFFFFFFF, v3  }
0x2f: {  	v1 =	vand.u32 $0x7FFC, v1;
	s31 =	smin.u32 s21, $0x10;
	vm2 =	vgt.u32 v4, v0;
	v4 =	vshrl.u32 v3, $0x2  }
0x30: {  	v1 =	vsel vm1, $0xFFFFFFFC, v1;
	v5 =	vmov s31;
	v4 =	vmul.u32 $0x5000, v4  }
0x31: {  	v6 =	vand.u32 $0xFFFFFE00, v1;
	vm3 =	vgt.u32 v5, v0;
	vm1 =	vmmov vm2  }
0x32: {  	s19 =	sadd.s32 $0x10, s25;
	v5 =	vand.u32 $0x7FFC, v2;
	v1 =	vand.u32 $0x1FC, v1;
	v4 =	vadd.s32 v6, v4  }
0x33: {  	p0 =	sgt.s32 s22, $0x0;
	s21 =	smov.u32 s22;
	vm2 =	veq.s32 v2, $0x80000000;
	v2 =	vand.u32 $0x3, v2;
	v6 =	vld.msk [tilespmem:s19+$0x0 ss:$0x1], $0xffff;
	v1 =	vor.u32 v1, v4  }
0x34: {  	s21 =	simm.s32 @!p0 $0x0;
	v3 =	vand.u32 $0x3, v3;
	v2 =	vsel vm2, $0xFFFFFFFF, v2;
	v1 =	vshrl.u32 v1, $0x2  }
0x35: {  	s23 =	sshrl.u32 s12, $0x2;
	s26 =	sadd.s32 $0xFFFFFFF0, s22;
	s21 =	smin.u32 s21, $0x10;
	v4 =	vsel vm2, $0xFFFFFFFC, v5;
	v5 =	vshrl.u32 v2, $0x2;
	v1 =	vnsel vm1, $0x7FFFFFFF, v1  }
0x36: {  	s24 =	sand.u32 $0x200, s23;
	s23 =	smov.u32 s26;
	[tilespmem:s20+$0x0] =	vst v3;
	v3 =	vmov s21;
	v2 =	vand.u32 $0x3, v2;
	v5 =	vmul.u32 $0x5000, v5  }
0x37: {  	s22 =	sadd.s32 $0x600, s24;
	s24 =	simm.s32 $0x30;
	p0 =	sgt.s32 s26, $0x0;
	vm2 =	vmmov vm3;
	v7 =	vand.u32 $0xFFFFFE00, v4;
	v4 =	vand.u32 $0x1FC, v4  }
0x38: {  	s23 =	simm.s32 @!p0 $0x0;
	s20 =	sadd.s32 $0x10, s19;
	(ifvalue) =	ssetifvalue $0x7FFFFFFF;
	vm1 =	vgt.u32 v3, v0;
	v7 =	vadd.s32 v7, v5;
	v3 =	vand.u32 $0x7FFC, v6  }
0x39: {  	s21 =	sadd.s32 $0x10, s22;
	[tilespmem:s25+$0x0] =	vst v2;
	v2 =	vld.msk [tilespmem:s20+$0x0 ss:$0x1], $0xffff;
	(ifvalue) =	ssetifvalue $0x7FFFFFFF;
	s25 =	sadd.s32 $0xFFFFFFF0, s26;
	vm3 =	veq.s32 v6, $0x80000000;
	v5 =	vand.u32 $0x3, v6;
	v4 =	vor.u32 v4, v7  }
.LBB2_3:
0x3a: {  	[tilespmem:s22], [sflag:$0x3] =	stream.indirect_vreg.gather [hbm4b:s4+s11], $0x1, v1, vm0, $0x4038;
	[tilespmem:$0xB00] =	vst v63  }
0x3b: {  	p0 =	sgt.s32 s25, $0x0  }
0x3c: {  	s22 =	smin.u32 s23, $0x10;
	s23 =	smov.u32 s25;
	s24 =	sadd.s32 $0x10, s24  }
0x3d: {  	v5 =	vsel vm3, $0xFFFFFFFF, v5;
	v6 =	vsel vm3, $0xFFFFFFFC, v3;
	v3 =	vshrl.u32 v4, $0x2;
	s23 =	simm.s32 @!p0 $0x0;
	p0 =	slt.u32 s24, $0x1F0  }
.Ltmp3:
0x3e: {  	v4 =	vshrl.u32 v5, $0x2;
	v7 =	vand.u32 $0xFFFFFE00, v6;
	v1 =	vnsel vm2, $0x7FFFFFFF, v3;
	(pc) =	sbr.rel @p0 .LBB2_3-.Ltmp3, $4  }
0x3f: {  	v3 =	vmov s22;
	v8 =	vand.u32 $0x3, v5;
	s22 =	smov.u32 s21;
	v4 =	vmul.u32 $0x5000, v4  }
0x40: {  	vm2 =	vmmov vm1;
	vm1 =	vgt.u32 v3, v0;
	[tilespmem:s19+$0x0] =	vst v8;
	s19 =	smov.u32 s20;
	s20 =	sadd.s32 $0x10, s20  }
0x41: {  	v6 =	vand.u32 $0x1FC, v6;
	v3 =	vand.u32 $0x7FFC, v2;
	v5 =	vmovc v2;
	v4 =	vadd.s32 v7, v4;
	(ifvalue) =	ssetifvalue $0x7FFFFFFF;
	v2 =	vld.msk [tilespmem:s20+$0x0 ss:$0x1], $0xffff  }
0x42: {  	s25 =	sadd.s32 $0xFFFFFFF0, s25;
	s21 =	sadd.s32 $0x10, s21;
	vm3 =	veq.s32 v5, $0x80000000;
	v5 =	vand.u32 $0x3, v5;
	v4 =	vor.u32 v6, v4  }
0x43: {  	_ = 	snop  }
0x44: {  	v5 =	vsel vm3, $0xFFFFFFFF, v5;
	v3 =	vsel vm3, $0xFFFFFFFC, v3  }
0x45: {  	v4 =	vshrl.u32 v4, $0x2;
	s23 =	smin.u32 s23, $0x10;
	vm1 =	vmmov vm1;
	v6 =	vshrl.u32 v5, $0x2  }
0x46: {  	v8 =	vmov s23;
	vm3 =	veq.s32 v2, $0x80000000;
	v7 =	vand.u32 $0x3, v2  }
0x47: {  	v61 =	vand.u32 $0xFFFFFE00, v3;
	v6 =	vmul.u32 $0x5000, v6;
	v7 =	vsel vm3, $0xFFFFFFFF, v7  }
0x48: {  	v3 =	vand.u32 $0x1FC, v3;
	v2 =	vand.u32 $0x7FFC, v2;
	v9 =	vshrl.u32 v7, $0x2  }
0x49: {  	v2 =	vsel vm3, $0xFFFFFFFC, v2;
	v6 =	vadd.s32 v61, v6;
	v9 =	vmul.u32 $0x5000, v9  }
0x4a: {  	v4 =	vnsel vm2, $0x7FFFFFFF, v4;
	v62 =	vand.u32 $0xFFFFFE00, v2;
	v3 =	vor.u32 v3, v6  }
0x4b: {  	v2 =	vand.u32 $0x1FC, v2;
	v3 =	vshrl.u32 v3, $0x2;
	v63 =	vadd.s32 v62, v9  }
0x4c: {  	vm3 =	vgt.u32 v8, v0;
	v3 =	vnsel vm1, $0x7FFFFFFF, v3;
	v2 =	vor.u32 v2, v63  }
0x4d: {  	[tilespmem:s22], [sflag:$0x3] =	stream.indirect_vreg.gather [hbm4b:s4+s11], $0x1, v1, vm0, $0x4038;
	v5 =	vand.u32 $0x3, v5;
	vm1 =	vmmov vm3;
	v1 =	vshrl.u32 v2, $0x2;
	[tilespmem:$0xB00] =	vst v63  }
0x4e: {  	[tilespmem:s19+$0x0] =	vst v5;
	(ifvalue) =	ssetifvalue $0x7FFFFFFF;
	v1 =	vnsel vm1, $0x7FFFFFFF, v1  }
0x4f: {  	[tilespmem:s21], [sflag:$0x3] =	stream.indirect_vreg.gather [hbm4b:s4+s11], $0x1, v4, vm0, $0x4038;
	v2 =	vand.u32 $0x3, v7;
	[tilespmem:$0xB00] =	vst v63  }
0x50: {  	s31 =	sadd.s32 $0x10, s21;
	[tilespmem:s20+$0x0] =	vst v2;
	(ifvalue) =	ssetifvalue $0x7FFFFFFF  }
0x51: {  	[tilespmem:s31], [sflag:$0x3] =	stream.indirect_vreg.gather [hbm4b:s4+s11], $0x1, v3, vm0, $0x4038;
	[tilespmem:$0xB00] =	vst v63  }
0x52: {  	s19 =	sadd.s32 $0x10, s31  }
0x53: {  	[tilespmem:s19], [sflag:$0x3] =	stream.indirect_vreg.gather [hbm4b:s4+s11], $0x1, v1, vm0, $0x4038;
	[tilespmem:$0xB00] =	vst v63  }
.LBB2_5:
0x54: {  	p0 =	slt.u32 s17, $0x2  }
0x55: {  	p1 =	sge.u32 @!p0 s17, s10  }
0x56: {  	p0 =	por p0, p1  }
.Ltmp4:
0x57: {  	_ = 	snop;
	(pc) =	sbr.rel @p0 .LBB2_7-.Ltmp4, $1  }
0x58: {  	_ =	sdelay $0x3  }
0x59: {  	s19 =	sadd.s32 $0xFFFFFFFE, s17  }
0x5a: {  	s20 =	smulhi.u32 $0xAAAAAAAB, s19  }
0x5b: {  	_ =	swait.ge [sflag:s8], $0x200  }
0x5c: {  	s21 =	sand.u32 $0x1, s17;
	[sflag:s8] =	ssyncset.done $0x0;
	s20 =	sshrl.u32 s20, $0x1  }
0x5d: {  	s28 =	sshll.u32 s21, $0x9;
	[sflag:s8] =	ssyncadd.s32 $0xFFFFFE00;
	s20 =	smul.u32 $0x3, s20  }
0x5e: {  	v1 =	vld [tilespmem:s28+$0x600]  }
0x5f: {  	v3 =	vld [tilespmem:s28+$0x680];
	s20 =	ssub.s32 s19, s20  }
0x60: {  	v6 =	vld [tilespmem:s28+$0x700];
	s20 =	sshll.u32 s20, $0x9  }
0x61: {  	v2 =	vld [tilespmem:s20+$0x0]  }
0x62: {  	v4 =	vld [tilespmem:s20+$0x80]  }
0x63: {  	v5 =	vld [tilespmem:s20+$0x100]  }
0x64: {  	v7 =	vld [tilespmem:s20+$0x180];
	_ =	sdelay $0x1  }
0x65: {  	v8 =	vld [tilespmem:s28+$0x780]  }
0x66: {  	v2 =	vshll.u32 v2, $0x3;
	v4 =	vshll.u32 v4, $0x3  }
0x67: {  	v1 =	vshrl.u32 v1, v2;
	v2 =	vshrl.u32 v3, v4;
	v3 =	vshll.u32 v5, $0x3  }
0x68: {  	v21 =	vshll.u32 v7, $0x3;
	v2 =	vshll.u32 v2, $0x8;
	v3 =	vshrl.u32 v6, v3  }
0x69: {  	v1 =	vand.u32 $0xFF, v1;
	v2 =	vand.u32 $0xFF00, v2;
	v3 =	vshll.u32 v3, $0x10  }
0x6a: {  	v1 =	vor.u32 v1, v2;
	v2 =	vand.u32 $0xFF0000, v3;
	v3 =	vshrl.u32 v8, v21  }
0x6b: {  	v1 =	vor.u32 v2, v1;
	v2 =	vshll.u32 v3, $0x18  }
0x6c: {  	s21 =	sshll.u32 s21, $0x7;
	v1 =	vor.u32 v2, v1  }
0x6d: {  	[tilespmem:s21+$0xA00] =	vst v1  }
0x6e: {  	v1 =	vld [tilespmem:s28+$0x610]  }
0x6f: {  	v2 =	vld [tilespmem:s20+$0x10]  }
0x70: {  	v3 =	vld [tilespmem:s28+$0x690]  }
0x71: {  	v22 =	vld [tilespmem:s20+$0x90]  }
0x72: {  	v23 =	vld [tilespmem:s20+$0x110]  }
0x73: {  	v24 =	vld [tilespmem:s28+$0x710]  }
0x74: {  	v25 =	vld [tilespmem:s20+$0x190];
	_ =	sdelay $0x1  }
0x75: {  	v26 =	vld [tilespmem:s28+$0x790]  }
0x76: {  	v2 =	vshll.u32 v2, $0x3;
	v4 =	vshll.u32 v22, $0x3  }
0x77: {  	v1 =	vshrl.u32 v1, v2;
	v2 =	vshrl.u32 v3, v4;
	v3 =	vshll.u32 v23, $0x3  }
0x78: {  	v27 =	vshll.u32 v25, $0x3;
	v2 =	vshll.u32 v2, $0x8;
	v3 =	vshrl.u32 v24, v3  }
0x79: {  	v1 =	vand.u32 $0xFF, v1;
	v2 =	vand.u32 $0xFF00, v2;
	v3 =	vshll.u32 v3, $0x10  }
0x7a: {  	v1 =	vor.u32 v1, v2;
	v2 =	vand.u32 $0xFF0000, v3;
	v3 =	vshrl.u32 v26, v27  }
0x7b: {  	v1 =	vor.u32 v2, v1;
	v2 =	vshll.u32 v3, $0x18  }
0x7c: {  	v1 =	vor.u32 v2, v1  }
0x7d: {  	[tilespmem:s21+$0xA10] =	vst v1  }
0x7e: {  	v1 =	vld [tilespmem:s28+$0x620]  }
0x7f: {  	v2 =	vld [tilespmem:s20+$0x20]  }
0x80: {  	v3 =	vld [tilespmem:s28+$0x6A0]  }
0x81: {  	v28 =	vld [tilespmem:s20+$0xA0]  }
0x82: {  	v29 =	vld [tilespmem:s20+$0x120]  }
0x83: {  	v30 =	vld [tilespmem:s28+$0x720]  }
0x84: {  	v31 =	vld [tilespmem:s20+$0x1A0];
	_ =	sdelay $0x1  }
0x85: {  	v32 =	vld [tilespmem:s28+$0x7A0]  }
0x86: {  	v2 =	vshll.u32 v2, $0x3;
	v4 =	vshll.u32 v28, $0x3  }
0x87: {  	v1 =	vshrl.u32 v1, v2;
	v2 =	vshrl.u32 v3, v4;
	v3 =	vshll.u32 v29, $0x3  }
0x88: {  	v33 =	vshll.u32 v31, $0x3;
	v2 =	vshll.u32 v2, $0x8;
	v3 =	vshrl.u32 v30, v3  }
0x89: {  	v1 =	vand.u32 $0xFF, v1;
	v2 =	vand.u32 $0xFF00, v2;
	v3 =	vshll.u32 v3, $0x10  }
0x8a: {  	v1 =	vor.u32 v1, v2;
	v2 =	vand.u32 $0xFF0000, v3;
	v3 =	vshrl.u32 v32, v33  }
0x8b: {  	v1 =	vor.u32 v2, v1;
	v2 =	vshll.u32 v3, $0x18  }
0x8c: {  	v1 =	vor.u32 v2, v1  }
0x8d: {  	[tilespmem:s21+$0xA20] =	vst v1  }
0x8e: {  	v1 =	vld [tilespmem:s28+$0x630]  }
0x8f: {  	v2 =	vld [tilespmem:s20+$0x30]  }
0x90: {  	v3 =	vld [tilespmem:s28+$0x6B0]  }
0x91: {  	v34 =	vld [tilespmem:s20+$0xB0]  }
0x92: {  	v35 =	vld [tilespmem:s20+$0x130]  }
0x93: {  	v36 =	vld [tilespmem:s28+$0x730]  }
0x94: {  	v37 =	vld [tilespmem:s20+$0x1B0];
	_ =	sdelay $0x1  }
0x95: {  	v38 =	vld [tilespmem:s28+$0x7B0]  }
0x96: {  	v2 =	vshll.u32 v2, $0x3;
	v4 =	vshll.u32 v34, $0x3  }
0x97: {  	v1 =	vshrl.u32 v1, v2;
	v2 =	vshrl.u32 v3, v4;
	v3 =	vshll.u32 v35, $0x3  }
0x98: {  	v39 =	vshll.u32 v37, $0x3;
	v2 =	vshll.u32 v2, $0x8;
	v3 =	vshrl.u32 v36, v3  }
0x99: {  	v1 =	vand.u32 $0xFF, v1;
	v2 =	vand.u32 $0xFF00, v2;
	v3 =	vshll.u32 v3, $0x10  }
0x9a: {  	v1 =	vor.u32 v1, v2;
	v2 =	vand.u32 $0xFF0000, v3;
	v3 =	vshrl.u32 v38, v39  }
0x9b: {  	v1 =	vor.u32 v2, v1;
	v2 =	vshll.u32 v3, $0x18  }
0x9c: {  	v1 =	vor.u32 v2, v1  }
0x9d: {  	[tilespmem:s21+$0xA30] =	vst v1  }
0x9e: {  	v1 =	vld [tilespmem:s28+$0x640]  }
0x9f: {  	v2 =	vld [tilespmem:s20+$0x40]  }
0xa0: {  	v3 =	vld [tilespmem:s28+$0x6C0]  }
0xa1: {  	v40 =	vld [tilespmem:s20+$0xC0]  }
0xa2: {  	v41 =	vld [tilespmem:s20+$0x140]  }
0xa3: {  	v42 =	vld [tilespmem:s28+$0x740]  }
0xa4: {  	v43 =	vld [tilespmem:s20+$0x1C0];
	_ =	sdelay $0x1  }
0xa5: {  	v44 =	vld [tilespmem:s28+$0x7C0]  }
0xa6: {  	v2 =	vshll.u32 v2, $0x3;
	v4 =	vshll.u32 v40, $0x3  }
0xa7: {  	v1 =	vshrl.u32 v1, v2;
	v2 =	vshrl.u32 v3, v4;
	v3 =	vshll.u32 v41, $0x3  }
0xa8: {  	v45 =	vshll.u32 v43, $0x3;
	v2 =	vshll.u32 v2, $0x8;
	v3 =	vshrl.u32 v42, v3  }
0xa9: {  	v1 =	vand.u32 $0xFF, v1;
	v2 =	vand.u32 $0xFF00, v2;
	v3 =	vshll.u32 v3, $0x10  }
0xaa: {  	v1 =	vor.u32 v1, v2;
	v2 =	vand.u32 $0xFF0000, v3;
	v3 =	vshrl.u32 v44, v45  }
0xab: {  	v1 =	vor.u32 v2, v1;
	v2 =	vshll.u32 v3, $0x18  }
0xac: {  	v1 =	vor.u32 v2, v1  }
0xad: {  	[tilespmem:s21+$0xA40] =	vst v1  }
0xae: {  	v1 =	vld [tilespmem:s28+$0x650]  }
0xaf: {  	v2 =	vld [tilespmem:s20+$0x50]  }
0xb0: {  	v3 =	vld [tilespmem:s28+$0x6D0]  }
0xb1: {  	v46 =	vld [tilespmem:s20+$0xD0]  }
0xb2: {  	v47 =	vld [tilespmem:s20+$0x150]  }
0xb3: {  	v48 =	vld [tilespmem:s28+$0x750]  }
0xb4: {  	v49 =	vld [tilespmem:s20+$0x1D0];
	_ =	sdelay $0x1  }
0xb5: {  	v50 =	vld [tilespmem:s28+$0x7D0]  }
0xb6: {  	v2 =	vshll.u32 v2, $0x3;
	v4 =	vshll.u32 v46, $0x3  }
0xb7: {  	v1 =	vshrl.u32 v1, v2;
	v2 =	vshrl.u32 v3, v4;
	v3 =	vshll.u32 v47, $0x3  }
0xb8: {  	v51 =	vshll.u32 v49, $0x3;
	v2 =	vshll.u32 v2, $0x8;
	v3 =	vshrl.u32 v48, v3  }
0xb9: {  	v1 =	vand.u32 $0xFF, v1;
	v2 =	vand.u32 $0xFF00, v2;
	v3 =	vshll.u32 v3, $0x10  }
0xba: {  	v1 =	vor.u32 v1, v2;
	v2 =	vand.u32 $0xFF0000, v3;
	v3 =	vshrl.u32 v50, v51  }
0xbb: {  	v1 =	vor.u32 v2, v1;
	v2 =	vshll.u32 v3, $0x18  }
0xbc: {  	v1 =	vor.u32 v2, v1  }
0xbd: {  	[tilespmem:s21+$0xA50] =	vst v1  }
0xbe: {  	v1 =	vld [tilespmem:s28+$0x660]  }
0xbf: {  	v2 =	vld [tilespmem:s20+$0x60]  }
0xc0: {  	v3 =	vld [tilespmem:s28+$0x6E0]  }
0xc1: {  	v52 =	vld [tilespmem:s20+$0xE0]  }
0xc2: {  	v53 =	vld [tilespmem:s20+$0x160]  }
0xc3: {  	v54 =	vld [tilespmem:s28+$0x760]  }
0xc4: {  	v55 =	vld [tilespmem:s20+$0x1E0];
	_ =	sdelay $0x1  }
0xc5: {  	v56 =	vld [tilespmem:s28+$0x7E0]  }
0xc6: {  	v2 =	vshll.u32 v2, $0x3;
	v4 =	vshll.u32 v52, $0x3  }
0xc7: {  	v1 =	vshrl.u32 v1, v2;
	v2 =	vshrl.u32 v3, v4;
	v3 =	vshll.u32 v53, $0x3  }
0xc8: {  	v57 =	vshll.u32 v55, $0x3;
	v2 =	vshll.u32 v2, $0x8;
	v3 =	vshrl.u32 v54, v3  }
0xc9: {  	v1 =	vand.u32 $0xFF, v1;
	v2 =	vand.u32 $0xFF00, v2;
	v3 =	vshll.u32 v3, $0x10  }
0xca: {  	v1 =	vor.u32 v1, v2;
	v2 =	vand.u32 $0xFF0000, v3;
	v3 =	vshrl.u32 v56, v57  }
0xcb: {  	v1 =	vor.u32 v2, v1;
	v2 =	vshll.u32 v3, $0x18  }
0xcc: {  	v1 =	vor.u32 v2, v1  }
0xcd: {  	[tilespmem:s21+$0xA60] =	vst v1  }
0xce: {  	v1 =	vld [tilespmem:s28+$0x670]  }
0xcf: {  	v2 =	vld [tilespmem:s20+$0x70]  }
0xd0: {  	v3 =	vld [tilespmem:s28+$0x6F0]  }
0xd1: {  	v58 =	vld [tilespmem:s20+$0xF0]  }
0xd2: {  	v59 =	vld [tilespmem:s20+$0x170]  }
0xd3: {  	v60 =	vld [tilespmem:s28+$0x770]  }
0xd4: {  	v61 =	vld [tilespmem:s20+$0x1F0];
	_ =	sdelay $0x1  }
0xd5: {  	v62 =	vld [tilespmem:s28+$0x7F0]  }
0xd6: {  	v2 =	vshll.u32 v2, $0x3;
	v4 =	vshll.u32 v58, $0x3  }
0xd7: {  	v1 =	vshrl.u32 v1, v2;
	v2 =	vshrl.u32 v3, v4;
	v3 =	vshll.u32 v59, $0x3  }
0xd8: {  	v63 =	vshll.u32 v61, $0x3;
	v3 =	vshrl.u32 v60, v3;
	v2 =	vshll.u32 v2, $0x8  }
0xd9: {  	v1 =	vand.u32 $0xFF, v1;
	v2 =	vand.u32 $0xFF00, v2;
	v3 =	vshll.u32 v3, $0x10  }
.Ltmp5:
0xda: {  	v1 =	vor.u32 v1, v2;
	v2 =	vshrl.u32 v62, v63;
	v3 =	vand.u32 $0xFF0000, v3;
	(pc) =	sbr.rel .LBB2_7-.Ltmp5, $4  }
0xdb: {  	v1 =	vor.u32 v3, v1;
	v2 =	vshll.u32 v2, $0x18  }
0xdc: {  	s29 =	sshrl.u32 s18, $0x2;
	s30 =	sshrl.u32 s18, $0x5;
	v1 =	vor.u32 v2, v1  }
0xdd: {  	s18 =	sadd.s32 s30, s6;
	s31 =	sor.u32 $0xA00, s21;
	s19 =	sand.u32 $0x7, s29;
	[tilespmem:s21+$0xA70] =	vst v1  }
0xde: {  	[hbm4b:s18+s19] =	stream.linear.scatter [tilespmem:s31], [sflag:$0x4], $0x80, $0x38;
	[tilespmem:$0xB00] =	vst v63  }
.LBB2_8:
0xdf: {  	_ =	sfence.sel $0x180000  }
0xe0: {  	s2 =	simm.s32 $0x2;
	[bflag:$0x0] =	sbarrier.arrive $0xFFFF  }
0xe1: {  	s29 =	simm.s32 $0x3;
	[sflag:s2] =	ssyncpa.u1 $0x1  }
0xe2: {  	s30 =	simm.s32 $0x4;
	[sflag:s29] =	ssyncpa.u1 $0x1  }
0xe3: {  	s31 =	simm.s32 $0x1;
	[sflag:s30] =	ssyncpa.u1 $0x1  }
0xe4: {  	[sflag:s31] =	ssyncpa.u1 $0x1  }
0xe5: {  	p0 =	sne.s32 s0, $0x0;
	_ =	strace $0x90000056  }
0xe6: {  	s0 =	sadd.s32 @!p0 $0x100000, s1;
	[bflag:$0x2] =	sbarrier.arrive $0xFFFF  }
0xe7: {  	[sflag:s0] =	ssyncadd.tile.s32 @!p0 $0x1;
	_ =	shalt  }
.Lfunc_end2:
_tile_overlayer_lowered:
.L_overlay_start_2:
0xe8: {  	(tag) =	ssettag $0x2  }
0xe9: {  	s0 =	rddreg [dreg:$0x0];
	s2 =	stileid.u32  }
0xea: {  	s1 =	rddreg [dreg:$0x1];
	p0 =	sne.s32 s2, $0x0  }
0xeb: {  	s3 =	rddreg [dreg:$0x2];
	[bflag:$0x3] =	sbarrier.arrive $0xFFFF;
	s2 =	simm.s32 @!p0 $0x1C01  }
0xec: {  	[timem:s3], [sflag:s2] =	dma.local @!p0 [hbm:s0], s1  }
0xed: {  	s0 =	simm.s32 @!p0 $0x1  }
0xee: {  	_ =	swait.ge @!p0 [sflag:s0], s1  }
0xef: {  	s1 =	ssub.s32 @!p0 $0x0, s1;
	[sflag:s0] =	ssyncset.done @!p0 $0x0  }
0xf0: {  	[sflag:s0] =	ssyncadd.s32 @!p0 s1  }
0xf1: {  	[bflag:$0x3] =	sbarrier.arrive $0xFFFF  }
0xf2: {  	_ =	shalt  }

// kernel: gather_offload_async_start
scs
__scs_entry_jumppad:
0x0: {  	(pc) =	sbr.rel $0x88, $3  }
0x1: {  	(tag) =	ssettag $0x0;
	lr =	simm.s32 $0x1  }
0x2: {  	[smem:$0x3F9C] =	sst lr;
	_ =	strace $0xD0000000  }
0x3: {  	_ = 	snop  }
0x4: {  	_ = 	snop  }
0x5: {  	_ = 	snop  }
0x6: {  	_ = 	snop  }
0x7: {  	_ = 	snop  }
__scs_overlays_trampoline_lowered:
0x8: {  	[smem:$0x3FAB] =	sst s0  }
0x9: {  	[smem:$0x3FAC] =	sst s1  }
0xa: {  	[smem:$0x3FAD] =	sst s2  }
0xb: {  	[smem:$0x3FAE] =	sst s3  }
0xc: {  	[smem:$0x3FAF] =	sst s4  }
0xd: {  	[smem:$0x3FB0] =	sst s5  }
0xe: {  	[smem:$0x3FB1] =	sst s6  }
0xf: {  	[smem:$0x3FB2] =	sst s7  }
0x10: {  	[smem:$0x3FB3] =	sst s8  }
0x11: {  	[smem:$0x3FB4] =	sst s9;
	s0 =	simm.s32 @!p0 $0x0  }
0x12: {  	s1 =	sld [smem:$0x3F9A];
	s0 =	simm.s32 @p0 $0x1  }
0x13: {  	[smem:$0x3FB5] =	sst s0;
	s0 =	simm.s32 @!p1 $0x0  }
0x14: {  	s2 =	sld [smem:$0x3F99];
	s0 =	simm.s32 @p1 $0x1  }
0x15: {  	[smem:$0x3FB6] =	sst s0;
	s0 =	simm.s32 @!p2 $0x0  }
0x16: {  	s3 =	sld [smem:$0x3FDB];
	s0 =	simm.s32 @p2 $0x1  }
0x17: {  	s4 =	simm.s32 $0x1BF5;
	[smem:$0x3FB8] =	sst s0  }
0x18: {  	s0 =	sld [smem:$0x3F9B];
	_ =	swait.ge [sflag:s4], $0x0  }
0x19: {  	s7 =	sld [smem:$0x3F9C]  }
0x1a: {  	s8 =	sadd.s32 $0xFFFFE003, lr  }
0x1b: {  	s9 =	sadd.s32 $0xFFFFFEF7, lr;
	s5 =	simm.s32 $0xFFFFFFFF;
	p2 =	slt.u32 s8, $0xFFFFF086  }
0x1c: {  	p1 =	slt.u32 s9, $0xF7A;
	s5 =	simm.s32 @!p2 $0x0  }
0x1d: {  	s5 =	simm.s32 @p1 $0x1;
	p0 =	seq.s32 s7, s2  }
0x1e: {  	s7 =	smul.u32 @!p0 $0xF7A, s2;
	p2 =	seq.s32 @!p0 s5, $0x0  }
0x1f: {  	s9 =	smul.u32 $0xF7A, s1;
	s8 =	simm.s32 @!p0 $0x1BF5;
	p2 =	por !p2, p0  }
0x20: {  	[sflag:s8] =	ssyncset.s32 @!p0 $0xFFFFF086;
	s6 =	sadd.s32 @!p0 s3, s7;
	s7 =	simm.s32 @!p0 $0x108  }
0x21: {  	s3 =	sadd.s32 s3, s9;
	s6 =	sadd.s32 @!p0 $0x88, s6;
	s7 =	simm.s32 @p2 $0x1082  }
0x22: {  	[simem:s7], [sflag:s8] =	dma.local @!p0 [hbm:s6], $0xF7A  }
0x23: {  	s9 =	sor.u32 $0xD0000000, s2;
	s6 =	simm.s32 $0x108;
	_ =	swait.ge @!p0 [sflag:s8], $0x0  }
0x24: {  	s3 =	sadd.s32 $0x88, s3;
	s6 =	simm.s32 @!p1 $0x1082;
	[sflag:s4] =	ssyncset.s32 $0xFFFFF086  }
0x25: {  	[simem:s6], [sflag:s4] =	dma.local [hbm:s3], $0xF7A  }
0x26: {  	[smem:$0x3F9C] =	sst s1;
	(tag) =	ssettag s2;
	_ =	strace s9  }
0x27: {  	s1 =	sld [smem:$0x3FAC]  }
0x28: {  	s2 =	sld [smem:$0x3FAD]  }
0x29: {  	s4 =	sld [smem:$0x3FAF]  }
0x2a: {  	p0 =	seq.s32 s5, $0x0;
	s5 =	sld [smem:$0x3FB0]  }
0x2b: {  	s6 =	sld [smem:$0x3FB1]  }
0x2c: {  	s7 =	sld [smem:$0x3FB2]  }
0x2d: {  	s3 =	simm.s32 $0x108;
	s8 =	sld [smem:$0x3FB3]  }
0x2e: {  	s3 =	simm.s32 @!p0 $0x1082;
	s9 =	sld [smem:$0x3FB4]  }
0x2f: {  	lr =	sadd.s32 s0, s3;
	s0 =	sld [smem:$0x3FAB]  }
0x30: {  	s3 =	sld [smem:$0x3FAE]  }
0x31: {  	[smem:$0x3FB7] =	sst s10  }
0x32: {  	s10 =	sld [smem:$0x3FB5];
	_ =	sdelay $0x3  }
0x33: {  	p0 =	seq.s32 s10, $0x1;
	s10 =	sld [smem:$0x3FB7];
	_ =	sdelay $0x3  }
0x34: {  	[smem:$0x3FB7] =	sst s10  }
0x35: {  	s10 =	sld [smem:$0x3FB6];
	_ =	sdelay $0x3  }
0x36: {  	p1 =	seq.s32 s10, $0x1;
	s10 =	sld [smem:$0x3FB7];
	_ =	sdelay $0x3  }
0x37: {  	[smem:$0x3FB7] =	sst s10  }
0x38: {  	s10 =	sld [smem:$0x3FB8]  }
0x39: {  	_ = 	snop;
	(pc) =	sbr.ind lr, $3  }
0x3a: {  	_ = 	snop  }
0x3b: {  	_ = 	snop  }
0x3c: {  	p2 =	seq.s32 s10, $0x1;
	s10 =	sld [smem:$0x3FB7]  }
0x3d: {  	_ =	shalt  }
0x3e: {  	_ =	shalt  }
0x3f: {  	_ =	shalt  }
0x40: {  	_ =	shalt  }
0x41: {  	_ =	shalt  }
0x42: {  	_ =	shalt  }
0x43: {  	_ =	shalt  }
0x44: {  	_ =	shalt  }
0x45: {  	_ =	shalt  }
0x46: {  	_ =	shalt  }
0x47: {  	_ =	shalt  }
0x48: {  	_ =	shalt  }
0x49: {  	_ =	shalt  }
0x4a: {  	_ =	shalt  }
0x4b: {  	_ =	shalt  }
0x4c: {  	_ =	shalt  }
0x4d: {  	_ =	shalt  }
0x4e: {  	_ =	shalt  }
0x4f: {  	_ =	shalt  }
0x50: {  	_ =	shalt  }
0x51: {  	_ =	shalt  }
0x52: {  	_ =	shalt  }
0x53: {  	_ =	shalt  }
0x54: {  	_ =	shalt  }
0x55: {  	_ =	shalt  }
0x56: {  	_ =	shalt  }
0x57: {  	_ =	shalt  }
0x58: {  	_ =	shalt  }
0x59: {  	_ =	shalt  }
0x5a: {  	_ =	shalt  }
0x5b: {  	_ =	shalt  }
0x5c: {  	_ =	shalt  }
0x5d: {  	_ =	shalt  }
0x5e: {  	_ =	shalt  }
0x5f: {  	_ =	shalt  }
0x60: {  	_ =	shalt  }
0x61: {  	_ =	shalt  }
0x62: {  	_ =	shalt  }
0x63: {  	_ =	shalt  }
0x64: {  	_ =	shalt  }
0x65: {  	_ =	shalt  }
0x66: {  	_ =	shalt  }
0x67: {  	_ =	shalt  }
0x68: {  	_ =	shalt  }
0x69: {  	_ =	shalt  }
0x6a: {  	_ =	shalt  }
0x6b: {  	_ =	shalt  }
0x6c: {  	_ =	shalt  }
0x6d: {  	_ =	shalt  }
0x6e: {  	_ =	shalt  }
0x6f: {  	_ =	shalt  }
0x70: {  	_ =	shalt  }
0x71: {  	_ =	shalt  }
0x72: {  	_ =	shalt  }
0x73: {  	_ =	shalt  }
0x74: {  	_ =	shalt  }
0x75: {  	_ =	shalt  }
0x76: {  	_ =	shalt  }
0x77: {  	_ =	shalt  }
0x78: {  	_ =	shalt  }
0x79: {  	_ =	shalt  }
0x7a: {  	_ =	shalt  }
0x7b: {  	_ =	shalt  }
0x7c: {  	_ =	shalt  }
0x7d: {  	_ =	shalt  }
0x7e: {  	_ =	shalt  }
0x7f: {  	_ =	shalt  }
0x80: {  	_ =	shalt  }
0x81: {  	_ =	shalt  }
0x82: {  	_ =	shalt  }
0x83: {  	_ =	shalt  }
0x84: {  	_ =	shalt  }
0x85: {  	_ =	shalt  }
0x86: {  	_ =	shalt  }
0x87: {  	_ =	shalt  }
.Lfunc_end0:
.L_simem_size_0:
called_computation.2_lowered:
.L_overlay_start_0:
0x88: {  	s2 =	sld [smem:$0x3FD9]  }
0x89: {  	s3 =	sld [smem:$0x3FFE];
	_ =	sdelay $0x1  }
0x8a: {  	s1 =	srdreg.scid  }
0x8b: {  	s0 =	sand.u32 $0x1, s1  }
0x8c: {  	s16 =	sshll.u32 s0, $0xA;
	s2 =	sadd.s32 s3, s2  }
0x8d: {  	s2 =	sadd.s32 s2, s16  }
0x8e: {  	[smem:$0x3FC3] =	sst s2  }
0x8f: {  	_ = 	snop  }
0x90: {  	(tm) =	ssettm $0x1  }
0x91: {  	s17 =	sld [smem:$0x3FFB];
	_ =	sdelay $0x3  }
0x92: {  	_ =	strace s17  }
0x93: {  	s2 =	sld [smem:$0x3FFC];
	_ =	sdelay $0x3  }
0x94: {  	_ =	strace s2  }
0x95: {  	s2 =	sld [smem:$0x3FFD];
	_ =	sdelay $0x3  }
0x96: {  	_ =	strace s2  }
0x97: {  	_ =	strace $0x8FFFFFFF  }
0x98: {  	s18 =	sld [smem:$0x3FDB];
	_ =	sdelay $0x1  }
0x99: {  	s19 =	simm.s32 $_scs_section_size  }
0x9a: {  	s4 =	simm.s32 $_size__tile_overlayer_lowered;
	s5 =	simm.s32 $_tile_overlayer_lowered  }
0x9b: {  	s22 =	simm.s32 $0x1BFF;
	s21 =	sshll.u32 s5, $0x1;
	s2 =	sadd.s32 s19, s18  }
0x9c: {  	s6 =	simm.s32 $0x0;
	s20 =	sshll.u32 s4, $0x1;
	s4 =	sadd.s32 s21, s2  }
0x9d: {  	[timem:s6], [sflag:s22] =	dma.local [hbm:s4], s20  }
0x9e: {  	_ =	swait.ge [sflag:s22], s20  }
0x9f: {  	s3 =	ssub.s32 $0x0, s20;
	[sflag:s22] =	ssyncset.done $0x0  }
0xa0: {  	[sflag:s22] =	ssyncadd.s32 s3;
	_ =	sdelay $0x1  }
0xa1: {  	s23 =	simm.s32 $0x1B8B  }
0xa2: {  	_ =	swait.ge [sflag:s23], $0x1  }
0xa3: {  	[sflag:s23] =	ssyncset.done $0x0  }
0xa4: {  	s25 =	simm.s32 $0x1B8E;
	s24 =	sld [smem:$0x3FFE];
	[sflag:s23] =	ssyncadd.s32 $0xFFFFFFFF  }
0xa5: {  	s26 =	simm.s32 $execute0_lowered;
	[smem:$0x3FD2] =	sst s25  }
0xa6: {  	s4 =	sshll.u32 s26, $0x1;
	_ =	strace $0x8000004C;
	[dreg:$0x1] =	wrdreg $0xFFFFFFFF  }
0xa7: {  	s28 =	simm.s32 $_size_execute0_lowered;
	s2 =	sadd.s32 s2, s4;
	[dreg:$0x0] =	wrdreg $0x0  }
0xa8: {  	s4 =	sshll.u32 s28, $0x1;
	[dreg:$0x2] =	wrdreg s2  }
0xa9: {  	[dreg:$0x3] =	wrdreg s4  }
0xaa: {  	[dreg:$0x4] =	wrdreg $0xC0  }
0xab: {  	_ =	task [dreg:s6], $0x5FFFF  }
0xac: {  	[dreg:$0x1] =	wrdreg $0xFFFFFFFF  }
0xad: {  	[dreg:$0x0] =	wrdreg $0x60  }
0xae: {  	[dreg:$0x2] =	wrdreg s24  }
0xaf: {  	[dreg:$0x3] =	wrdreg $0x9  }
0xb0: {  	_ =	task.clear_ibuf [dreg:s6], $0x4FFFF;
	_ =	strace $0x9000004C  }
0xb1: {  	s29 =	simm.s32 $0x9;
	_ =	strace $0x8000004E  }
0xb2: {  	_ =	swait.ge [sflag:s29], $0x1  }
0xb3: {  	[sflag:s29] =	ssyncadd.s32 $0xFFFFFFFF  }
0xb4: {  	_ =	strace $0x9000004E  }
0xb5: {  	_ =	sfence  }
0xb6: {  	s30 =	sld [smem:$0x0];
	_ =	sdelay $0x2  }
0xb7: {  	s31 =	sshll.u32 s1, $0xD;
	s1 =	sshrl.u32 s1, $0x2  }
0xb8: {  	s3 =	sand.u32 $0x4000, s31;
	s1 =	sadd.s32 s1, s30  }
0xb9: {  	s0 =	sor.u32 s3, s0;
	s1 =	sshll.u32 s1, $0x11  }
0xba: {  	s0 =	sor.u32 s1, s0  }
0xbb: {  	s0 =	sadd.s32 $0x8F2B, s0  }
0xbc: {  	[sflag:s0] =	ssyncadd.remote.s32 $0x1  }
0xbd: {  	_ =	sfence.sel $0xFFFF  }
0xbe: {  	[dreg:$0x0] =	wrdreg $0xFFFFFFFF;
	(pc) =	sbr.abs _section_cstart, $3  }
0xbf: {  	[dreg:$0x1] =	wrdreg $0xFFFFFFFF  }
0xc0: {  	_ =	task.clear_ibuf [dreg:s6], $0x2FFFF;
	_ =	strace $0x9FFFFFFF  }
0xc1: {  	(tm) =	ssettm $0x7FFFFFFF  }
tec
execute0_lowered:
.L_overlay_start_1:
0x0: {  	(tag) =	ssettag $0x1  }
0x1: {  	s8 =	rddreg [dreg:$0x0]  }
0x2: {  	s0 =	rddreg [dreg:$0x1];
	_ =	strace $0x8000004D;
	s1 =	stileid.u32  }
0x3: {  	s3 =	srdreg.scid;
	s4 =	simm.s32 $0x1;
	s7 =	simm.s32 $0x1  }
0x4: {  	s9 =	simm.s32 $0x1;
	s10 =	simm.s32 $0x3;
	s13 =	simm.s32 $0x0  }
0x5: {  	s12 =	simm.s32 $0x0;
	s5 =	sand.u32 $0x1, s3;
	s6 =	sshll.u32 s1, $0x1  }
0x6: {  	s2 =	sadd.s32 $0x5600, s8;
	s3 =	sadd.s32 $0x4000, s8;
	s5 =	sor.u32 s6, s5  }
.Ltmp0:
0x7: {  	[sflag:s4] =	ssyncpa.u1 $0x0;
	p0 =	slt.u32 s5, $0x13;
	(pc) =	sbr.rel .LBB2_1-.Ltmp0, $4  }
0x8: {  	s6 =	simm.s32 $0x2;
	s7 =	simm.s32 @!p0 $0x0;
	p0 =	sne.s32 s5, $0x12  }
0x9: {  	[sflag:s6] =	ssyncpa.u1 $0x0;
	s5 =	smul.u32 $0x190, s5;
	s9 =	simm.s32 @!p0 $0x0  }
0xa: {  	s8 =	sadd.s32 $0x2200, s8;
	[sflag:s10] =	ssyncpa.u1 $0x0;
	s7 =	sadd.s32 s9, s7  }
0xb: {  	vm0 =	vmmov $0xffff;
	s10 =	simm.s32 $0x0;
	s11 =	smov.u32 s5;
	s9 =	sadd.s32 $0x1, s7  }
.LBB2_4:
0xc: {  	vm1 =	veq.s32 v4, $0x80000000;
	v56 =	vand.u32 $0x3, v4;
	v6 =	vand.u32 $0x1FFF, v6  }
0xd: {  	v2 =	vor.u32 v2, v5;
	v59 =	vshrl.u32 v1, $0x2;
	v60 =	vand.u32 $0x3, v1  }
0xe: {  	v4 =	vsel vm1, $0xFFFFFFFF, v56;
	v6 =	vsel vm1, $0xFFFFFFFF, v6;
	v2 =	vor.u32 v3, v2  }
0xf: {  	vm1 =	veq.s32 v1, $0x80000000;
	v5 =	vand.u32 $0x1FFF, v59;
	v7 =	vshrl.u32 v4, $0x2  }
0x10: {  	v57 =	vshll.u32 v6, $0x2;
	v4 =	vshll.u32 v4, $0x7;
	v1 =	vsel vm1, $0xFFFFFFFF, v60  }
0x11: {  	v5 =	vsel vm1, $0xFFFFFFFF, v5;
	v6 =	vand.u32 $0x7F, v6;
	v7 =	vmul.u32 $0x5000, v7  }
0x12: {  	v58 =	vand.u32 $0xFFFFFE00, v57;
	v4 =	vand.u32 $0x180, v4;
	v61 =	vshrl.u32 v1, $0x2  }
0x13: {  	v62 =	vshll.u32 v5, $0x2;
	v3 =	vadd.s32 v7, v58;
	v7 =	vmul.u32 $0x5000, v61  }
0x14: {  	v1 =	vshll.u32 v1, $0x7;
	v3 =	vor.u32 v4, v3;
	v4 =	vand.u32 $0xFFFFFE00, v62  }
0x15: {  	v1 =	vand.u32 $0x180, v1;
	v3 =	vor.u32 v6, v3;
	v4 =	vadd.s32 v7, v4  }
0x16: {  	[tilespmem:s16], [sflag:$0x1] =	stream.indirect_vreg.gather [hbm4b:s2+s10], $0x1, v0, vm0, $0x4038;
	v63 =	vand.u32 $0x7F, v5;
	v1 =	vor.u32 v1, v4;
	[tilespmem:$0x640] =	vst v63  }
0x17: {  	s15 =	sadd.s32 $0x10, s15;
	(ifvalue) =	ssetifvalue $0x7FFFFFFF;
	v0 =	vor.u32 v63, v1  }
0x18: {  	[tilespmem:s15], [sflag:$0x1] =	stream.indirect_vreg.gather [hbm4b:s2+s10], $0x1, v2, vm0, $0x4038;
	[tilespmem:$0x640] =	vst v63  }
0x19: {  	s15 =	sadd.s32 $0x10, s15;
	(ifvalue) =	ssetifvalue $0x7FFFFFFF  }
0x1a: {  	[tilespmem:s15], [sflag:$0x1] =	stream.indirect_vreg.gather [hbm4b:s2+s10], $0x1, v3, vm0, $0x4038;
	[tilespmem:$0x640] =	vst v63  }
0x1b: {  	s15 =	sadd.s32 $0x10, s15;
	(ifvalue) =	ssetifvalue $0x7FFFFFFF  }
0x1c: {  	[tilespmem:s15], [sflag:$0x1] =	stream.indirect_vreg.gather [hbm4b:s2+s10], $0x1, v0, vm0, $0x4038;
	[tilespmem:$0x640] =	vst v63  }
0x1d: {  	_ =	swait.ge [sflag:s4], $0x190  }
0x1e: {  	s30 =	sshrl.u32 s13, $0x3;
	[sflag:s4] =	ssyncset.done $0x0  }
0x1f: {  	s31 =	sand.u32 $0x7, s13;
	s15 =	sadd.s32 s8, s30;
	[sflag:s4] =	ssyncadd.s32 $0xFFFFFE70  }
0x20: {  	[hbm4b:s15+s31] =	stream.linear.scatter [tilespmem:s14], [sflag:$0x3], $0x190, $0x38;
	[tilespmem:$0x640] =	vst v63  }
.LBB2_5:
0x21: {  	s15 =	sadd.s32 $0x3200, s11  }
0x22: {  	p1 =	sgt.s32 s15, $0x4E1F  }
0x23: {  	s15 =	smov.u32 @p1 s5;
	p1 =	sne.s32 s12, s9  }
.Ltmp1:
0x24: {  	p0 =	slt.u32 s12, $0x2;
	(pc) =	sbr.rel @!p1 .LBB2_6-.Ltmp1, $4  }
0x25: {  	s14 =	simm.s32 @!p0 $0x3  }
0x26: {  	_ =	swait.ge @!p0 [sflag:s14], $0x190  }
0x27: {  	s16 =	sadd.s32 $0x1, s12;
	s13 =	smov.u32 s11;
	[sflag:s14] =	ssyncset.done @!p0 $0x0  }
0x28: {  	s12 =	smov.u32 s16;
	s11 =	smov.u32 s15;
	[sflag:s14] =	ssyncadd.s32 @!p0 $0xFFFFFE70  }
.LBB2_1:
0x29: {  	p0 =	sge.u32 s12, s7  }
0x2a: {  	s14 =	sxor.u32 @!p0 $0x1, s12  }
0x2b: {  	s14 =	smul.u32 @!p0 $0x640, s14  }
0x2c: {  	s31 =	sadd.s32 $0xFFFFFFFF, s12;
	s15 =	sshrl.u32 @!p0 s11, $0x3  }
0x2d: {  	s16 =	sand.u32 @!p0 $0x7, s11;
	s15 =	sadd.s32 @!p0 s3, s15;
	s14 =	sshra.s32 @!p0 s14, $0x2  }
0x2e: {  	[tilespmem:s14], [sflag:$0x2] =	stream.linear.gather @!p0 [hbm4b:s15+s16], $0x190, $0x38;
	[tilespmem:$0x640] =	vst v63  }
0x2f: {  	p0 =	sge.u32 s31, s7  }
.Ltmp2:
0x30: {  	_ = 	snop;
	(pc) =	sbr.rel @p0 .LBB2_5-.Ltmp2, $1  }
0x31: {  	_ =	sdelay $0x3  }
0x32: {  	s14 =	sand.u32 $0x1, s12  }
0x33: {  	_ =	swait.ge [sflag:s6], $0x190;
	p0 =	seq.s32 s14, $0x1;
	s14 =	simm.s32 $0x190  }
0x34: {  	[sflag:s6] =	ssyncset.done $0x0;
	s14 =	simm.s32 @!p0 $0x0  }
0x35: {  	[sflag:s6] =	ssyncadd.s32 $0xFFFFFE70;
	(ifvalue) =	ssetifvalue $0x7FFFFFFF;
	v0 =	vld.msk [tilespmem:s14+$0x0 ss:$0x1], $0xffff  }
0x36: {  	s15 =	sadd.s32 $0x10, s14  }
0x37: {  	v1 =	vld.msk [tilespmem:s15+$0x0 ss:$0x1], $0xffff;
	_ =	sdelay $0x2  }
0x38: {  	v2 =	vshrl.u32 v0, $0x2  }
0x39: {  	vm1 =	veq.s32 v0, $0x80000000;
	v0 =	vand.u32 $0x3, v0;
	v2 =	vand.u32 $0x1FFF, v2  }
0x3a: {  	v0 =	vsel vm1, $0xFFFFFFFF, v0;
	v6 =	vshrl.u32 v1, $0x2;
	v2 =	vsel vm1, $0xFFFFFFFF, v2  }
0x3b: {  	v3 =	vshrl.u32 v0, $0x2;
	v0 =	vshll.u32 v0, $0x7;
	vm1 =	veq.s32 v1, $0x80000000  }
0x3c: {  	s15 =	sadd.s32 $0x10, s15;
	v1 =	vand.u32 $0x3, v1;
	v4 =	vshll.u32 v2, $0x2;
	v3 =	vmul.u32 $0x5000, v3  }
0x3d: {  	v0 =	vand.u32 $0x180, v0;
	v7 =	vand.u32 $0x7F, v2;
	v5 =	vand.u32 $0xFFFFFE00, v4;
	v4 =	vld.msk [tilespmem:s15+$0x0 ss:$0x1], $0xffff  }
0x3e: {  	v1 =	vsel vm1, $0xFFFFFFFF, v1;
	v2 =	vadd.s32 v3, v5;
	v3 =	vand.u32 $0x1FFF, v6  }
0x3f: {  	v3 =	vsel vm1, $0xFFFFFFFF, v3;
	v0 =	vor.u32 v0, v2;
	v2 =	vshrl.u32 v1, $0x2  }
0x40: {  	v1 =	vshll.u32 v1, $0x7;
	v5 =	vshll.u32 v3, $0x2;
	v8 =	vmul.u32 $0x5000, v2  }
0x41: {  	s18 =	simm.s32 $0x30;
	s14 =	sadd.s32 $0x320, s14;
	s17 =	sadd.s32 $0x10, s15;
	v2 =	vand.u32 $0x180, v1;
	v0 =	vor.u32 v7, v0;
	v5 =	vand.u32 $0xFFFFFE00, v5  }
0x42: {  	s16 =	smov.u32 s14;
	s15 =	smov.u32 s14;
	v1 =	vld.msk [tilespmem:s17+$0x0 ss:$0x1], $0xffff;
	v3 =	vand.u32 $0x7F, v3;
	(ifvalue) =	ssetifvalue $0x7FFFFFFF;
	v6 =	vshrl.u32 v4, $0x2;
	v5 =	vadd.s32 v8, v5  }
.LBB2_3:
0x43: {  	s18 =	sadd.s32 $0x10, s18  }
0x44: {  	vm1 =	veq.s32 v4, $0x80000000;
	v4 =	vand.u32 $0x3, v4;
	v6 =	vand.u32 $0x1FFF, v6;
	s15 =	sadd.s32 $0x10, s15;
	p0 =	slt.u32 s18, $0x180  }
.Ltmp3:
0x45: {  	v5 =	vor.u32 v2, v5;
	v4 =	vsel vm1, $0xFFFFFFFF, v4;
	v7 =	vsel vm1, $0xFFFFFFFF, v6;
	(pc) =	sbr.rel @p0 .LBB2_3-.Ltmp3, $4  }
0x46: {  	v2 =	vshrl.u32 v4, $0x2;
	v6 =	vshll.u32 v7, $0x2;
	v4 =	vshll.u32 v4, $0x7;
	[tilespmem:s16], [sflag:$0x1] =	stream.indirect_vreg.gather [hbm4b:s2+s10], $0x1, v0, vm0, $0x4038;
	[tilespmem:$0x640] =	vst v63  }
0x47: {  	v0 =	vor.u32 v3, v5;
	s16 =	smov.u32 s15;
	v8 =	vmul.u32 $0x5000, v2;
	v2 =	vand.u32 $0x180, v4  }
0x48: {  	s17 =	sadd.s32 $0x10, s17;
	v9 =	vand.u32 $0xFFFFFE00, v6  }
0x49: {  	v3 =	vand.u32 $0x7F, v7;
	v6 =	vshrl.u32 v1, $0x2;
	v5 =	vadd.s32 v8, v9;
	(ifvalue) =	ssetifvalue $0x7FFFFFFF;
	v4 =	vmovc v1;
	v1 =	vld.msk [tilespmem:s17+$0x0 ss:$0x1], $0xffff  }
.Ltmp4:
0x4a: {  	_ = 	snop;
	(pc) =	sbr.rel .LBB2_4-.Ltmp4, $1  }
0x4b: {  	_ =	sdelay $0x3  }
.LBB2_6:
0x4c: {  	_ =	sfence.sel $0x180000  }
0x4d: {  	s2 =	simm.s32 $0x2;
	[bflag:$0x0] =	sbarrier.arrive $0xFFFF  }
0x4e: {  	s30 =	simm.s32 $0x3;
	[sflag:s2] =	ssyncpa.u1 $0x1  }
0x4f: {  	s31 =	simm.s32 $0x1;
	[sflag:s30] =	ssyncpa.u1 $0x1  }
0x50: {  	[sflag:s31] =	ssyncpa.u1 $0x1  }
0x51: {  	p0 =	sne.s32 s1, $0x0;
	_ =	strace $0x9000004D  }
0x52: {  	s0 =	sadd.s32 @!p0 $0x100000, s0;
	[bflag:$0x2] =	sbarrier.arrive $0xFFFF  }
0x53: {  	[sflag:s0] =	ssyncadd.tile.s32 @!p0 $0x1;
	_ =	shalt  }
.Lfunc_end2:
_tile_overlayer_lowered:
.L_overlay_start_2:
0x54: {  	(tag) =	ssettag $0x2  }
0x55: {  	s0 =	rddreg [dreg:$0x0];
	s2 =	stileid.u32  }
0x56: {  	s1 =	rddreg [dreg:$0x1];
	p0 =	sne.s32 s2, $0x0  }
0x57: {  	s3 =	rddreg [dreg:$0x2];
	[bflag:$0x3] =	sbarrier.arrive $0xFFFF;
	s2 =	simm.s32 @!p0 $0x1C01  }
0x58: {  	[timem:s3], [sflag:s2] =	dma.local @!p0 [hbm:s0], s1  }
0x59: {  	s0 =	simm.s32 @!p0 $0x1  }
0x5a: {  	_ =	swait.ge @!p0 [sflag:s0], s1  }
0x5b: {  	s1 =	ssub.s32 @!p0 $0x0, s1;
	[sflag:s0] =	ssyncset.done @!p0 $0x0  }
0x5c: {  	[sflag:s0] =	ssyncadd.s32 @!p0 s1  }
0x5d: {  	[bflag:$0x3] =	sbarrier.arrive $0xFFFF  }
0x5e: {  	_ =	shalt  }

// kernel: scatter_offload_async_start.1
scs
__scs_entry_jumppad:
0x0: {  	(pc) =	sbr.rel $0x88, $3  }
0x1: {  	(tag) =	ssettag $0x0;
	lr =	simm.s32 $0x1  }
0x2: {  	[smem:$0x3F9C] =	sst lr;
	_ =	strace $0xD0000000  }
0x3: {  	_ = 	snop  }
0x4: {  	_ = 	snop  }
0x5: {  	_ = 	snop  }
0x6: {  	_ = 	snop  }
0x7: {  	_ = 	snop  }
__scs_overlays_trampoline_lowered:
0x8: {  	[smem:$0x3FAB] =	sst s0  }
0x9: {  	[smem:$0x3FAC] =	sst s1  }
0xa: {  	[smem:$0x3FAD] =	sst s2  }
0xb: {  	[smem:$0x3FAE] =	sst s3  }
0xc: {  	[smem:$0x3FAF] =	sst s4  }
0xd: {  	[smem:$0x3FB0] =	sst s5  }
0xe: {  	[smem:$0x3FB1] =	sst s6  }
0xf: {  	[smem:$0x3FB2] =	sst s7  }
0x10: {  	[smem:$0x3FB3] =	sst s8  }
0x11: {  	[smem:$0x3FB4] =	sst s9;
	s0 =	simm.s32 @!p0 $0x0  }
0x12: {  	s1 =	sld [smem:$0x3F9A];
	s0 =	simm.s32 @p0 $0x1  }
0x13: {  	[smem:$0x3FB5] =	sst s0;
	s0 =	simm.s32 @!p1 $0x0  }
0x14: {  	s2 =	sld [smem:$0x3F99];
	s0 =	simm.s32 @p1 $0x1  }
0x15: {  	[smem:$0x3FB6] =	sst s0;
	s0 =	simm.s32 @!p2 $0x0  }
0x16: {  	s3 =	sld [smem:$0x3FDB];
	s0 =	simm.s32 @p2 $0x1  }
0x17: {  	s4 =	simm.s32 $0x1BF5;
	[smem:$0x3FB8] =	sst s0  }
0x18: {  	s0 =	sld [smem:$0x3F9B];
	_ =	swait.ge [sflag:s4], $0x0  }
0x19: {  	s7 =	sld [smem:$0x3F9C]  }
0x1a: {  	s8 =	sadd.s32 $0xFFFFE003, lr  }
0x1b: {  	s9 =	sadd.s32 $0xFFFFFEF7, lr;
	s5 =	simm.s32 $0xFFFFFFFF;
	p2 =	slt.u32 s8, $0xFFFFF086  }
0x1c: {  	p1 =	slt.u32 s9, $0xF7A;
	s5 =	simm.s32 @!p2 $0x0  }
0x1d: {  	s5 =	simm.s32 @p1 $0x1;
	p0 =	seq.s32 s7, s2  }
0x1e: {  	s7 =	smul.u32 @!p0 $0xF7A, s2;
	p2 =	seq.s32 @!p0 s5, $0x0  }
0x1f: {  	s9 =	smul.u32 $0xF7A, s1;
	s8 =	simm.s32 @!p0 $0x1BF5;
	p2 =	por !p2, p0  }
0x20: {  	[sflag:s8] =	ssyncset.s32 @!p0 $0xFFFFF086;
	s6 =	sadd.s32 @!p0 s3, s7;
	s7 =	simm.s32 @!p0 $0x108  }
0x21: {  	s3 =	sadd.s32 s3, s9;
	s6 =	sadd.s32 @!p0 $0x88, s6;
	s7 =	simm.s32 @p2 $0x1082  }
0x22: {  	[simem:s7], [sflag:s8] =	dma.local @!p0 [hbm:s6], $0xF7A  }
0x23: {  	s9 =	sor.u32 $0xD0000000, s2;
	s6 =	simm.s32 $0x108;
	_ =	swait.ge @!p0 [sflag:s8], $0x0  }
0x24: {  	s3 =	sadd.s32 $0x88, s3;
	s6 =	simm.s32 @!p1 $0x1082;
	[sflag:s4] =	ssyncset.s32 $0xFFFFF086  }
0x25: {  	[simem:s6], [sflag:s4] =	dma.local [hbm:s3], $0xF7A  }
0x26: {  	[smem:$0x3F9C] =	sst s1;
	(tag) =	ssettag s2;
	_ =	strace s9  }
0x27: {  	s1 =	sld [smem:$0x3FAC]  }
0x28: {  	s2 =	sld [smem:$0x3FAD]  }
0x29: {  	s4 =	sld [smem:$0x3FAF]  }
0x2a: {  	p0 =	seq.s32 s5, $0x0;
	s5 =	sld [smem:$0x3FB0]  }
0x2b: {  	s6 =	sld [smem:$0x3FB1]  }
0x2c: {  	s7 =	sld [smem:$0x3FB2]  }
0x2d: {  	s3 =	simm.s32 $0x108;
	s8 =	sld [smem:$0x3FB3]  }
0x2e: {  	s3 =	simm.s32 @!p0 $0x1082;
	s9 =	sld [smem:$0x3FB4]  }
0x2f: {  	lr =	sadd.s32 s0, s3;
	s0 =	sld [smem:$0x3FAB]  }
0x30: {  	s3 =	sld [smem:$0x3FAE]  }
0x31: {  	[smem:$0x3FB7] =	sst s10  }
0x32: {  	s10 =	sld [smem:$0x3FB5];
	_ =	sdelay $0x3  }
0x33: {  	p0 =	seq.s32 s10, $0x1;
	s10 =	sld [smem:$0x3FB7];
	_ =	sdelay $0x3  }
0x34: {  	[smem:$0x3FB7] =	sst s10  }
0x35: {  	s10 =	sld [smem:$0x3FB6];
	_ =	sdelay $0x3  }
0x36: {  	p1 =	seq.s32 s10, $0x1;
	s10 =	sld [smem:$0x3FB7];
	_ =	sdelay $0x3  }
0x37: {  	[smem:$0x3FB7] =	sst s10  }
0x38: {  	s10 =	sld [smem:$0x3FB8]  }
0x39: {  	_ = 	snop;
	(pc) =	sbr.ind lr, $3  }
0x3a: {  	_ = 	snop  }
0x3b: {  	_ = 	snop  }
0x3c: {  	p2 =	seq.s32 s10, $0x1;
	s10 =	sld [smem:$0x3FB7]  }
0x3d: {  	_ =	shalt  }
0x3e: {  	_ =	shalt  }
0x3f: {  	_ =	shalt  }
0x40: {  	_ =	shalt  }
0x41: {  	_ =	shalt  }
0x42: {  	_ =	shalt  }
0x43: {  	_ =	shalt  }
0x44: {  	_ =	shalt  }
0x45: {  	_ =	shalt  }
0x46: {  	_ =	shalt  }
0x47: {  	_ =	shalt  }
0x48: {  	_ =	shalt  }
0x49: {  	_ =	shalt  }
0x4a: {  	_ =	shalt  }
0x4b: {  	_ =	shalt  }
0x4c: {  	_ =	shalt  }
0x4d: {  	_ =	shalt  }
0x4e: {  	_ =	shalt  }
0x4f: {  	_ =	shalt  }
0x50: {  	_ =	shalt  }
0x51: {  	_ =	shalt  }
0x52: {  	_ =	shalt  }
0x53: {  	_ =	shalt  }
0x54: {  	_ =	shalt  }
0x55: {  	_ =	shalt  }
0x56: {  	_ =	shalt  }
0x57: {  	_ =	shalt  }
0x58: {  	_ =	shalt  }
0x59: {  	_ =	shalt  }
0x5a: {  	_ =	shalt  }
0x5b: {  	_ =	shalt  }
0x5c: {  	_ =	shalt  }
0x5d: {  	_ =	shalt  }
0x5e: {  	_ =	shalt  }
0x5f: {  	_ =	shalt  }
0x60: {  	_ =	shalt  }
0x61: {  	_ =	shalt  }
0x62: {  	_ =	shalt  }
0x63: {  	_ =	shalt  }
0x64: {  	_ =	shalt  }
0x65: {  	_ =	shalt  }
0x66: {  	_ =	shalt  }
0x67: {  	_ =	shalt  }
0x68: {  	_ =	shalt  }
0x69: {  	_ =	shalt  }
0x6a: {  	_ =	shalt  }
0x6b: {  	_ =	shalt  }
0x6c: {  	_ =	shalt  }
0x6d: {  	_ =	shalt  }
0x6e: {  	_ =	shalt  }
0x6f: {  	_ =	shalt  }
0x70: {  	_ =	shalt  }
0x71: {  	_ =	shalt  }
0x72: {  	_ =	shalt  }
0x73: {  	_ =	shalt  }
0x74: {  	_ =	shalt  }
0x75: {  	_ =	shalt  }
0x76: {  	_ =	shalt  }
0x77: {  	_ =	shalt  }
0x78: {  	_ =	shalt  }
0x79: {  	_ =	shalt  }
0x7a: {  	_ =	shalt  }
0x7b: {  	_ =	shalt  }
0x7c: {  	_ =	shalt  }
0x7d: {  	_ =	shalt  }
0x7e: {  	_ =	shalt  }
0x7f: {  	_ =	shalt  }
0x80: {  	_ =	shalt  }
0x81: {  	_ =	shalt  }
0x82: {  	_ =	shalt  }
0x83: {  	_ =	shalt  }
0x84: {  	_ =	shalt  }
0x85: {  	_ =	shalt  }
0x86: {  	_ =	shalt  }
0x87: {  	_ =	shalt  }
.Lfunc_end0:
.L_simem_size_0:
called_computation.1_lowered:
.L_overlay_start_0:
0x88: {  	s0 =	sld [smem:$0x3FD9]  }
0x89: {  	s1 =	sld [smem:$0x3FFE];
	_ =	sdelay $0x3  }
0x8a: {  	s0 =	sadd.s32 s1, s0  }
0x8b: {  	[smem:$0x3FC3] =	sst s0  }
0x8c: {  	_ = 	snop  }
0x8d: {  	(tm) =	ssettm $0x1  }
0x8e: {  	s15 =	sld [smem:$0x3FFB];
	_ =	sdelay $0x3  }
0x8f: {  	_ =	strace s15  }
0x90: {  	s0 =	sld [smem:$0x3FFC];
	_ =	sdelay $0x3  }
0x91: {  	_ =	strace s0  }
0x92: {  	s0 =	sld [smem:$0x3FFD];
	_ =	sdelay $0x3  }
0x93: {  	_ =	strace s0  }
0x94: {  	_ =	strace $0x8FFFFFFF  }
0x95: {  	s16 =	sld [smem:$0x3FDB];
	_ =	sdelay $0x1  }
0x96: {  	s17 =	simm.s32 $_scs_section_size  }
0x97: {  	s2 =	simm.s32 $_size__tile_overlayer_lowered;
	s3 =	simm.s32 $_tile_overlayer_lowered  }
0x98: {  	s20 =	simm.s32 $0x1BFF;
	s19 =	sshll.u32 s3, $0x1;
	s0 =	sadd.s32 s17, s16  }
0x99: {  	s4 =	simm.s32 $0x0;
	s18 =	sshll.u32 s2, $0x1;
	s2 =	sadd.s32 s19, s0  }
0x9a: {  	[timem:s4], [sflag:s20] =	dma.local [hbm:s2], s18  }
0x9b: {  	_ =	swait.ge [sflag:s20], s18  }
0x9c: {  	s1 =	ssub.s32 $0x0, s18;
	[sflag:s20] =	ssyncset.done $0x0  }
0x9d: {  	[sflag:s20] =	ssyncadd.s32 s1;
	_ =	sdelay $0x1  }
0x9e: {  	s21 =	simm.s32 $0x1B8B  }
0x9f: {  	_ =	swait.ge [sflag:s21], $0x1  }
0xa0: {  	[sflag:s21] =	ssyncset.done $0x0  }
0xa1: {  	s23 =	simm.s32 $0x1B8E;
	s22 =	sld [smem:$0x3FFE];
	[sflag:s21] =	ssyncadd.s32 $0xFFFFFFFF  }
0xa2: {  	s24 =	simm.s32 $execute0_lowered;
	[smem:$0x3FD2] =	sst s23  }
0xa3: {  	s2 =	sshll.u32 s24, $0x1;
	_ =	strace $0x80000049;
	[dreg:$0x1] =	wrdreg $0xFFFFFFFF  }
0xa4: {  	s25 =	simm.s32 $_size_execute0_lowered;
	s0 =	sadd.s32 s0, s2;
	[dreg:$0x0] =	wrdreg $0x0  }
0xa5: {  	s2 =	sshll.u32 s25, $0x1;
	[dreg:$0x2] =	wrdreg s0  }
0xa6: {  	[dreg:$0x3] =	wrdreg s2  }
0xa7: {  	[dreg:$0x4] =	wrdreg $0xC0  }
0xa8: {  	_ =	task [dreg:s4], $0x5FFFF  }
0xa9: {  	[dreg:$0x1] =	wrdreg $0xFFFFFFFF  }
0xaa: {  	[dreg:$0x0] =	wrdreg $0x60  }
0xab: {  	[dreg:$0x2] =	wrdreg s22  }
0xac: {  	[dreg:$0x3] =	wrdreg $0x9  }
0xad: {  	_ =	task.clear_ibuf [dreg:s4], $0x4FFFF;
	_ =	strace $0x90000049  }
0xae: {  	s26 =	simm.s32 $0x9;
	_ =	strace $0x8000004B  }
0xaf: {  	_ =	swait.ge [sflag:s26], $0x1  }
0xb0: {  	[sflag:s26] =	ssyncadd.s32 $0xFFFFFFFF  }
0xb1: {  	_ =	strace $0x9000004B  }
0xb2: {  	_ =	sfence  }
0xb3: {  	s28 =	sld [smem:$0x0];
	_ =	sdelay $0x1  }
0xb4: {  	s29 =	srdreg.scid  }
0xb5: {  	s30 =	sshll.u32 s29, $0xD;
	s31 =	sshrl.u32 s29, $0x2  }
0xb6: {  	s1 =	sand.u32 $0x1, s29;
	s2 =	sand.u32 $0x4000, s30;
	s0 =	sadd.s32 s31, s28  }
0xb7: {  	s1 =	sor.u32 s2, s1;
	s0 =	sshll.u32 s0, $0x11  }
0xb8: {  	s0 =	sor.u32 s0, s1  }
0xb9: {  	s0 =	sadd.s32 $0x8F2B, s0  }
0xba: {  	[sflag:s0] =	ssyncadd.remote.s32 $0x1  }
0xbb: {  	_ =	sfence.sel $0xFFFF  }
0xbc: {  	[dreg:$0x0] =	wrdreg $0xFFFFFFFF;
	(pc) =	sbr.abs _section_cstart, $3  }
0xbd: {  	[dreg:$0x1] =	wrdreg $0xFFFFFFFF  }
0xbe: {  	_ =	task.clear_ibuf [dreg:s4], $0x2FFFF;
	_ =	strace $0x9FFFFFFF  }
0xbf: {  	(tm) =	ssettm $0x7FFFFFFF  }
tec
execute0_lowered:
.L_overlay_start_1:
0x0: {  	(tag) =	ssettag $0x1  }
0x1: {  	s7 =	rddreg [dreg:$0x0]  }
0x2: {  	s0 =	rddreg [dreg:$0x1]  }
0x3: {  	_ =	strace $0x8000004A;
	s3 =	stileid.u32;
	s4 =	simm.s32 $0x3E  }
0x4: {  	s1 =	sadd.s32 $0x6000, s7;
	p0 =	sne.s32 s3, $0x0;
	[sflag:s4] =	ssyncpa.u1 $0x0  }
0x5: {  	s30 =	smin.u32 s3, $0x9;
	s2 =	simm.s32 @!p0 $0x1C3E;
	s5 =	simm.s32 @!p0 $0x0  }
0x6: {  	[spmem:s5], [sflag:s2] =	dma.local @!p0 [hbm:s1], $0x100  }
0x7: {  	s2 =	sadd.s32 s3, s30  }
0x8: {  	p1 =	slt.u32 s3, $0x9;
	s3 =	simm.s32 $0x640;
	s2 =	smul.u32 $0x320, s2  }
0x9: {  	s3 =	simm.s32 @!p1 $0x320  }
0xa: {  	s3 =	sadd.s32 s3, s2  }
0xb: {  	s3 =	smin.u32 s3, $0x4E20  }
0xc: {  	s8 =	ssub.s32 s3, s2  }
0xd: {  	p1 =	sgt.s32 s8, $0x0  }
0xe: {  	s8 =	simm.s32 @!p1 $0x0  }
0xf: {  	s6 =	sand.u32 $0xFFE0, s8  }
0x10: {  	s5 =	simm.s32 @!p0 $0x3E;
	s6 =	sshrl.u32 s6, $0x5  }
0x11: {  	_ =	swait.ge @!p0 [sflag:s5], $0x100;
	s31 =	smul.u32 $0xA3E, s6  }
0x12: {  	[sflag:s5] =	ssyncset.done @!p0 $0x0  }
0x13: {  	[sflag:s5] =	ssyncadd.s32 @!p0 $0xFFFFFF00;
	s9 =	sshrl.u32 s31, $0x10  }
0x14: {  	s11 =	simm.s32 $0x0;
	[bflag:$0x0] =	sbarrier.arrive $0xFFFF;
	s10 =	smul.u32 $0x320, s9  }
.Ltmp0:
0x15: {  	[sflag:s4] =	ssyncpa.u1 $0x1;
	s4 =	simm.s32 $0x1;
	(pc) =	sbr.rel .LBB2_1-.Ltmp0, $4  }
0x16: {  	s5 =	sadd.s32 $0x2200, s7;
	s7 =	sadd.s32 $0x4C00, s7;
	[sflag:s4] =	ssyncpa.u1 $0x0  }
0x17: {  	s6 =	simm.s32 $0x2;
	p1 =	sne.s32 s8, s10;
	s8 =	simm.s32 $0x1  }
0x18: {  	(ifvalue) =	ssetifvalue $0x800;
	[sflag:s6] =	ssyncpa.u1 $0x0;
	s8 =	simm.s32 @!p1 $0x0  }
0x19: {  	vm0 =	vmmov $0xffff;
	s10 =	smov.u32 s2;
	s8 =	sadd.s32 s9, s8;
	s9 =	simm.s32 $0x0  }
.LBB2_5:
0x1a: {  	p2 =	sne.s32 s11, s8  }
.Ltmp1:
0x1b: {  	_ = 	snop;
	(pc) =	sbr.rel @!p2 .LBB2_6-.Ltmp1, $4  }
0x1c: {  	_ = 	snop  }
0x1d: {  	s12 =	sadd.s32 $0x320, s10  }
0x1e: {  	s10 =	smov.u32 s2;
	s13 =	sadd.s32 $0x1, s11;
	p1 =	slt.s32 s12, s3  }
0x1f: {  	s11 =	smov.u32 s13;
	s10 =	smov.u32 @p1 s12  }
.LBB2_1:
0x20: {  	p1 =	sge.u32 s11, s8  }
0x21: {  	s12 =	sxor.u32 @!p1 $0xFFFFFFFF, s11  }
0x22: {  	s12 =	sand.u32 @!p1 $0x1, s12  }
0x23: {  	s12 =	smul.u32 @!p1 $0x320, s12  }
0x24: {  	s13 =	sshrl.u32 @!p1 s10, $0x3  }
0x25: {  	s16 =	sand.u32 @!p1 $0x7, s10;
	s14 =	sadd.s32 @!p1 s5, s13;
	s15 =	sadd.s32 @!p1 $0x80, s12  }
0x26: {  	[tilespmem:s15], [sflag:$0x2] =	stream.linear.gather @!p1 [hbm4b:s14+s16], $0x320, $0x38;
	[tilespmem:$0xD00] =	vst v63  }
0x27: {  	s13 =	sadd.s32 @!p1 s7, s13;
	s12 =	sadd.s32 @!p1 $0x6C0, s12  }
0x28: {  	[tilespmem:s12], [sflag:$0x2] =	stream.linear.gather @!p1 [hbm4b:s13+s16], $0x320, $0x38;
	[tilespmem:$0xD00] =	vst v63  }
0x29: {  	p1 =	seq.s32 s11, $0x0  }
.Ltmp2:
0x2a: {  	_ = 	snop;
	(pc) =	sbr.rel @p1 .LBB2_5-.Ltmp2, $1  }
0x2b: {  	_ =	sdelay $0x3  }
0x2c: {  	s12 =	sand.u32 $0x1, s11  }
0x2d: {  	_ =	swait.ge [sflag:s6], $0x640;
	p1 =	seq.s32 s12, $0x1;
	s12 =	simm.s32 $0x320  }
0x2e: {  	[sflag:s6] =	ssyncset.done $0x0;
	s12 =	simm.s32 @!p1 $0x0  }
0x2f: {  	[sflag:s6] =	ssyncadd.s32 $0xFFFFF9C0;
	s14 =	sor.u32 $0x80, s12  }
0x30: {  	v0 =	vld.msk [tilespmem:s14+$0x0 ss:$0x1], $0xffff;
	_ =	sdelay $0x4  }
0x31: {  	v0 =	vmin.u32 v0, $0x800;
	_ =	sdelay $0x3  }
0x32: {  	s13 =	simm.s32 $0x0;
	s12 =	sadd.s32 $0x6C0, s12;
	s14 =	sadd.s32 $0x10, s14  }
0x33: {  	[spmem:s9] =	stream.indirect_vreg.scatter.add.s32 [tilespmem:s12], [sflag:$0x1], $0x1, v0, vm0, $0x4038;
	[tilespmem:$0xD00] =	vst v63  }
.LBB2_3:
0x34: {  	v0 =	vld.msk [tilespmem:s14+$0x0 ss:$0x1], $0xffff;
	s13 =	sadd.s32 $0x10, s13  }
0x35: {  	p1 =	slt.u32 s13, $0x310;
	_ =	sdelay $0x4  }
0x36: {  	v0 =	vmin.u32 v0, $0x800  }
.Ltmp3:
0x37: {  	(pc) =	sbr.rel @p1 .LBB2_3-.Ltmp3, $3  }
0x38: {  	_ =	sdelay $0x1  }
0x39: {  	s14 =	sadd.s32 $0x10, s14;
	s12 =	sadd.s32 $0x10, s12  }
0x3a: {  	[spmem:s9] =	stream.indirect_vreg.scatter.add.s32 [tilespmem:s12], [sflag:$0x1], $0x1, v0, vm0, $0x4038;
	[tilespmem:$0xD00] =	vst v63  }
.Ltmp4:
0x3b: {  	(pc) =	sbr.rel .LBB2_5-.Ltmp4, $4  }
0x3c: {  	_ = 	snop  }
0x3d: {  	_ =	swait.ge [sflag:s4], $0x320  }
0x3e: {  	[sflag:s4] =	ssyncset.done $0x0  }
0x3f: {  	[sflag:s4] =	ssyncadd.s32 $0xFFFFFCE0  }
.LBB2_6:
0x40: {  	_ =	sfence.sel $0x180000  }
0x41: {  	s2 =	simm.s32 $0x2;
	[bflag:$0x0] =	sbarrier.arrive $0xFFFF  }
0x42: {  	s30 =	simm.s32 $0x1;
	[sflag:s2] =	ssyncpa.u1 $0x1  }
0x43: {  	[sflag:s30] =	ssyncpa.u1 $0x1  }
0x44: {  	_ =	sfence.stream.spmem  }
0x45: {  	s31 =	simm.s32 $0x3D;
	[bflag:$0x0] =	sbarrier.arrive $0xFFFF  }
0x46: {  	s2 =	simm.s32 @p0 $0x3D;
	[sflag:s31] =	ssyncpa.u1 $0x0  }
0x47: {  	[sflag:s2] =	ssyncpa.u1 @p0 $0x1  }
0x48: {  	[bflag:$0x0] =	sbarrier.arrive @p0 $0xFFFF  }
0x49: {  	_ =	strace @p0 $0x9000004A  }
0x4a: {  	s3 =	simm.s32 @!p0 $0x1C3D;
	s2 =	simm.s32 @!p0 $0x0;
	[bflag:$0x2] =	sbarrier.arrive @p0 $0xFFFF  }
0x4b: {  	[hbm:s1], [sflag:s3] =	dma.local @!p0 [spmem:s2], $0x100  }
0x4c: {  	s1 =	simm.s32 @!p0 $0x3D  }
0x4d: {  	_ =	swait.ge @!p0 [sflag:s1], $0x100  }
0x4e: {  	[sflag:s1] =	ssyncset.done @!p0 $0x0  }
0x4f: {  	[sflag:s1] =	ssyncadd.s32 @!p0 $0xFFFFFF00  }
0x50: {  	[sflag:s1] =	ssyncpa.u1 @!p0 $0x1  }
0x51: {  	[bflag:$0x0] =	sbarrier.arrive @!p0 $0xFFFF  }
0x52: {  	_ =	strace @!p0 $0x9000004A  }
0x53: {  	s0 =	sadd.s32 @!p0 $0x100000, s0;
	[bflag:$0x2] =	sbarrier.arrive @!p0 $0xFFFF  }
0x54: {  	[sflag:s0] =	ssyncadd.tile.s32 @!p0 $0x1;
	_ =	shalt  }
.Lfunc_end2:
_tile_overlayer_lowered:
.L_overlay_start_2:
0x55: {  	(tag) =	ssettag $0x2  }
0x56: {  	s0 =	rddreg [dreg:$0x0];
	s2 =	stileid.u32  }
0x57: {  	s1 =	rddreg [dreg:$0x1];
	p0 =	sne.s32 s2, $0x0  }
0x58: {  	s3 =	rddreg [dreg:$0x2];
	[bflag:$0x3] =	sbarrier.arrive $0xFFFF;
	s2 =	simm.s32 @!p0 $0x1C01  }
0x59: {  	[timem:s3], [sflag:s2] =	dma.local @!p0 [hbm:s0], s1  }
0x5a: {  	s0 =	simm.s32 @!p0 $0x1  }
0x5b: {  	_ =	swait.ge @!p0 [sflag:s0], s1  }
0x5c: {  	s1 =	ssub.s32 @!p0 $0x0, s1;
	[sflag:s0] =	ssyncset.done @!p0 $0x0  }
0x5d: {  	[sflag:s0] =	ssyncadd.s32 @!p0 s1  }
0x5e: {  	[bflag:$0x3] =	sbarrier.arrive $0xFFFF  }
0x5f: {  	_ =	shalt  }

// kernel: scatter_offload_async_start
scs
__scs_entry_jumppad:
0x0: {  	(pc) =	sbr.rel $0x88, $3  }
0x1: {  	(tag) =	ssettag $0x0;
	lr =	simm.s32 $0x1  }
0x2: {  	[smem:$0x3F9C] =	sst lr;
	_ =	strace $0xD0000000  }
0x3: {  	_ = 	snop  }
0x4: {  	_ = 	snop  }
0x5: {  	_ = 	snop  }
0x6: {  	_ = 	snop  }
0x7: {  	_ = 	snop  }
__scs_overlays_trampoline_lowered:
0x8: {  	[smem:$0x3FAB] =	sst s0  }
0x9: {  	[smem:$0x3FAC] =	sst s1  }
0xa: {  	[smem:$0x3FAD] =	sst s2  }
0xb: {  	[smem:$0x3FAE] =	sst s3  }
0xc: {  	[smem:$0x3FAF] =	sst s4  }
0xd: {  	[smem:$0x3FB0] =	sst s5  }
0xe: {  	[smem:$0x3FB1] =	sst s6  }
0xf: {  	[smem:$0x3FB2] =	sst s7  }
0x10: {  	[smem:$0x3FB3] =	sst s8  }
0x11: {  	[smem:$0x3FB4] =	sst s9;
	s0 =	simm.s32 @!p0 $0x0  }
0x12: {  	s1 =	sld [smem:$0x3F9A];
	s0 =	simm.s32 @p0 $0x1  }
0x13: {  	[smem:$0x3FB5] =	sst s0;
	s0 =	simm.s32 @!p1 $0x0  }
0x14: {  	s2 =	sld [smem:$0x3F99];
	s0 =	simm.s32 @p1 $0x1  }
0x15: {  	[smem:$0x3FB6] =	sst s0;
	s0 =	simm.s32 @!p2 $0x0  }
0x16: {  	s3 =	sld [smem:$0x3FDB];
	s0 =	simm.s32 @p2 $0x1  }
0x17: {  	s4 =	simm.s32 $0x1BF5;
	[smem:$0x3FB8] =	sst s0  }
0x18: {  	s0 =	sld [smem:$0x3F9B];
	_ =	swait.ge [sflag:s4], $0x0  }
0x19: {  	s7 =	sld [smem:$0x3F9C]  }
0x1a: {  	s8 =	sadd.s32 $0xFFFFE003, lr  }
0x1b: {  	s9 =	sadd.s32 $0xFFFFFEF7, lr;
	s5 =	simm.s32 $0xFFFFFFFF;
	p2 =	slt.u32 s8, $0xFFFFF086  }
0x1c: {  	p1 =	slt.u32 s9, $0xF7A;
	s5 =	simm.s32 @!p2 $0x0  }
0x1d: {  	s5 =	simm.s32 @p1 $0x1;
	p0 =	seq.s32 s7, s2  }
0x1e: {  	s7 =	smul.u32 @!p0 $0xF7A, s2;
	p2 =	seq.s32 @!p0 s5, $0x0  }
0x1f: {  	s9 =	smul.u32 $0xF7A, s1;
	s8 =	simm.s32 @!p0 $0x1BF5;
	p2 =	por !p2, p0  }
0x20: {  	[sflag:s8] =	ssyncset.s32 @!p0 $0xFFFFF086;
	s6 =	sadd.s32 @!p0 s3, s7;
	s7 =	simm.s32 @!p0 $0x108  }
0x21: {  	s3 =	sadd.s32 s3, s9;
	s6 =	sadd.s32 @!p0 $0x88, s6;
	s7 =	simm.s32 @p2 $0x1082  }
0x22: {  	[simem:s7], [sflag:s8] =	dma.local @!p0 [hbm:s6], $0xF7A  }
0x23: {  	s9 =	sor.u32 $0xD0000000, s2;
	s6 =	simm.s32 $0x108;
	_ =	swait.ge @!p0 [sflag:s8], $0x0  }
0x24: {  	s3 =	sadd.s32 $0x88, s3;
	s6 =	simm.s32 @!p1 $0x1082;
	[sflag:s4] =	ssyncset.s32 $0xFFFFF086  }
0x25: {  	[simem:s6], [sflag:s4] =	dma.local [hbm:s3], $0xF7A  }
0x26: {  	[smem:$0x3F9C] =	sst s1;
	(tag) =	ssettag s2;
	_ =	strace s9  }
0x27: {  	s1 =	sld [smem:$0x3FAC]  }
0x28: {  	s2 =	sld [smem:$0x3FAD]  }
0x29: {  	s4 =	sld [smem:$0x3FAF]  }
0x2a: {  	p0 =	seq.s32 s5, $0x0;
	s5 =	sld [smem:$0x3FB0]  }
0x2b: {  	s6 =	sld [smem:$0x3FB1]  }
0x2c: {  	s7 =	sld [smem:$0x3FB2]  }
0x2d: {  	s3 =	simm.s32 $0x108;
	s8 =	sld [smem:$0x3FB3]  }
0x2e: {  	s3 =	simm.s32 @!p0 $0x1082;
	s9 =	sld [smem:$0x3FB4]  }
0x2f: {  	lr =	sadd.s32 s0, s3;
	s0 =	sld [smem:$0x3FAB]  }
0x30: {  	s3 =	sld [smem:$0x3FAE]  }
0x31: {  	[smem:$0x3FB7] =	sst s10  }
0x32: {  	s10 =	sld [smem:$0x3FB5];
	_ =	sdelay $0x3  }
0x33: {  	p0 =	seq.s32 s10, $0x1;
	s10 =	sld [smem:$0x3FB7];
	_ =	sdelay $0x3  }
0x34: {  	[smem:$0x3FB7] =	sst s10  }
0x35: {  	s10 =	sld [smem:$0x3FB6];
	_ =	sdelay $0x3  }
0x36: {  	p1 =	seq.s32 s10, $0x1;
	s10 =	sld [smem:$0x3FB7];
	_ =	sdelay $0x3  }
0x37: {  	[smem:$0x3FB7] =	sst s10  }
0x38: {  	s10 =	sld [smem:$0x3FB8]  }
0x39: {  	_ = 	snop;
	(pc) =	sbr.ind lr, $3  }
0x3a: {  	_ = 	snop  }
0x3b: {  	_ = 	snop  }
0x3c: {  	p2 =	seq.s32 s10, $0x1;
	s10 =	sld [smem:$0x3FB7]  }
0x3d: {  	_ =	shalt  }
0x3e: {  	_ =	shalt  }
0x3f: {  	_ =	shalt  }
0x40: {  	_ =	shalt  }
0x41: {  	_ =	shalt  }
0x42: {  	_ =	shalt  }
0x43: {  	_ =	shalt  }
0x44: {  	_ =	shalt  }
0x45: {  	_ =	shalt  }
0x46: {  	_ =	shalt  }
0x47: {  	_ =	shalt  }
0x48: {  	_ =	shalt  }
0x49: {  	_ =	shalt  }
0x4a: {  	_ =	shalt  }
0x4b: {  	_ =	shalt  }
0x4c: {  	_ =	shalt  }
0x4d: {  	_ =	shalt  }
0x4e: {  	_ =	shalt  }
0x4f: {  	_ =	shalt  }
0x50: {  	_ =	shalt  }
0x51: {  	_ =	shalt  }
0x52: {  	_ =	shalt  }
0x53: {  	_ =	shalt  }
0x54: {  	_ =	shalt  }
0x55: {  	_ =	shalt  }
0x56: {  	_ =	shalt  }
0x57: {  	_ =	shalt  }
0x58: {  	_ =	shalt  }
0x59: {  	_ =	shalt  }
0x5a: {  	_ =	shalt  }
0x5b: {  	_ =	shalt  }
0x5c: {  	_ =	shalt  }
0x5d: {  	_ =	shalt  }
0x5e: {  	_ =	shalt  }
0x5f: {  	_ =	shalt  }
0x60: {  	_ =	shalt  }
0x61: {  	_ =	shalt  }
0x62: {  	_ =	shalt  }
0x63: {  	_ =	shalt  }
0x64: {  	_ =	shalt  }
0x65: {  	_ =	shalt  }
0x66: {  	_ =	shalt  }
0x67: {  	_ =	shalt  }
0x68: {  	_ =	shalt  }
0x69: {  	_ =	shalt  }
0x6a: {  	_ =	shalt  }
0x6b: {  	_ =	shalt  }
0x6c: {  	_ =	shalt  }
0x6d: {  	_ =	shalt  }
0x6e: {  	_ =	shalt  }
0x6f: {  	_ =	shalt  }
0x70: {  	_ =	shalt  }
0x71: {  	_ =	shalt  }
0x72: {  	_ =	shalt  }
0x73: {  	_ =	shalt  }
0x74: {  	_ =	shalt  }
0x75: {  	_ =	shalt  }
0x76: {  	_ =	shalt  }
0x77: {  	_ =	shalt  }
0x78: {  	_ =	shalt  }
0x79: {  	_ =	shalt  }
0x7a: {  	_ =	shalt  }
0x7b: {  	_ =	shalt  }
0x7c: {  	_ =	shalt  }
0x7d: {  	_ =	shalt  }
0x7e: {  	_ =	shalt  }
0x7f: {  	_ =	shalt  }
0x80: {  	_ =	shalt  }
0x81: {  	_ =	shalt  }
0x82: {  	_ =	shalt  }
0x83: {  	_ =	shalt  }
0x84: {  	_ =	shalt  }
0x85: {  	_ =	shalt  }
0x86: {  	_ =	shalt  }
0x87: {  	_ =	shalt  }
.Lfunc_end0:
.L_simem_size_0:
called_computation_lowered:
.L_overlay_start_0:
0x88: {  	s0 =	sld [smem:$0x3FD9]  }
0x89: {  	s1 =	sld [smem:$0x3FFE];
	_ =	sdelay $0x3  }
0x8a: {  	s0 =	sadd.s32 s1, s0  }
0x8b: {  	[smem:$0x3FC3] =	sst s0  }
0x8c: {  	_ = 	snop  }
0x8d: {  	(tm) =	ssettm $0x1  }
0x8e: {  	s15 =	sld [smem:$0x3FFB];
	_ =	sdelay $0x3  }
0x8f: {  	_ =	strace s15  }
0x90: {  	s0 =	sld [smem:$0x3FFC];
	_ =	sdelay $0x3  }
0x91: {  	_ =	strace s0  }
0x92: {  	s0 =	sld [smem:$0x3FFD];
	_ =	sdelay $0x3  }
0x93: {  	_ =	strace s0  }
0x94: {  	_ =	strace $0x8FFFFFFF  }
0x95: {  	s16 =	sld [smem:$0x3FDB];
	_ =	sdelay $0x1  }
0x96: {  	s17 =	simm.s32 $_scs_section_size  }
0x97: {  	s2 =	simm.s32 $_size__tile_overlayer_lowered;
	s3 =	simm.s32 $_tile_overlayer_lowered  }
0x98: {  	s20 =	simm.s32 $0x1BFF;
	s19 =	sshll.u32 s3, $0x1;
	s0 =	sadd.s32 s17, s16  }
0x99: {  	s4 =	simm.s32 $0x0;
	s18 =	sshll.u32 s2, $0x1;
	s2 =	sadd.s32 s19, s0  }
0x9a: {  	[timem:s4], [sflag:s20] =	dma.local [hbm:s2], s18  }
0x9b: {  	_ =	swait.ge [sflag:s20], s18  }
0x9c: {  	s1 =	ssub.s32 $0x0, s18;
	[sflag:s20] =	ssyncset.done $0x0  }
0x9d: {  	[sflag:s20] =	ssyncadd.s32 s1;
	_ =	sdelay $0x1  }
0x9e: {  	s21 =	simm.s32 $0x1B8B  }
0x9f: {  	_ =	swait.ge [sflag:s21], $0x1  }
0xa0: {  	[sflag:s21] =	ssyncset.done $0x0  }
0xa1: {  	s23 =	simm.s32 $0x1B8E;
	s22 =	sld [smem:$0x3FFE];
	[sflag:s21] =	ssyncadd.s32 $0xFFFFFFFF  }
0xa2: {  	s24 =	simm.s32 $execute0_lowered;
	[smem:$0x3FD2] =	sst s23  }
0xa3: {  	s2 =	sshll.u32 s24, $0x1;
	_ =	strace $0x80000046;
	[dreg:$0x1] =	wrdreg $0xFFFFFFFF  }
0xa4: {  	s25 =	simm.s32 $_size_execute0_lowered;
	s0 =	sadd.s32 s0, s2;
	[dreg:$0x0] =	wrdreg $0x0  }
0xa5: {  	s2 =	sshll.u32 s25, $0x1;
	[dreg:$0x2] =	wrdreg s0  }
0xa6: {  	[dreg:$0x3] =	wrdreg s2  }
0xa7: {  	[dreg:$0x4] =	wrdreg $0xC0  }
0xa8: {  	_ =	task [dreg:s4], $0x5FFFF  }
0xa9: {  	[dreg:$0x1] =	wrdreg $0xFFFFFFFF  }
0xaa: {  	[dreg:$0x0] =	wrdreg $0x60  }
0xab: {  	[dreg:$0x2] =	wrdreg s22  }
0xac: {  	[dreg:$0x3] =	wrdreg $0x9  }
0xad: {  	_ =	task.clear_ibuf [dreg:s4], $0x4FFFF;
	_ =	strace $0x90000046  }
0xae: {  	s26 =	simm.s32 $0x9;
	_ =	strace $0x80000048  }
0xaf: {  	_ =	swait.ge [sflag:s26], $0x1  }
0xb0: {  	[sflag:s26] =	ssyncadd.s32 $0xFFFFFFFF  }
0xb1: {  	_ =	strace $0x90000048  }
0xb2: {  	_ =	sfence  }
0xb3: {  	s28 =	sld [smem:$0x0];
	_ =	sdelay $0x1  }
0xb4: {  	s29 =	srdreg.scid  }
0xb5: {  	s30 =	sshll.u32 s29, $0xD;
	s31 =	sshrl.u32 s29, $0x2  }
0xb6: {  	s1 =	sand.u32 $0x1, s29;
	s2 =	sand.u32 $0x4000, s30;
	s0 =	sadd.s32 s31, s28  }
0xb7: {  	s1 =	sor.u32 s2, s1;
	s0 =	sshll.u32 s0, $0x11  }
0xb8: {  	s0 =	sor.u32 s0, s1  }
0xb9: {  	s0 =	sadd.s32 $0x8F2B, s0  }
0xba: {  	[sflag:s0] =	ssyncadd.remote.s32 $0x1  }
0xbb: {  	_ =	sfence.sel $0xFFFF  }
0xbc: {  	[dreg:$0x0] =	wrdreg $0xFFFFFFFF;
	(pc) =	sbr.abs _section_cstart, $3  }
0xbd: {  	[dreg:$0x1] =	wrdreg $0xFFFFFFFF  }
0xbe: {  	_ =	task.clear_ibuf [dreg:s4], $0x2FFFF;
	_ =	strace $0x9FFFFFFF  }
0xbf: {  	(tm) =	ssettm $0x7FFFFFFF  }
tec
execute0_lowered:
.L_overlay_start_1:
0x0: {  	(tag) =	ssettag $0x1  }
0x1: {  	s0 =	rddreg [dreg:$0x0]  }
0x2: {  	s14 =	stileid.u32;
	_ =	strace $0x80000047;
	s2 =	simm.s32 $0x1  }
0x3: {  	v1 =	vimm.s32 $0xFFFFFFFF;
	s1 =	smin.u32 s14, $0x9;
	[sflag:s2] =	ssyncpa.u1 $0x0  }
0x4: {  	s1 =	sadd.s32 s14, s1;
	[tilespmem:$0x10] =	vst v1  }
0x5: {  	v0 =	vimm.s32 $0x80000000;
	p0 =	slt.u32 s14, $0x9;
	[tilespmem:$0x20] =	vst v1;
	s3 =	smul.u32 $0x320, s1;
	s1 =	simm.s32 $0x640  }
0x6: {  	[tilespmem:$0x30] =	vst v0;
	s1 =	simm.s32 @!p0 $0x320  }
0x7: {  	[tilespmem:$0x40] =	vst v0;
	s1 =	sadd.s32 s1, s3  }
0x8: {  	[tilespmem:$0x50] =	vst v0;
	s4 =	smin.u32 s1, $0x4E20  }
0x9: {  	[tilespmem:$0x60] =	vst v1;
	s6 =	ssub.s32 s4, s3  }
0xa: {  	s7 =	simm.s32 $0x2;
	s8 =	simm.s32 $0x8;
	[tilespmem:$0x70] =	vst v1;
	p0 =	sgt.s32 s6, $0x0  }
0xb: {  	s31 =	simm.s32 $0x9;
	s16 =	simm.s32 $0x0;
	[tilespmem:$0x80] =	vst v1;
	s6 =	simm.s32 @!p0 $0x0  }
0xc: {  	s17 =	simm.s32 $0xF0;
	s18 =	simm.s32 $0xFFFFFFFF;
	v1 =	vimm.s32 $0x0;
	[tilespmem:$0xB0] =	vst v0;
	s30 =	sand.u32 $0xFFE0, s6  }
0xd: {  	s19 =	simm.s32 $0xFFFFFAC0;
	s20 =	simm.s32 $0xFFFFFFFE;
	[tilespmem:$0x90] =	vst v1;
	s1 =	sshrl.u32 s30, $0x5  }
0xe: {  	[tilespmem:$0xA0] =	vst v1;
	[sflag:s7] =	ssyncpa.u1 $0x0;
	s7 =	simm.s32 $0x7;
	s5 =	smul.u32 $0xA3E, s1  }
0xf: {  	s21 =	simm.s32 $0xF;
	s25 =	simm.s32 $0x0;
	[sflag:s7] =	ssyncpa.u1 $0x0  }
0x10: {  	s24 =	simm.s32 $0x0;
	[sflag:s8] =	ssyncpa.u1 $0x0;
	s9 =	sshrl.u32 s5, $0x10  }
0x11: {  	s23 =	smov.u32 s3;
	s1 =	sadd.s32 $0x6000, s0;
	s10 =	smul.u32 $0x320, s9  }
.Ltmp0:
0x12: {  	s5 =	sadd.s32 $0x4C00, s0;
	s0 =	sadd.s32 $0x5600, s0;
	(pc) =	sbr.rel .LBB2_1-.Ltmp0, $4  }
0x13: {  	[sflag:s31] =	ssyncpa.u1 $0x0;
	[dreg:$0x2] =	wrdreg s0;
	p0 =	sne.s32 s6, s10  }
0x14: {  	s10 =	sshll.u32 s14, $0x1;
	s14 =	sshllo.u32 s14, $0x1;
	s2 =	simm.s32 @!p0 $0x0  }
0x15: {  	vm0 =	vmmov $0xffff;
	v2 =	vlaneseq.u32;
	s13 =	sor.u32 $0x81, s10;
	s15 =	sor.u32 $0x80, s10;
	s9 =	sadd.s32 s9, s2  }
0x16: {  	vm1 =	vmxor vm1, vm1;
	vm2 =	vmmov $0x1;
	vm3 =	vcmask $0x3F3C;
	p0 =	por $0x0, $0x0;
	s11 =	sadd.s32 $0x1, s9;
	s12 =	sadd.s32 $0x2, s9  }
.LBB2_9:
0x17: {  	p1 =	slt.u32 s24, $0x3  }
0x18: {  	s0 =	simm.s32 @!p1 $0x2  }
0x19: {  	_ =	swait.ge @!p1 [sflag:s0], $0x320  }
0x1a: {  	[sflag:s0] =	ssyncset.done @!p1 $0x0  }
0x1b: {  	[sflag:s0] =	ssyncadd.s32 @!p1 $0xFFFFFCE0;
	s0 =	simm.s32 @!p1 $0x9  }
0x1c: {  	_ =	swait.ge @!p1 [sflag:s0], $0x10  }
0x1d: {  	[sflag:s0] =	ssyncset.done @!p1 $0x0  }
0x1e: {  	[sflag:s0] =	ssyncadd.s32 @!p1 $0xFFFFFFF0;
	p1 =	sne.s32 s24, s12  }
.Ltmp1:
0x1f: {  	s2 =	sadd.s32 $0x320, s23;
	(pc) =	sbr.rel @!p1 .LBB2_10-.Ltmp1, $4  }
0x20: {  	s6 =	smov.u32 s3;
	s31 =	sadd.s32 $0x1, s24;
	s17 =	sadd.s32 $0x320, s17  }
0x21: {  	s18 =	sadd.s32 $0x1, s18;
	s25 =	smov.u32 s23;
	p2 =	slt.s32 s2, s4  }
0x22: {  	p0 =	por !p0, !p0;
	s19 =	sadd.s32 $0x320, s19;
	s6 =	smov.u32 @p2 s2  }
0x23: {  	s20 =	sadd.s32 $0x1, s20;
	s23 =	smov.u32 s6;
	s24 =	smov.u32 s31  }
.LBB2_1:
0x24: {  	p1 =	sge.u32 s24, s9  }
0x25: {  	s0 =	smulhi.u32 @!p1 $0xAAAAAAAB, s24;
	_ =	sdelay $0x1  }
0x26: {  	s0 =	sshrl.u32 @!p1 s0, $0x1  }
0x27: {  	s0 =	smul.u32 @!p1 $0x3, s0;
	_ =	sdelay $0x1  }
0x28: {  	s0 =	ssub.s32 @!p1 s24, s0  }
0x29: {  	s0 =	smul.u32 @!p1 $0xC80, s0;
	_ =	sdelay $0x1  }
0x2a: {  	s2 =	sshrl.u32 @!p1 s23, $0x3;
	s0 =	sshrl.u32 @!p1 s0, $0x2  }
0x2b: {  	s6 =	sand.u32 @!p1 $0x7, s23;
	s2 =	sadd.s32 @!p1 s5, s2;
	s0 =	sadd.s32 @!p1 $0x100, s0  }
0x2c: {  	[tilespmem:s0], [sflag:$0x7] =	stream.linear.gather @!p1 [hbm4b:s2+s6], $0x320, $0x38;
	[tilespmem:$0x1D40] =	vst v63  }
0x2d: {  	s0 =	sadd.s32 $0xFFFFFFFF, s24  }
0x2e: {  	p1 =	sge.u32 s0, s9  }
.Ltmp2:
0x2f: {  	_ = 	snop;
	(pc) =	sbr.rel @p1 .LBB2_5-.Ltmp2, $1  }
0x30: {  	_ =	sdelay $0x3  }
0x31: {  	s2 =	smulhi.u32 $0xAAAAAAAB, s0;
	_ =	sdelay $0x1  }
0x32: {  	s2 =	sshrl.u32 s2, $0x1  }
0x33: {  	s2 =	smul.u32 $0x3, s2;
	_ =	sdelay $0x1  }
0x34: {  	s2 =	ssub.s32 s0, s2  }
0x35: {  	s2 =	smul.u32 $0xC80, s2  }
0x36: {  	_ =	swait.ge [sflag:s7], $0x320  }
0x37: {  	[sflag:s7] =	ssyncset.done $0x0;
	s2 =	sshrl.u32 s2, $0x2  }
0x38: {  	[sflag:s7] =	ssyncadd.s32 $0xFFFFFCE0;
	(ifvalue) =	ssetifvalue $0xFFFFFFFF;
	v3 =	vld.msk [tilespmem:s2+$0x100 ss:$0x1], $0xffff;
	_ =	sdelay $0x2  }
0x39: {  	s30 =	smulhi.u32 $0xAAAAAAAB, s18;
	p1 =	sne.s32 s24, $0x1  }
0x3a: {  	v4 =	vimm.s32 @!p1 $0x0  }
0x3b: {  	s2 =	sshrl.u32 s30, $0x1;
	v4 =	vperm.xlane @!p1 v3, v4  }
0x3c: {  	s6 =	sshll.u32 s24, $0x4;
	s2 =	smul.u32 $0xFFFFDA80, s2;
	vm4 =	vlt.u32 v3, $0x800  }
0x3d: {  	s6 =	sand.u32 $0x10, s6;
	v3 =	vnsel vm4, $0xFFFFFFFE, v3;
	vm4 =	vlt.u32 @!p1 v4, $0x800  }
0x3e: {  	s2 =	sshra.s32 s2, $0x2;
	[tilespmem:s6+$0x60] =	vst v3;
	v3 =	vnsel @!p1 vm4, $0xFFFFFFFE, v4  }
0x3f: {  	s26 =	sadd.s32 s2, s17;
	[tilespmem:$0x80] =	vst @!p1 v3  }
0x40: {  	v3 =	vld.msk [tilespmem:s26+$0x0 ss:$0x1], $0xffff;
	_ =	sdelay $0x4  }
0x41: {  	(xrf1) =	vunique.msk.u32 $0xffff, v3;
	_ =	sdelay $0xd  }
0x42: {  	v4 =	vimm.s32 $0xFFFFFFFF;
	v5, _, _ =	vpop (xrf1)  }
0x43: {  	vm5 =	vne.s32 v3, v4;
	vm4 =	veq.s32 v5, v2  }
0x44: {  	vm6 =	vlt.u32 v3, $0x800;
	vm4 =	vmand vm5, vm4  }
0x45: {  	vm4 =	vmand vm6, vm4  }
0x46: {  	v4 =	vnsel vm4, $0xFFFFFFFF, v3  }
0x47: {  	s31 =	sand.u32 $0x1, s0  }
0x48: {  	s0 =	simm.s32 $0x320;
	p1 =	seq.s32 s31, $0x1  }
0x49: {  	s0 =	simm.s32 @!p1 $0x0  }
0x4a: {  	s2 =	sadd.s32 $0xD70, s0;
	(ifvalue) =	ssetifvalue $0xFFFFFFFF  }
0x4b: {  	v3 =	vperm.xlane v3, v1;
	[tilespmem:s2], [sflag:$0x8] =	stream.indirect_vreg.gather [hbm4b:s1+s16], $0x1, v4, vm0, $0x4038;
	v4 =	vnsel vm6, $0xFFFFFFFE, v4;
	[tilespmem:$0x1D40] =	vst v63  }
0x4c: {  	s22 =	sadd.s32 $0xFFFFFFF0, s26;
	s6 =	simm.s32 $0x0;
	[tilespmem:s26+$0x0] =	vst v4  }
.LBB2_3:
0x4d: {  	v4 =	vld.msk [tilespmem:s22+$0x0 ss:$0x1], $0xffff;
	s6 =	sadd.s32 $0x10, s6;
	v5 =	vmov v3;
	s26 =	smov.u32 s22  }
0x4e: {  	p1 =	slt.u32 s6, $0x310;
	_ =	sdelay $0x4  }
0x4f: {  	v3 =	vperm.xlane v4, v1;
	(xrf1) =	vunique.msk.u32 $0xffff, v4;
	_ =	sdelay $0xd  }
0x50: {  	v6, _, _ =	vpop (xrf1)  }
0x51: {  	vm5 =	vne.s32 v4, v5;
	vm4 =	veq.s32 v6, v2  }
0x52: {  	vm6 =	vlt.u32 v4, $0x800;
	vm4 =	vmand vm5, vm4  }
0x53: {  	vm4 =	vmand vm6, vm4  }
0x54: {  	v4 =	vnsel vm4, $0xFFFFFFFF, v4  }
.Ltmp3:
0x55: {  	v5 =	vnsel vm6, $0xFFFFFFFE, v4;
	(pc) =	sbr.rel @p1 .LBB2_3-.Ltmp3, $3  }
0x56: {  	_ =	sdelay $0x1  }
0x57: {  	s22 =	sadd.s32 $0xFFFFFFF0, s22;
	s2 =	sadd.s32 $0xFFFFFFF0, s2;
	(ifvalue) =	ssetifvalue $0xFFFFFFFF  }
0x58: {  	[tilespmem:s2], [sflag:$0x8] =	stream.indirect_vreg.gather [hbm4b:s1+s16], $0x1, v4, vm0, $0x4038;
	[tilespmem:s26+$0x0] =	vst v5  }
0x59: {  	s2 =	sshrl.u32 s25, $0x3;
	s6 =	rddreg [dreg:$0x2]  }
0x5a: {  	s0 =	sadd.s32 $0x10A0, s0;
	s2 =	sadd.s32 s6, s2  }
0x5b: {  	[tilespmem:s0], [sflag:$0x8] =	stream.linear.gather [hbm:s2], $0x320, $0x38;
	[tilespmem:$0x1D40] =	vst v63  }
.LBB2_5:
0x5c: {  	p1 =	slt.u32 s24, $0x2  }
0x5d: {  	p2 =	sge.u32 @!p1 s24, s12  }
0x5e: {  	p1 =	por p1, p2  }
.Ltmp4:
0x5f: {  	_ = 	snop;
	(pc) =	sbr.rel @p1 .LBB2_9-.Ltmp4, $1  }
0x60: {  	_ =	sdelay $0x3  }
0x61: {  	s0 =	sadd.s32 $0xFFFFFFFE, s24  }
0x62: {  	s2 =	smulhi.u32 $0xAAAAAAAB, s0;
	_ =	sdelay $0x1  }
0x63: {  	s2 =	sshrl.u32 s2, $0x1  }
0x64: {  	s2 =	smul.u32 $0x3, s2;
	_ =	sdelay $0x1  }
0x65: {  	s0 =	ssub.s32 s0, s2  }
0x66: {  	_ =	swait.ge [sflag:s8], $0x640;
	s0 =	smul.u32 $0x320, s0  }
0x67: {  	p1 =	sne.s32 s24, s11;
	[sflag:s8] =	ssyncset.done $0x0  }
0x68: {  	[sflag:s8] =	ssyncadd.s32 $0xFFFFF9C0;
	s2 =	sadd.s32 @!p1 $0x41F, s0  }
0x69: {  	[spmem:s13] =	stream.linear.scatter @!p1 [tilespmem:s2], [sflag:$0x1], $0x1, $0x38;
	[tilespmem:$0x1D40] =	vst v63  }
0x6a: {  	s2 =	simm.s32 @!p1 $0x1  }
0x6b: {  	_ =	swait.ge @!p1 [sflag:s2], $0x1  }
0x6c: {  	s6 =	sshll.u32 s24, $0x4;
	[sflag:s2] =	ssyncset.done @!p1 $0x0  }
0x6d: {  	s25 =	sand.u32 $0x10, s6;
	[sflag:s2] =	ssyncadd.s32 @!p1 $0xFFFFFFFF  }
0x6e: {  	s2 =	sxor.u32 $0x10, s25;
	v4 =	vld [tilespmem:s25+$0x10]  }
0x6f: {  	v5 =	vld [tilespmem:s2+$0x60]  }
0x70: {  	v3 =	vld [tilespmem:$0x80];
	_ =	sdelay $0x2  }
0x71: {  	(v2sf) =	vpush v4, $0x0  }
0x72: {  	(v2sf) =	vpush v5, $0x0  }
0x73: {  	(v2sf) =	vpush v3, $0x0;
	_ =	sdelay $0xc  }
0x74: {  	s26 =	spop (v2sf)  }
0x75: {  	s22 =	spop (v2sf)  }
0x76: {  	s28 =	spop (v2sf)  }
0x77: {  	p3 =	seq.s32 s26, s22;
	p2 =	seq.s32 s28, s26  }
0x78: {  	p2 =	por p3, p2  }
0x79: {  	s26 =	sand.u32 $0x1, s24;
	v4 =	vpsel p2, $0xFFFFFFFF, v4  }
0x7a: {  	s29 =	smul.u32 $0x320, s26;
	[tilespmem:s25+$0x10] =	vst.msk $0x1, v4  }
0x7b: {  	v4 =	vld [tilespmem:$0x30]  }
0x7c: {  	v5 =	vld [tilespmem:s29+$0x10A0]  }
0x7d: {  	v6 =	vld [tilespmem:s25+$0x40];
	_ =	sdelay $0x3  }
0x7e: {  	vm4 =	vmmov vm1;
	vm6 =	vmmov vm2;
	vm5 =	vgt.s32 v4, v5  }
0x7f: {  	vm4 =	vmmov @p3 vm2;
	s6 =	sshll.u32 s26, $0x4;
	v5 =	vsel vm5, v4, v5;
	vm5 =	vgt.s32 v4, v6  }
0x80: {  	vm6 =	vmmov @p2 vm1;
	s26 =	sor.u32 $0x1D20, s6;
	v4 =	vsel vm5, v4, v6;
	[tilespmem:s29+$0x10A0] =	vst.msk vm4, v5  }
0x81: {  	[tilespmem:s26+$0x0] =	vst.msk vm6, v4  }
0x82: {  	v4 =	vld [tilespmem:s29+$0xD70];
	_ =	sdelay $0x4  }
0x83: {  	v4 =	vshift.insert v4, v1, s21  }
0x84: {  	s22 =	sor.u32 $0x40, s2  }
0x85: {  	v5 =	vimm.s32 $0x80000000;
	[tilespmem:s22+$0x0] =	vst.msk $0x1, v4  }
0x86: {  	[tilespmem:s29+$0xD7F] =	vst.msk $0x1, v5  }
0x87: {  	v4 =	vld [tilespmem:s0+$0x410];
	_ =	sdelay $0x1  }
0x88: {  	s0 =	simm.s32 $0x1  }
0x89: {  	s22 =	smulhi.u32 $0xAAAAAAAB, s20;
	s0 =	simm.s32 @!p0 $0x0  }
0x8a: {  	s0 =	smul.u32 $0xC80, s0  }
0x8b: {  	s6 =	sshrl.u32 s22, $0x1;
	v4 =	vshift.insert v4, v1, s21  }
0x8c: {  	s6 =	smul.u32 $0xFFFFDA80, s6;
	s0 =	sshrl.u32 s0, $0x2  }
0x8d: {  	s22 =	sadd.s32 $0x10A0, s0;
	[tilespmem:s2+$0x10] =	vst.msk $0x1, v4  }
0x8e: {  	s6 =	sshra.s32 s6, $0x2;
	v6 =	vld [tilespmem:s22+$0x0]  }
0x8f: {  	s2 =	sadd.s32 s6, s19  }
0x90: {  	v7 =	vld [tilespmem:s2+$0x0];
	_ =	sdelay $0x2  }
0x91: {  	vm4 =	vgt.s32 v6, v5  }
0x92: {  	v5 =	vsel vm4, v6, v5  }
0x93: {  	vm4 =	vne.s32 v7, $0xFFFFFFFF;
	v5 =	vxor.u32 $0x80000000, v5  }
0x94: {  	(xrf0) =	vmax.seg.scan.u32 vm4, v5  }
0x95: {  	s6 =	sadd.s32 $0xA60, s0  }
0x96: {  	v8 =	vld [tilespmem:s6+$0x0]  }
0x97: {  	v6 =	vld [tilespmem:$0xA0];
	_ =	sdelay $0x2  }
0x98: {  	v5 =	vperm.xlane v4, v1;
	v9, _, _ =	vpop (xrf0)  }
0x99: {  	vm6 =	veq.s32 v7, v3;
	v9 =	vxor.u32 $0x80000000, v9  }
0x9a: {  	vm8 =	veq.s32 v7, v5;
	vm5 =	veq.s32 v6, $0x1;
	vm7 =	vgt.s32 v9, v8  }
0x9b: {  	vm8 =	vmor vm8, vm6;
	v6 =	vsel vm7, v9, v8;
	vm7 =	vgt.u32 v7, $0xFFFFFFFD  }
0x9c: {  	v10 =	vld [tilespmem:$0x90];
	vm9 =	vmand vm4, vm3;
	vm4 =	vmor vm5, vm6;
	vm5 =	vmor vm8, vm7  }
0x9d: {  	v8 =	vsel vm5, $0xFFFFFFFF, v7;
	_ =	sdelay $0x1  }
0x9e: {  	s31 =	simm.s32 $0x0  }
0x9f: {  	s30 =	sadd.s32 $0x16E0, s0;
	s0 =	sadd.s32 $0x10, s22;
	s2 =	sadd.s32 $0x10, s2;
	v11 =	vsel vm9, $0x80000000, v9;
	v6 =	vsel vm6, v9, v6  }
0xa0: {  	s22 =	sadd.s32 $0x10, s30;
	s6 =	sadd.s32 $0x10, s6;
	[tilespmem:s30+$0x0] =	vst v6;
	v6 =	vsel vm6, v9, v10;
	v7 =	vshift.insert v11, v0, s21;
	(ifvalue) =	ssetifvalue $0xFFFFFFFF  }
.LBB2_7:
0xa1: {  	[hbm4b:s1+s16] =	stream.indirect_vreg.scatter [tilespmem:s30], [sflag:$0x2], $0x1, v8, vm0, $0x4038;
	[tilespmem:$0x1D40] =	vst v63  }
0xa2: {  	s31 =	sadd.s32 $0x10, s31;
	s30 =	smov.u32 s22;
	v8 =	vld [tilespmem:s0+$0x0]  }
0xa3: {  	p2 =	slt.u32 s31, $0x310  }
0xa4: {  	v9 =	vld [tilespmem:s2+$0x0];
	_ =	sdelay $0x2  }
0xa5: {  	vm5 =	vgt.s32 v8, v7  }
0xa6: {  	v7 =	vsel vm5, v8, v7  }
0xa7: {  	vm5 =	vne.s32 v9, $0xFFFFFFFF;
	v7 =	vxor.u32 $0x80000000, v7  }
0xa8: {  	(xrf0) =	vmax.seg.scan.u32 vm5, v7;
	_ =	sdelay $0x2  }
0xa9: {  	v7 =	vld [tilespmem:s6+$0x0];
	_ =	sdelay $0x1  }
0xaa: {  	vm6 =	veq.s32 v9, v3;
	vm7 =	veq.s32 v9, v5  }
0xab: {  	vm8 =	vgt.u32 v9, $0xFFFFFFFD;
	vm4 =	vmor vm4, vm6;
	vm7 =	vmor vm7, vm6;
	v8, _, _ =	vpop (xrf0)  }
0xac: {  	vm5 =	vmand vm5, vm3;
	vm7 =	vmor vm7, vm8;
	v10 =	vxor.u32 $0x80000000, v8  }
.Ltmp5:
0xad: {  	v8 =	vsel vm7, $0xFFFFFFFF, v9;
	vm7 =	vgt.s32 v10, v7;
	v9 =	vsel vm5, $0x80000000, v10;
	(pc) =	sbr.rel @p2 .LBB2_7-.Ltmp5, $4  }
0xae: {  	v6 =	vsel vm6, v10, v6;
	v11 =	vsel vm7, v10, v7;
	v7 =	vshift.insert v9, v0, s21  }
0xaf: {  	v9 =	vsel vm6, v10, v11  }
0xb0: {  	s0 =	sadd.s32 $0x10, s0;
	s2 =	sadd.s32 $0x10, s2;
	[tilespmem:s22+$0x0] =	vst v9  }
0xb1: {  	s6 =	sadd.s32 $0x10, s6;
	s22 =	sadd.s32 $0x10, s22;
	(ifvalue) =	ssetifvalue $0xFFFFFFFF  }
0xb2: {  	_ =	sdelay $0x3  }
0xb3: {  	[hbm4b:s1+s16] =	stream.indirect_vreg.scatter [tilespmem:s30], [sflag:$0x2], $0x1, v8, vm0, $0x4038;
	[tilespmem:$0x1D40] =	vst v63  }
0xb4: {  	v3 =	vld [tilespmem:s29+$0x19F0];
	_ =	sdelay $0x4  }
0xb5: {  	v3 =	vshift.insert v3, v1, s21  }
0xb6: {  	s0 =	simm.s32 $0x30  }
0xb7: {  	[tilespmem:s0+$0x0] =	vst.msk $0x1, v3  }
0xb8: {  	v3 =	vsel vm4, $0x1, v1;
	[tilespmem:$0x90] =	vst v6  }
0xb9: {  	s0 =	sadd.s32 @!p1 $0x19FF, s29;
	[tilespmem:$0xA0] =	vst v3  }
0xba: {  	[spmem:s14] =	stream.linear.scatter @!p1 [tilespmem:s0], [sflag:$0x1], $0x1, $0x38;
	[tilespmem:$0x1D40] =	vst v63  }
0xbb: {  	s0 =	simm.s32 @!p1 $0x1  }
0xbc: {  	v3 =	vmctz.xlane @!p1 vm4;
	_ =	swait.ge @!p1 [sflag:s0], $0x1  }
0xbd: {  	(v2sf) =	vpush @!p1 v4, $0x0  }
0xbe: {  	(v2sf) =	vpush @!p1 v3, $0x0;
	_ =	sdelay $0xd  }
0xbf: {  	s2 =	spop @!p1 (v2sf)  }
0xc0: {  	s6 =	spop @!p1 (v2sf)  }
0xc1: {  	p2 =	sne.s32 @!p1 s28, s2;
	p3 =	slt.s32 @!p1 s6, $0xF  }
0xc2: {  	[sflag:s0] =	ssyncset.done @!p1 $0x0;
	p2 =	por p2, p1;
	p3 =	por !p3, p1  }
0xc3: {  	[sflag:s0] =	ssyncadd.s32 @!p1 $0xFFFFFFFF;
	v3 =	vimm.s32 @!p2 $0xFFFFFFFF;
	s6 =	simm.s32 @p3 $0xF  }
0xc4: {  	[tilespmem:$0x80] =	vst @!p2 v3;
	s2 =	sadd.s32 @!p1 $0x90, s6  }
0xc5: {  	[spmem:s10] =	stream.linear.scatter @!p1 [tilespmem:s2], [sflag:$0x1], $0x1, $0x38;
	[tilespmem:$0x1D40] =	vst v63  }
0xc6: {  	_ =	swait.ge @!p1 [sflag:s0], $0x1  }
0xc7: {  	[sflag:s0] =	ssyncset.done @!p1 $0x0  }
0xc8: {  	s2 =	simm.s32 @!p1 $0x80;
	[sflag:s0] =	ssyncadd.s32 @!p1 $0xFFFFFFFF  }
0xc9: {  	[spmem:s15] =	stream.linear.scatter @!p1 [tilespmem:s2], [sflag:$0x1], $0x1, $0x38;
	[tilespmem:$0x1D40] =	vst v63  }
0xca: {  	_ =	swait.ge @!p1 [sflag:s0], $0x1  }
0xcb: {  	[sflag:s0] =	ssyncset.done @!p1 $0x0  }
0xcc: {  	[sflag:s0] =	ssyncadd.s32 @!p1 $0xFFFFFFFF;
	(ifvalue) =	ssetifvalue $0xFFFFFFFF;
	v3 =	vld [tilespmem:s25+$0x10];
	_ =	sdelay $0x3  }
.Ltmp6:
0xcd: {  	_ = 	snop;
	(pc) =	sbr.rel .LBB2_9-.Ltmp6, $3  }
0xce: {  	_ =	sdelay $0x1  }
0xcf: {  	(ifvalue) =	ssetifvalue $0xFFFFFFFF  }
0xd0: {  	[hbm4b:s1+s16] =	stream.indirect_vreg.scatter [tilespmem:s26], [sflag:$0x9], $0x1, v3, vm0, $0x4038;
	[tilespmem:$0x1D40] =	vst v63  }
.LBB2_10:
0xd1: {  	_ =	sfence.sel $0x180000  }
0xd2: {  	s0 =	simm.s32 $0x7;
	[bflag:$0x0] =	sbarrier.arrive $0xFFFF  }
0xd3: {  	s26 =	simm.s32 $0x8;
	[sflag:s0] =	ssyncpa.u1 $0x1  }
0xd4: {  	s28 =	simm.s32 $0x9;
	[sflag:s26] =	ssyncpa.u1 $0x1  }
0xd5: {  	[sflag:s28] =	ssyncpa.u1 $0x1  }
0xd6: {  	_ =	sfence.stream.spmem  }
0xd7: {  	s29 =	simm.s32 $0x3;
	[bflag:$0x0] =	sbarrier.arrive $0xFFFF  }
0xd8: {  	s30 =	simm.s32 $0x4;
	[sflag:s29] =	ssyncpa.u1 $0x1  }
0xd9: {  	s31 =	simm.s32 $0x3C;
	s2 =	stileid.u32;
	[sflag:s30] =	ssyncpa.u1 $0x1  }
0xda: {  	p0 =	sne.s32 s2, $0x0;
	[sflag:s31] =	ssyncpa.u1 $0x1  }
0xdb: {  	s0 =	simm.s32 @p0 $0x1;
	_ =	sfence @p0  }
0xdc: {  	[sflag:s0] =	ssyncpa.u1 @p0 $0x1;
	s0 =	simm.s32 @p0 $0x2  }
0xdd: {  	[sflag:s0] =	ssyncpa.u1 @p0 $0x1  }
0xde: {  	_ =	strace @p0 $0x90000047  }
0xdf: {  	[bflag:$0x2] =	sbarrier.arrive @p0 $0xFFFF  }
0xe0: {  	_ =	shalt @p0  }
.LBB2_11:
0xe1: {  	_ =	sfence.stream.spmem;
	s0 =	simm.s32 $0x5  }
0xe2: {  	s2 =	simm.s32 $0x80;
	s3 =	simm.s32 $0xC0;
	[sflag:s0] =	ssyncpa.u1 $0x0  }
0xe3: {  	[tilespmem:s3], [sflag:$0x5] =	stream.linear.gather [spmem:s2], $0x20, $0x38;
	[tilespmem:$0x1D40] =	vst v63  }
0xe4: {  	s30 =	simm.s32 $0xE0;
	s2 =	simm.s32 $0x0  }
0xe5: {  	[tilespmem:s30], [sflag:$0x5] =	stream.linear.gather [spmem:s2], $0x20, $0x38;
	[tilespmem:$0x1D40] =	vst v63  }
.Ltmp7:
0xe6: {  	_ = 	snop;
	(pc) =	sbr.rel .LBB2_12-.Ltmp7, $4  }
0xe7: {  	_ =	swait.ge [sflag:s0], $0x40  }
0xe8: {  	[sflag:s0] =	ssyncset.done $0x0  }
0xe9: {  	s31 =	simm.s32 $0x6;
	[sflag:s0] =	ssyncadd.s32 $0xFFFFFFC0  }
0xea: {  	s3 =	simm.s32 $0x0;
	[sflag:s31] =	ssyncpa.u1 $0x0  }
.LBB2_17:
0xeb: {  	p0 =	sgt.u32 s4, $0x7FF  }
0xec: {  	s0 =	sshrl.u32 @!p0 s4, $0x3  }
0xed: {  	s4 =	sand.u32 @!p0 $0x7, s4;
	s5 =	simm.s32 @!p0 $0xB0;
	s0 =	sadd.s32 @!p0 s1, s0  }
0xee: {  	[tilespmem:s5], [sflag:$0x6] =	stream.linear.gather @!p0 [hbm4b:s0+s4], $0x1, $0x38;
	[tilespmem:$0x1D40] =	vst v63  }
0xef: {  	s0 =	simm.s32 @!p0 $0x6  }
0xf0: {  	_ =	swait.ge @!p0 [sflag:s0], $0x1  }
0xf1: {  	[sflag:s0] =	ssyncset.done @!p0 $0x0  }
0xf2: {  	[sflag:s0] =	ssyncadd.s32 @!p0 $0xFFFFFFFF  }
0xf3: {  	v1 =	vld.msk @!p0 [tilespmem:$0xB0], $0x1  }
0xf4: {  	v2 =	vld.msk @!p0 [tilespmem:s3+$0xE0], $0x1;
	_ =	sdelay $0x4  }
0xf5: {  	vm0 =	vgt.s32 @!p0 v2, v1  }
0xf6: {  	v1 =	vsel @!p0 vm0, v2, v1  }
0xf7: {  	[tilespmem:s3+$0xE0] =	vst.msk @!p0 $0x1, v1  }
0xf8: {  	[tilespmem:s2+$0xC0] =	vst.msk $0x1, v0  }
0xf9: {  	v0 =	vld.msk [tilespmem:s3+$0xE0], $0x1;
	_ =	sdelay $0x4  }
0xfa: {  	[tilespmem:s2+$0xE0] =	vst.msk $0x1, v0;
	s2 =	sadd.s32 $0x1, s2  }
.LBB2_19:
0xfb: {  	s3 =	sadd.s32 $0x1, s3  }
0xfc: {  	p0 =	sne.s32 s3, $0x20  }
.Ltmp8:
0xfd: {  	_ = 	snop;
	(pc) =	sbr.rel @!p0 .LBB2_20-.Ltmp8, $1  }
0xfe: {  	_ =	sdelay $0x3  }
.LBB2_12:
0xff: {  	v0 =	vld.msk [tilespmem:s3+$0xC0], $0x1;
	_ =	sdelay $0x4  }
0x100: {  	(v2sf) =	vpush v0, $0x0;
	_ =	sdelay $0xe  }
0x101: {  	s4 =	spop (v2sf)  }
0x102: {  	p0 =	seq.s32 s4, $0xFFFFFFFF  }
.Ltmp9:
0x103: {  	_ = 	snop;
	(pc) =	sbr.rel @p0 .LBB2_19-.Ltmp9, $1  }
0x104: {  	_ =	sdelay $0x3  }
0x105: {  	p0 =	slt.s32 s2, $0x1  }
.Ltmp10:
0x106: {  	_ = 	snop;
	(pc) =	sbr.rel @p0 .LBB2_17-.Ltmp10, $1  }
0x107: {  	_ =	sdelay $0x3  }
0x108: {  	s0 =	simm.s32 $0xC0;
	p0 =	por $0x0, $0x0  }
0x109: {  	v1 =	vld.msk @!p0 [tilespmem:s0+$0x0], $0x1;
	_ =	sdelay $0x4  }
0x10a: {  	(v2sf) =	vpush @!p0 v1, $0x0;
	_ =	sdelay $0xd  }
0x10b: {  	p2 =	sne.s32 s2, $0x1  }
.Ltmp11:
0x10c: {  	s5 =	spop @!p0 (v2sf);
	(pc) =	sbr.rel @!p2 .LBB2_16-.Ltmp11, $4  }
0x10d: {  	p1 =	seq.s32 @!p0 s4, s5  }
0x10e: {  	s5 =	simm.s32 $0x0;
	p1 =	por !p1, p0  }
0x10f: {  	s7 =	simm.s32 $0xFFFFFFFF;
	s5 =	simm.s32 @p1 $0xFFFFFFFF  }
0x110: {  	s6 =	simm.s32 $0x1;
	s5 =	smov.u32 @p0 s7  }
.LBB2_15:
0x111: {  	s7 =	smov.u32 s5;
	p0 =	sne.s32 s5, $0xFFFFFFFF  }
0x112: {  	s0 =	sadd.s32 $0x1, s0;
	s5 =	smov.u32 s6;
	s6 =	sadd.s32 $0x1, s6  }
0x113: {  	p1 =	sne.s32 s2, s6;
	v1 =	vld.msk @!p0 [tilespmem:s0+$0x0], $0x1;
	_ =	sdelay $0x4  }
0x114: {  	(v2sf) =	vpush @!p0 v1, $0x0;
	_ =	sdelay $0xe  }
.Ltmp12:
0x115: {  	s8 =	spop @!p0 (v2sf);
	(pc) =	sbr.rel @p1 .LBB2_15-.Ltmp12, $4  }
0x116: {  	p2 =	seq.s32 @!p0 s4, s8  }
0x117: {  	p2 =	por !p2, p0  }
0x118: {  	s5 =	simm.s32 @p2 $0xFFFFFFFF  }
0x119: {  	s5 =	smov.u32 @p0 s7  }
.LBB2_16:
0x11a: {  	p0 =	sne.s32 s5, $0xFFFFFFFF  }
.Ltmp13:
0x11b: {  	_ = 	snop;
	(pc) =	sbr.rel @!p0 .LBB2_17-.Ltmp13, $1  }
0x11c: {  	_ =	sdelay $0x3  }
0x11d: {  	v0 =	vld.msk [tilespmem:s3+$0xE0], $0x1  }
0x11e: {  	v1 =	vld.msk [tilespmem:s5+$0xE0], $0x1;
	_ =	sdelay $0x2  }
.Ltmp14:
0x11f: {  	_ = 	snop;
	(pc) =	sbr.rel .LBB2_19-.Ltmp14, $4  }
0x120: {  	_ = 	snop  }
0x121: {  	vm0 =	vgt.s32 v1, v0  }
0x122: {  	v0 =	vsel vm0, v1, v0  }
0x123: {  	[tilespmem:s5+$0xE0] =	vst.msk $0x1, v0  }
.LBB2_20:
0x124: {  	p0 =	slt.s32 s2, $0x1  }
.Ltmp15:
0x125: {  	_ = 	snop;
	(pc) =	sbr.rel @p0 .LBB2_24-.Ltmp15, $3  }
0x126: {  	_ =	sdelay $0x1  }
0x127: {  	s0 =	simm.s32 $0x6  }
0x128: {  	s3 =	simm.s32 $0x0;
	[sflag:s0] =	ssyncpa.u1 $0x1  }
0x129: {  	s0 =	simm.s32 $0xC0  }
0x12a: {  	v0 =	vld.msk [tilespmem:s0+$0x0], $0x1;
	_ =	sdelay $0x4  }
0x12b: {  	(v2sf) =	vpush v0, $0x0;
	_ =	sdelay $0xe  }
0x12c: {  	s2 =	sadd.s32 $0xFFFFFFFF, s2;
	s4 =	spop (v2sf)  }
0x12d: {  	p1 =	sne.s32 s2, $0x0;
	p0 =	sgt.u32 s4, $0x7FF  }
.Ltmp16:
0x12e: {  	s5 =	sshrl.u32 @!p0 s4, $0x3;
	(pc) =	sbr.rel @!p1 .LBB2_23-.Ltmp16, $4  }
0x12f: {  	s0 =	simm.s32 $0xE0;
	s4 =	sand.u32 @!p0 $0x7, s4;
	s5 =	sadd.s32 @!p0 s1, s5  }
0x130: {  	[hbm4b:s5+s4] =	stream.linear.scatter @!p0 [tilespmem:s0], [sflag:$0x5], $0x1, $0x38;
	[tilespmem:$0x1D40] =	vst v63  }
0x131: {  	s5 =	simm.s32 $0x0  }
0x132: {  	s4 =	simm.s32 $0xC1;
	s5 =	simm.s32 @!p0 $0x4  }
.LBB2_22:
0x133: {  	v0 =	vld.msk [tilespmem:s4+$0x0], $0x1;
	s2 =	sadd.s32 $0xFFFFFFFF, s2;
	s3 =	sadd.s32 s3, s5  }
0x134: {  	p0 =	sne.s32 s2, $0x0;
	_ =	sdelay $0x3  }
0x135: {  	(v2sf) =	vpush v0, $0x0;
	_ =	sdelay $0xe  }
.Ltmp17:
0x136: {  	s6 =	spop (v2sf);
	(pc) =	sbr.rel @p0 .LBB2_22-.Ltmp17, $4  }
0x137: {  	s5 =	simm.s32 $0x0;
	p1 =	sgt.u32 s6, $0x7FF  }
0x138: {  	s0 =	sadd.s32 $0x1, s0;
	s5 =	simm.s32 @!p1 $0x4;
	s7 =	sshrl.u32 @!p1 s6, $0x3  }
0x139: {  	s4 =	sadd.s32 $0x1, s4;
	s6 =	sand.u32 @!p1 $0x7, s6;
	s7 =	sadd.s32 @!p1 s1, s7  }
0x13a: {  	[hbm4b:s7+s6] =	stream.linear.scatter @!p1 [tilespmem:s0], [sflag:$0x5], $0x1, $0x38;
	[tilespmem:$0x1D40] =	vst v63  }
.LBB2_23:
0x13b: {  	s0 =	sadd.s32 s3, s5  }
0x13c: {  	s3 =	sshrl.u32 s0, $0x2  }
.LBB2_24:
0x13d: {  	s0 =	simm.s32 $0x5  }
0x13e: {  	_ =	swait.ge [sflag:s0], s3  }
0x13f: {  	s1 =	ssub.s32 $0x0, s3;
	[sflag:s0] =	ssyncset.done $0x0  }
0x140: {  	[sflag:s0] =	ssyncadd.s32 s1  }
0x141: {  	[sflag:s0] =	ssyncpa.u1 $0x1  }
0x142: {  	s29 =	simm.s32 $0x1;
	_ =	sfence  }
0x143: {  	s30 =	simm.s32 $0x2;
	[sflag:s29] =	ssyncpa.u1 $0x1  }
0x144: {  	[sflag:s30] =	ssyncpa.u1 $0x1  }
0x145: {  	_ =	strace $0x90000047  }
0x146: {  	[bflag:$0x2] =	sbarrier.arrive $0xFFFF  }
0x147: {  	s31 =	rddreg [dreg:$0x1]  }
0x148: {  	s0 =	sadd.s32 $0x100000, s31  }
0x149: {  	[sflag:s0] =	ssyncadd.tile.s32 $0x1;
	_ =	shalt  }
.Lfunc_end2:
_tile_overlayer_lowered:
.L_overlay_start_2:
0x14a: {  	(tag) =	ssettag $0x2  }
0x14b: {  	s0 =	rddreg [dreg:$0x0];
	s2 =	stileid.u32  }
0x14c: {  	s1 =	rddreg [dreg:$0x1];
	p0 =	sne.s32 s2, $0x0  }
0x14d: {  	s3 =	rddreg [dreg:$0x2];
	[bflag:$0x3] =	sbarrier.arrive $0xFFFF;
	s2 =	simm.s32 @!p0 $0x1C01  }
0x14e: {  	[timem:s3], [sflag:s2] =	dma.local @!p0 [hbm:s0], s1  }
0x14f: {  	s0 =	simm.s32 @!p0 $0x1  }
0x150: {  	_ =	swait.ge @!p0 [sflag:s0], s1  }
0x151: {  	s1 =	ssub.s32 @!p0 $0x0, s1;
	[sflag:s0] =	ssyncset.done @!p0 $0x0  }
0x152: {  	[sflag:s0] =	ssyncadd.s32 @!p0 s1  }
0x153: {  	[bflag:$0x3] =	sbarrier.arrive $0xFFFF  }
0x154: {  	_ =	shalt  }

</sc_bundles>
